<compile_context>
chip_gen: v7x
topology: tpu7x:2x2x1
jax: 0.10.2.dev20260603
libtpu: 0.0.44.dev20260713+nightly
codegen_flags: <defaults>
</compile_context>

<pallas_src>
import functools

import jax
import jax.numpy as jnp
from jax import lax
from jax.experimental import pallas as pl
from jax.experimental.pallas import tpu as pltpu
from jax.experimental.pallas import tpu_sc as plsc

B = 16384
EMB = 32
NC = 2
NS = 16
NW = NC * NS
LANES = 16
CW = 512
NWIN = 1954
WPT = 61
CCAP = 1024
WCAP = 128
TP = 33
ROWS = B + LANES


def _p1_body(u_hbm, v_hbm, uet, vet, rows_u, rows_v,
             idxu, idxv, dref, chku, chkv, clocu, cju, clocv, cjv,
             wloc, wj, tp, stage, gsemu, gsemv, ssem):
    wid = lax.axis_index("s") * NC + lax.axis_index("c")
    lane = lax.iota(jnp.int32, LANES)
    wcnt = (jnp.int32(WPT) + (wid >= NW - 2).astype(jnp.int32)
            + (wid == NW - 1).astype(jnp.int32))
    sb = wid * (WPT * CW)

    pltpu.async_copy(u_hbm, idxu, gsemu)
    pltpu.async_copy(v_hbm, idxv, gsemv)
    pltpu.make_async_copy(u_hbm, idxu, gsemu).wait()
    pltpu.make_async_copy(v_hbm, idxv, gsemv).wait()
    plsc.store_scatter(dref, [lane], lane)
    plsc.store_scatter(dref, [lane + LANES], lane + LANES)

    dummyj = jnp.int32(B) + lane

    def scatter_wait():
        pltpu.make_async_copy(stage.at[0], rows_u.at[lane], ssem).wait()

    pltpu.async_copy(stage.at[0], rows_u.at[dummyj], ssem)

    span = wcnt * CW

    def scan_body(k, carry):
        cu, cv = carry
        jvec = k * LANES + lane

        def one(idx_ref, cloc_ref, cj_ref, cur):
            vec = plsc.load_gather(idx_ref, [jvec])
            iloc = vec - sb
            m = (iloc >= 0) & (iloc < span)
            mi = jnp.where(m, jnp.int32(1), jnp.int32(0))
            cs = plsc.cumsum(mi)
            pos = cur + cs - 1
            plsc.store_scatter(cloc_ref, [pos], iloc, mask=m)
            plsc.store_scatter(cj_ref, [pos], jvec, mask=m)
            return cur + cs[LANES - 1]

        cu = one(idxu, clocu, cju, cu)
        cv = one(idxv, clocv, cjv, cv)
        return (cu, cv)

    ccu, ccv = lax.fori_loop(0, B // LANES, scan_body,
                             (jnp.int32(0), jnp.int32(0)))

    def fire(w, p):
        cb = pl.multiple_of(sb + w * CW, 128)
        pltpu.async_copy(uet.at[dref, pl.ds(cb, CW)], chku.at[p], gsemu)
        pltpu.async_copy(vet.at[dref, pl.ds(cb, CW)], chkv.at[p], gsemv)

    def drain_gathers(p):
        pltpu.make_async_copy(uet.at[dref, pl.ds(0, CW)], chku.at[p],
                              gsemu).wait()
        pltpu.make_async_copy(vet.at[dref, pl.ds(0, CW)], chkv.at[p],
                              gsemv).wait()

    def process(w, p, chunk, cloc, cj, ccur, rows_out):
        wbase = w * CW
        ngc = (ccur + LANES - 1) // LANES

        def rescan_body(g, wcur):
            pos0 = g * LANES + lane
            loc = plsc.load_gather(cloc, [pos0])
            jv = plsc.load_gather(cj, [pos0])
            valid = (pos0 < ccur) & (loc >= wbase) & (loc < wbase + CW)
            vi = jnp.where(valid, jnp.int32(1), jnp.int32(0))
            cs = plsc.cumsum(vi)
            wpos = wcur + cs - 1
            plsc.store_scatter(wloc, [wpos], loc - wbase, mask=valid)
            plsc.store_scatter(wj, [wpos], jv, mask=valid)
            return wcur + cs[LANES - 1]

        wcur = lax.fori_loop(0, ngc, rescan_body, jnp.int32(0))
        ngrp = (wcur + LANES - 1) // LANES
        pfull = jnp.full((LANES,), p, jnp.int32)

        def grp_loop(g2, carry):
            sp = lax.rem(g2, 2)
            gpos = g2 * LANES + lane
            mg = gpos < wcur
            gl = plsc.load_gather(wloc, [jnp.where(mg, gpos, 0)])
            gj = plsc.load_gather(wj, [jnp.where(mg, gpos, 0)])
            jvec = jnp.where(mg, gj, dummyj)

            def d_body(d, c2):
                dfull = jnp.full((LANES,), d, jnp.int32)
                vals = plsc.load_gather(chunk, [pfull, dfull, gl])
                plsc.store_scatter(tp, [lane * TP + d], vals)
                return c2

            lax.fori_loop(0, EMB, d_body, jnp.int32(0))
            scatter_wait()
            spfull = jnp.full((LANES,), sp, jnp.int32)

            def c_body(c, c2):
                r0 = plsc.load_gather(tp, [c * TP + lane])
                r1 = plsc.load_gather(tp, [c * TP + LANES + lane])
                cfull = jnp.full((LANES,), c, jnp.int32)
                plsc.store_scatter(stage, [spfull, cfull, lane], r0)
                plsc.store_scatter(stage, [spfull, cfull, lane + LANES], r1)
                return c2

            lax.fori_loop(0, LANES, c_body, jnp.int32(0))
            pltpu.async_copy(stage.at[sp], rows_out.at[jvec], ssem)
            return carry

        lax.fori_loop(0, ngrp, grp_loop, jnp.int32(0))

    fire(jnp.int32(0), jnp.int32(0))

    def win_body(w, carry):
        p = lax.rem(w, 2)
        fire(w, p)
        drain_gathers(1 - p)
        process(w - 1, 1 - p, chku, clocu, cju, ccu, rows_u)
        process(w - 1, 1 - p, chkv, clocv, cjv, ccv, rows_v)
        return carry

    lax.fori_loop(1, wcnt, win_body, jnp.int32(0))
    pl_last = lax.rem(wcnt - 1, 2)
    drain_gathers(pl_last)
    process(wcnt - 1, pl_last, chku, clocu, cju, ccu, rows_u)
    process(wcnt - 1, pl_last, chkv, clocv, cjv, ccv, rows_v)
    scatter_wait()


def _phase1(u, v, uet, vet):
    mesh = plsc.VectorSubcoreMesh(core_axis_name="c", subcore_axis_name="s")
    f = pl.kernel(
        _p1_body,
        mesh=mesh,
        compiler_params=pltpu.CompilerParams(
            needs_layout_passes=False, disable_bounds_checks=True),
        out_type=(jax.ShapeDtypeStruct((ROWS, 128), jnp.float32),
                  jax.ShapeDtypeStruct((ROWS, 128), jnp.float32)),
        scratch_types=[
            pltpu.VMEM((B,), jnp.int32),
            pltpu.VMEM((B,), jnp.int32),
            pltpu.VMEM((EMB,), jnp.int32),
            pltpu.VMEM((2, EMB, CW), jnp.float32),
            pltpu.VMEM((2, EMB, CW), jnp.float32),
            pltpu.VMEM((CCAP,), jnp.int32),
            pltpu.VMEM((CCAP,), jnp.int32),
            pltpu.VMEM((CCAP,), jnp.int32),
            pltpu.VMEM((CCAP,), jnp.int32),
            pltpu.VMEM((WCAP,), jnp.int32),
            pltpu.VMEM((WCAP,), jnp.int32),
            pltpu.VMEM((LANES * TP,), jnp.float32),
            pltpu.VMEM((2, LANES, 128), jnp.float32),
            pltpu.SemaphoreType.DMA,
            pltpu.SemaphoreType.DMA,
            pltpu.SemaphoreType.DMA,
        ],
    )
    return f(u, v, uet, vet)


def _p2_body(ru_ref, rv_ref, o_ref):
    u = ru_ref[:, :EMB]
    v = rv_ref[:, :EMB]
    o_ref[...] = (u * v).sum(axis=1)


def _phase2(rows_u, rows_v):
    blk = 2048
    return pl.pallas_call(
        _p2_body,
        grid=(B // blk,),
        in_specs=[
            pl.BlockSpec((blk, 128), lambda i: (i, 0)),
            pl.BlockSpec((blk, 128), lambda i: (i, 0)),
        ],
        out_specs=pl.BlockSpec((blk,), lambda i: (i,)),
        out_shape=jax.ShapeDtypeStruct((B,), jnp.float32),
    )(rows_u, rows_v)


@jax.jit
def kernel(u, v, user_emb, item_emb):
    rows_u, rows_v = _phase1(u.astype(jnp.int32), v.astype(jnp.int32),
                             user_emb.T, item_emb.T)
    return _phase2(rows_u, rows_v)

# --- scband reference (transcript-rebuilt; emitter-appended) ---
"""Pipeline reference for scband-mf-2963527434265 (READ-ONLY COPY).

The authoritative reference and input builder live on the scoring server;
editing this copy changes nothing except your own understanding.
"""

import jax, jax.numpy as jnp
import numpy as np

NUM_USERS = 1000000
NUM_ITEMS = 1000000
EMB = 32
B = 16384

def setup_inputs(seed: int = 0) -> dict:
    key = jax.random.key(seed)
    k1, k2, k3, k4 = jax.random.split(key, 4)
    u = jax.random.randint(k1, (B,), 0, NUM_USERS + 1, dtype=jnp.int64) if jax.config.jax_enable_x64 else jax.random.randint(k1, (B,), 0, NUM_USERS + 1)
    v = jax.random.randint(k2, (B,), 0, NUM_ITEMS + 1)
    user_emb = jax.random.normal(k3, (NUM_USERS + 1, EMB), dtype=jnp.float32) * 0.01
    item_emb = jax.random.normal(k4, (NUM_ITEMS + 1, EMB), dtype=jnp.float32) * 0.01
    # padding_idx=0 in torch -> row 0 is zeros
    user_emb = user_emb.at[0].set(0.0)
    item_emb = item_emb.at[0].set(0.0)
    return {"u": u, "v": v, "user_emb": user_emb, "item_emb": item_emb}

def reference(u, v, user_emb, item_emb):
    ue = jnp.take(user_emb, u, axis=0)
    ve = jnp.take(item_emb, v, axis=0)
    return (ue * ve).sum(1)

if __name__ == "__main__":
    import jax
    _d = setup_inputs()
    print(jax.jit(kernel)(*tuple(_d.values())))

</pallas_src>

<mosaic_0001>
#map = affine_map<(d0, d1) -> (0)>
#map1 = affine_map<(d0, d1) -> (0, 0)>
module attributes {stable_mosaic.version = 14 : i64} {
  func.func @_p1_body(%arg0: i32, %arg1: i32, %arg2: memref<16384xi32, #tpu.memory_space<hbm>>, %arg3: memref<16384xi32, #tpu.memory_space<hbm>>, %arg4: memref<32x1000001xf32, #tpu.memory_space<hbm>>, %arg5: memref<32x1000001xf32, #tpu.memory_space<hbm>>, %arg6: memref<16400x128xf32, #tpu.memory_space<hbm>>, %arg7: memref<16400x128xf32, #tpu.memory_space<hbm>>, %arg8: memref<16384xi32, #tpu.memory_space<vmem>>, %arg9: memref<16384xi32, #tpu.memory_space<vmem>>, %arg10: memref<32xi32, #tpu.memory_space<vmem>>, %arg11: memref<2x32x512xf32, #tpu.memory_space<vmem>>, %arg12: memref<2x32x512xf32, #tpu.memory_space<vmem>>, %arg13: memref<1024xi32, #tpu.memory_space<vmem>>, %arg14: memref<1024xi32, #tpu.memory_space<vmem>>, %arg15: memref<1024xi32, #tpu.memory_space<vmem>>, %arg16: memref<1024xi32, #tpu.memory_space<vmem>>, %arg17: memref<128xi32, #tpu.memory_space<vmem>>, %arg18: memref<128xi32, #tpu.memory_space<vmem>>, %arg19: memref<528xf32, #tpu.memory_space<vmem>>, %arg20: memref<2x16x128xf32, #tpu.memory_space<vmem>>, %arg21: memref<!tpu.dma_semaphore, #tpu.memory_space<semaphore_mem>>, %arg22: memref<!tpu.dma_semaphore, #tpu.memory_space<semaphore_mem>>, %arg23: memref<!tpu.dma_semaphore, #tpu.memory_space<semaphore_mem>>) attributes {dimension_semantics = [#tpu.dimension_semantics<core_parallel>, #tpu.dimension_semantics<subcore_parallel>], iteration_bounds = array<i64: 2, 16>, scalar_prefetch = 0 : i64, scratch_operands = 16 : i64, tpu.core_type = #tpu.core_type<sc_vector_subcore>, window_params = [{transform_indices = #map}, {transform_indices = #map}, {transform_indices = #map1}, {transform_indices = #map1}, {transform_indices = #map1}, {transform_indices = #map1}]} {
    %mul3A = arith.constant 2 : i32
    %mul3A_0 = arith.muli %arg1, %mul3A : i32
    %add3A = arith.addi %mul3A_0, %arg0 : i32
    %iota3A = tpu.iota {dimensions = array<i32: 0>} : vector<16xi32>
    %ge3A = arith.constant 30 : i32
    %ge3A_1 = arith.cmpi sge, %add3A, %ge3A : i32
    %convert_element_type3A = arith.extui %ge3A_1 : i1 to i32
    %add3A_2 = arith.constant 61 : i32
    %add3A_3 = arith.addi %add3A_2, %convert_element_type3A : i32
    %eq3A = arith.constant 31 : i32
    %eq3A_4 = arith.cmpi eq, %add3A, %eq3A : i32
    %convert_element_type3A_5 = arith.extui %eq3A_4 : i1 to i32
    %add3A_6 = arith.addi %add3A_3, %convert_element_type3A_5 : i32
    %mul3A_7 = arith.constant 31232 : i32
    %mul3A_8 = arith.muli %add3A, %mul3A_7 : i32
    tpu.enqueue_dma source(%arg2 : memref<16384xi32, #tpu.memory_space<hbm>>) target(%arg8 : memref<16384xi32, #tpu.memory_space<vmem>>) target_semaphore(%arg21 : memref<!tpu.dma_semaphore, #tpu.memory_space<semaphore_mem>>)
    tpu.enqueue_dma source(%arg3 : memref<16384xi32, #tpu.memory_space<hbm>>) target(%arg9 : memref<16384xi32, #tpu.memory_space<vmem>>) target_semaphore(%arg22 : memref<!tpu.dma_semaphore, #tpu.memory_space<semaphore_mem>>)
    tpu.wait_dma2 semaphore(%arg21 : memref<!tpu.dma_semaphore, #tpu.memory_space<semaphore_mem>>) src(%arg2 : memref<16384xi32, #tpu.memory_space<hbm>>) dst(%arg8 : memref<16384xi32, #tpu.memory_space<vmem>>)
    tpu.wait_dma2 semaphore(%arg22 : memref<!tpu.dma_semaphore, #tpu.memory_space<semaphore_mem>>) src(%arg3 : memref<16384xi32, #tpu.memory_space<hbm>>) dst(%arg9 : memref<16384xi32, #tpu.memory_space<vmem>>)
    tpu.vector_store_idx %arg10[%iota3A], %iota3A : memref<32xi32, #tpu.memory_space<vmem>>[vector<16xi32>], vector<16xi32>,
    %add3A_9 = arith.constant 16 : i32
    %add3A_10 = vector.broadcast %add3A_9 : i32 to vector<16xi32>
    %add3A_11 = arith.addi %iota3A, %add3A_10 : vector<16xi32>
    %add3A_12 = arith.constant 16 : i32
    %add3A_13 = vector.broadcast %add3A_12 : i32 to vector<16xi32>
    %add3A_14 = arith.addi %iota3A, %add3A_13 : vector<16xi32>
    tpu.vector_store_idx %arg10[%add3A_11], %add3A_14 : memref<32xi32, #tpu.memory_space<vmem>>[vector<16xi32>], vector<16xi32>,
    %add3A_15 = arith.constant 16384 : i32
    %add3A_16 = vector.broadcast %add3A_15 : i32 to vector<16xi32>
    %add3A_17 = arith.addi %add3A_16, %iota3A : vector<16xi32>
    %dma_start3A = arith.constant 0 : i32
    %dma_start3A_18 = arith.constant 0 : i32
    %dma_start3A_19 = arith.constant 0 : i32
    %dma_start3A_20 = tpu.memref_slice %arg20[%dma_start3A, %dma_start3A_18, %dma_start3A_19] : memref<2x16x128xf32, #tpu.memory_space<vmem>> -> memref<1x16x128xf32, #tpu.memory_space<vmem>>
    %dma_start3A_21 = tpu.memref_squeeze %dma_start3A_20 : memref<1x16x128xf32, #tpu.memory_space<vmem>> -> memref<16x128xf32, #tpu.memory_space<vmem>>
    %dma_start3A_22 = arith.constant 0 : i32
    %dma_start3A_23 = arith.constant 0 : i32
    %dma_start3A_24 = tpu.memref_slice %arg6[%dma_start3A_22, %dma_start3A_23] : memref<16400x128xf32, #tpu.memory_space<hbm>> -> memref<16400x128xf32, #tpu.memory_space<hbm>>
    tpu.enqueue_indirect_dma source(%dma_start3A_21 : memref<16x128xf32, #tpu.memory_space<vmem>>) target(%dma_start3A_24 : memref<16400x128xf32, #tpu.memory_space<hbm>>) offsets(%add3A_17 : vector<16xi32>) semaphore(%arg23 : memref<!tpu.dma_semaphore, #tpu.memory_space<semaphore_mem>>)
    %mul3A_25 = arith.constant 512 : i32
    %mul3A_26 = arith.muli %add3A_6, %mul3A_25 : i32
    %scan3A = arith.constant 0 : i32
    %scan3A_27 = arith.constant 0 : i32
    %scan3A_28 = arith.constant 0 : i32
    %scan3A_29 = arith.constant 1024 : i32
    %scan3A_30 = arith.addi %scan3A_28, %scan3A_29 : i32
    %scan3A_31 = arith.constant 1 : i32
    %scan3A_32:2 = scf.for %scan3A_243 = %scan3A_28 to %scan3A_30 step %scan3A_31 iter_args(%scan3A_244 = %scan3A, %scan3A_245 = %scan3A_27) -> (i32, i32)  : i32 {
      %mul3A_246 = arith.constant 16 : i32
      %mul3A_247 = arith.muli %scan3A_243, %mul3A_246 : i32
      %add3A_248 = vector.broadcast %mul3A_247 : i32 to vector<16xi32>
      %add3A_249 = arith.addi %add3A_248, %iota3A : vector<16xi32>
      %gather3A = tpu.vector_load_idx %arg8[%add3A_249] : memref<16384xi32, #tpu.memory_space<vmem>>[vector<16xi32>], vector<16xi32>,
      %sub3A_250 = vector.broadcast %mul3A_8 : i32 to vector<16xi32>
      %sub3A_251 = arith.subi %gather3A, %sub3A_250 : vector<16xi32>
      %ge3A_252 = arith.constant 0 : i32
      %ge3A_253 = vector.broadcast %ge3A_252 : i32 to vector<16xi32>
      %ge3A_254 = arith.cmpi sge, %sub3A_251, %ge3A_253 : vector<16xi32>
      %lt3A = vector.broadcast %mul3A_26 : i32 to vector<16xi32>
      %lt3A_255 = arith.cmpi slt, %sub3A_251, %lt3A : vector<16xi32>
      %and3A_256 = arith.andi %ge3A_254, %lt3A_255 : vector<16xi1>
      %jit3A_257 = arith.constant 1 : i32
      %jit3A_258 = arith.constant 0 : i32
      %broadcast_in_dim3A_259 = vector.broadcast %jit3A_257 : i32 to vector<16xi32>
      %broadcast_in_dim3A_260 = vector.broadcast %jit3A_258 : i32 to vector<16xi32>
      %select_n3A_261 = arith.select %and3A_256, %broadcast_in_dim3A_259, %broadcast_in_dim3A_260 : vector<16xi1>, vector<16xi32>
      %broadcast_in_dim3A_262 = arith.constant true
      %broadcast_in_dim3A_263 = vector.broadcast %broadcast_in_dim3A_262 : i1 to vector<16xi1>
      %masked_cumsum3A = tpu.scan <sum>, %select_n3A_261 masked %broadcast_in_dim3A_263 : vector<16xi32>, vector<16xi1> -> vector<16xi32>
      %add3A_264 = vector.broadcast %scan3A_244 : i32 to vector<16xi32>
      %add3A_265 = arith.addi %add3A_264, %masked_cumsum3A : vector<16xi32>
      %sub3A_266 = arith.constant 1 : i32
      %sub3A_267 = vector.broadcast %sub3A_266 : i32 to vector<16xi32>
      %sub3A_268 = arith.subi %add3A_265, %sub3A_267 : vector<16xi32>
      tpu.vector_store_idx %arg13[%sub3A_268], %sub3A_251 masked %and3A_256 : memref<1024xi32, #tpu.memory_space<vmem>>[vector<16xi32>], vector<16xi32>, vector<16xi1>
      tpu.vector_store_idx %arg14[%sub3A_268], %add3A_249 masked %and3A_256 : memref<1024xi32, #tpu.memory_space<vmem>>[vector<16xi32>], vector<16xi32>, vector<16xi1>
      %slice3A = vector.extract_strided_slice %masked_cumsum3A {offsets = [15], sizes = [1], strides = [1]} : vector<16xi32> to vector<1xi32>
      %squeeze3A = vector.extract %slice3A[0] : i32 from vector<1xi32>
      %add3A_269 = arith.addi %scan3A_244, %squeeze3A : i32
      %gather3A_270 = tpu.vector_load_idx %arg9[%add3A_249] : memref<16384xi32, #tpu.memory_space<vmem>>[vector<16xi32>], vector<16xi32>,
      %sub3A_271 = vector.broadcast %mul3A_8 : i32 to vector<16xi32>
      %sub3A_272 = arith.subi %gather3A_270, %sub3A_271 : vector<16xi32>
      %ge3A_273 = arith.constant 0 : i32
      %ge3A_274 = vector.broadcast %ge3A_273 : i32 to vector<16xi32>
      %ge3A_275 = arith.cmpi sge, %sub3A_272, %ge3A_274 : vector<16xi32>
      %lt3A_276 = vector.broadcast %mul3A_26 : i32 to vector<16xi32>
      %lt3A_277 = arith.cmpi slt, %sub3A_272, %lt3A_276 : vector<16xi32>
      %and3A_278 = arith.andi %ge3A_275, %lt3A_277 : vector<16xi1>
      %jit3A_279 = arith.constant 1 : i32
      %jit3A_280 = arith.constant 0 : i32
      %broadcast_in_dim3A_281 = vector.broadcast %jit3A_279 : i32 to vector<16xi32>
      %broadcast_in_dim3A_282 = vector.broadcast %jit3A_280 : i32 to vector<16xi32>
      %select_n3A_283 = arith.select %and3A_278, %broadcast_in_dim3A_281, %broadcast_in_dim3A_282 : vector<16xi1>, vector<16xi32>
      %broadcast_in_dim3A_284 = arith.constant true
      %broadcast_in_dim3A_285 = vector.broadcast %broadcast_in_dim3A_284 : i1 to vector<16xi1>
      %masked_cumsum3A_286 = tpu.scan <sum>, %select_n3A_283 masked %broadcast_in_dim3A_285 : vector<16xi32>, vector<16xi1> -> vector<16xi32>
      %add3A_287 = vector.broadcast %scan3A_245 : i32 to vector<16xi32>
      %add3A_288 = arith.addi %add3A_287, %masked_cumsum3A_286 : vector<16xi32>
      %sub3A_289 = arith.constant 1 : i32
      %sub3A_290 = vector.broadcast %sub3A_289 : i32 to vector<16xi32>
      %sub3A_291 = arith.subi %add3A_288, %sub3A_290 : vector<16xi32>
      tpu.vector_store_idx %arg15[%sub3A_291], %sub3A_272 masked %and3A_278 : memref<1024xi32, #tpu.memory_space<vmem>>[vector<16xi32>], vector<16xi32>, vector<16xi1>
      tpu.vector_store_idx %arg16[%sub3A_291], %add3A_249 masked %and3A_278 : memref<1024xi32, #tpu.memory_space<vmem>>[vector<16xi32>], vector<16xi32>, vector<16xi1>
      %slice3A_292 = vector.extract_strided_slice %masked_cumsum3A_286 {offsets = [15], sizes = [1], strides = [1]} : vector<16xi32> to vector<1xi32>
      %squeeze3A_293 = vector.extract %slice3A_292[0] : i32 from vector<1xi32>
      %add3A_294 = arith.addi %scan3A_245, %squeeze3A_293 : i32
      scf.yield %add3A_269, %add3A_294 : i32, i32
    }
    %scan3A_33 = arith.constant 1024 : i32
    %mul3A_34 = arith.constant 0 : i32
    %mul3A_35 = arith.constant 512 : i32
    %mul3A_36 = arith.muli %mul3A_34, %mul3A_35 : i32
    %add3A_37 = arith.addi %mul3A_8, %mul3A_36 : i32
    %multiple_of3A = tpu.assume_multiple %add3A_37, 128 : i32
    %dma_start3A_38 = arith.constant 0 : i32
    %dma_start3A_39 = arith.constant 0 : i32
    %dma_start3A_40 = arith.constant 0 : i32
    %dma_start3A_41 = tpu.memref_slice %arg11[%dma_start3A_38, %dma_start3A_39, %dma_start3A_40] : memref<2x32x512xf32, #tpu.memory_space<vmem>> -> memref<1x32x512xf32, #tpu.memory_space<vmem>>
    %dma_start3A_42 = tpu.memref_squeeze %dma_start3A_41 : memref<1x32x512xf32, #tpu.memory_space<vmem>> -> memref<32x512xf32, #tpu.memory_space<vmem>>
    %dma_start3A_43 = arith.constant 0 : i32
    %dma_start3A_44 = tpu.memref_slice %arg4[%dma_start3A_43, %multiple_of3A] : memref<32x1000001xf32, #tpu.memory_space<hbm>> -> memref<32x512xf32, #tpu.memory_space<hbm>>
    tpu.enqueue_indirect_dma source(%dma_start3A_44 : memref<32x512xf32, #tpu.memory_space<hbm>>) target(%dma_start3A_42 : memref<32x512xf32, #tpu.memory_space<vmem>>) offsets(%arg10 : memref<32xi32, #tpu.memory_space<vmem>>) semaphore(%arg21 : memref<!tpu.dma_semaphore, #tpu.memory_space<semaphore_mem>>)
    %dma_start3A_45 = arith.constant 0 : i32
    %dma_start3A_46 = arith.constant 0 : i32
    %dma_start3A_47 = arith.constant 0 : i32
    %dma_start3A_48 = tpu.memref_slice %arg12[%dma_start3A_45, %dma_start3A_46, %dma_start3A_47] : memref<2x32x512xf32, #tpu.memory_space<vmem>> -> memref<1x32x512xf32, #tpu.memory_space<vmem>>
    %dma_start3A_49 = tpu.memref_squeeze %dma_start3A_48 : memref<1x32x512xf32, #tpu.memory_space<vmem>> -> memref<32x512xf32, #tpu.memory_space<vmem>>
    %dma_start3A_50 = arith.constant 0 : i32
    %dma_start3A_51 = tpu.memref_slice %arg5[%dma_start3A_50, %multiple_of3A] : memref<32x1000001xf32, #tpu.memory_space<hbm>> -> memref<32x512xf32, #tpu.memory_space<hbm>>
    tpu.enqueue_indirect_dma source(%dma_start3A_51 : memref<32x512xf32, #tpu.memory_space<hbm>>) target(%dma_start3A_49 : memref<32x512xf32, #tpu.memory_space<vmem>>) offsets(%arg10 : memref<32xi32, #tpu.memory_space<vmem>>) semaphore(%arg22 : memref<!tpu.dma_semaphore, #tpu.memory_space<semaphore_mem>>)
    %while3A = arith.constant 0 : i32
    %while3A_52 = arith.constant 1 : i32
    %while3A_53 = arith.subi %add3A_6, %while3A_52 : i32
    %while3A_54 = arith.addi %while3A_52, %while3A_53 : i32
    %while3A_55 = arith.constant 1 : i32
    %while3A_56 = arith.divsi %while3A_53, %while3A_55 : i32
    %while3A_57 = arith.muli %while3A_56, %while3A_55 : i32
    %while3A_58 = arith.addi %while3A_52, %while3A_57 : i32
    %while3A_59 = arith.constant 1 : i32
    scf.for %while3A_243 = %while3A_52 to %while3A_58 step %while3A_59  : i32 {
      %rem3A_244 = arith.constant 2 : i32
      %rem3A_245 = arith.remsi %while3A_243, %rem3A_244 : i32
      %mul3A_246 = arith.constant 512 : i32
      %mul3A_247 = arith.muli %while3A_243, %mul3A_246 : i32
      %add3A_248 = arith.addi %mul3A_8, %mul3A_247 : i32
      %multiple_of3A_249 = tpu.assume_multiple %add3A_248, 128 : i32
      %dma_start3A_250 = arith.constant 0 : i32
      %dma_start3A_251 = arith.constant 0 : i32
      %dma_start3A_252 = tpu.memref_slice %arg11[%rem3A_245, %dma_start3A_250, %dma_start3A_251] : memref<2x32x512xf32, #tpu.memory_space<vmem>> -> memref<1x32x512xf32, #tpu.memory_space<vmem>>
      %dma_start3A_253 = tpu.memref_squeeze %dma_start3A_252 : memref<1x32x512xf32, #tpu.memory_space<vmem>> -> memref<32x512xf32, #tpu.memory_space<vmem>>
      %dma_start3A_254 = arith.constant 0 : i32
      %dma_start3A_255 = tpu.memref_slice %arg4[%dma_start3A_254, %multiple_of3A_249] : memref<32x1000001xf32, #tpu.memory_space<hbm>> -> memref<32x512xf32, #tpu.memory_space<hbm>>
      tpu.enqueue_indirect_dma source(%dma_start3A_255 : memref<32x512xf32, #tpu.memory_space<hbm>>) target(%dma_start3A_253 : memref<32x512xf32, #tpu.memory_space<vmem>>) offsets(%arg10 : memref<32xi32, #tpu.memory_space<vmem>>) semaphore(%arg21 : memref<!tpu.dma_semaphore, #tpu.memory_space<semaphore_mem>>)
      %dma_start3A_256 = arith.constant 0 : i32
      %dma_start3A_257 = arith.constant 0 : i32
      %dma_start3A_258 = tpu.memref_slice %arg12[%rem3A_245, %dma_start3A_256, %dma_start3A_257] : memref<2x32x512xf32, #tpu.memory_space<vmem>> -> memref<1x32x512xf32, #tpu.memory_space<vmem>>
      %dma_start3A_259 = tpu.memref_squeeze %dma_start3A_258 : memref<1x32x512xf32, #tpu.memory_space<vmem>> -> memref<32x512xf32, #tpu.memory_space<vmem>>
      %dma_start3A_260 = arith.constant 0 : i32
      %dma_start3A_261 = tpu.memref_slice %arg5[%dma_start3A_260, %multiple_of3A_249] : memref<32x1000001xf32, #tpu.memory_space<hbm>> -> memref<32x512xf32, #tpu.memory_space<hbm>>
      tpu.enqueue_indirect_dma source(%dma_start3A_261 : memref<32x512xf32, #tpu.memory_space<hbm>>) target(%dma_start3A_259 : memref<32x512xf32, #tpu.memory_space<vmem>>) offsets(%arg10 : memref<32xi32, #tpu.memory_space<vmem>>) semaphore(%arg22 : memref<!tpu.dma_semaphore, #tpu.memory_space<semaphore_mem>>)
      %sub3A_262 = arith.constant 1 : i32
      %sub3A_263 = arith.subi %sub3A_262, %rem3A_245 : i32
      %dma_wait3A_264 = arith.constant 0 : i32
      %dma_wait3A_265 = arith.constant 0 : i32
      %dma_wait3A_266 = tpu.memref_slice %arg11[%sub3A_263, %dma_wait3A_264, %dma_wait3A_265] : memref<2x32x512xf32, #tpu.memory_space<vmem>> -> memref<1x32x512xf32, #tpu.memory_space<vmem>>
      %dma_wait3A_267 = tpu.memref_squeeze %dma_wait3A_266 : memref<1x32x512xf32, #tpu.memory_space<vmem>> -> memref<32x512xf32, #tpu.memory_space<vmem>>
      %dma_wait3A_268 = arith.constant 0 : i32
      %dma_wait3A_269 = arith.constant 0 : i32
      %dma_wait3A_270 = tpu.memref_slice %arg4[%dma_wait3A_268, %dma_wait3A_269] : memref<32x1000001xf32, #tpu.memory_space<hbm>> -> memref<32x512xf32, #tpu.memory_space<hbm>>
      tpu.wait_indirect_dma semaphore(%arg21 : memref<!tpu.dma_semaphore, #tpu.memory_space<semaphore_mem>>) src(%dma_wait3A_270 : memref<32x512xf32, #tpu.memory_space<hbm>>) dst(%dma_wait3A_267 : memref<32x512xf32, #tpu.memory_space<vmem>>)
      %dma_wait3A_271 = arith.constant 0 : i32
      %dma_wait3A_272 = arith.constant 0 : i32
      %dma_wait3A_273 = tpu.memref_slice %arg12[%sub3A_263, %dma_wait3A_271, %dma_wait3A_272] : memref<2x32x512xf32, #tpu.memory_space<vmem>> -> memref<1x32x512xf32, #tpu.memory_space<vmem>>
      %dma_wait3A_274 = tpu.memref_squeeze %dma_wait3A_273 : memref<1x32x512xf32, #tpu.memory_space<vmem>> -> memref<32x512xf32, #tpu.memory_space<vmem>>
      %dma_wait3A_275 = arith.constant 0 : i32
      %dma_wait3A_276 = arith.constant 0 : i32
      %dma_wait3A_277 = tpu.memref_slice %arg5[%dma_wait3A_275, %dma_wait3A_276] : memref<32x1000001xf32, #tpu.memory_space<hbm>> -> memref<32x512xf32, #tpu.memory_space<hbm>>
      tpu.wait_indirect_dma semaphore(%arg22 : memref<!tpu.dma_semaphore, #tpu.memory_space<semaphore_mem>>) src(%dma_wait3A_277 : memref<32x512xf32, #tpu.memory_space<hbm>>) dst(%dma_wait3A_274 : memref<32x512xf32, #tpu.memory_space<vmem>>)
      %sub3A_278 = arith.constant 1 : i32
      %sub3A_279 = arith.subi %while3A_243, %sub3A_278 : i32
      %sub3A_280 = arith.constant 1 : i32
      %sub3A_281 = arith.subi %sub3A_280, %rem3A_245 : i32
      %mul3A_282 = arith.constant 512 : i32
      %mul3A_283 = arith.muli %sub3A_279, %mul3A_282 : i32
      %add3A_284 = arith.constant 16 : i32
      %add3A_285 = arith.addi %scan3A_32#0, %add3A_284 : i32
      %sub3A_286 = arith.constant 1 : i32
      %sub3A_287 = arith.subi %add3A_285, %sub3A_286 : i32
      %jit3A_288 = arith.constant 16 : i32
      %div3A_289 = arith.divsi %sub3A_287, %jit3A_288 : i32
      %sign3A_290 = arith.constant 0 : i32
      %sign3A_291 = arith.cmpi sgt, %sub3A_287, %sign3A_290 : i32
      %sign3A_292 = arith.extui %sign3A_291 : i1 to i32
      %sign3A_293 = arith.constant 0 : i32
      %sign3A_294 = arith.cmpi slt, %sub3A_287, %sign3A_293 : i32
      %sign3A_295 = arith.extui %sign3A_294 : i1 to i32
      %sign3A_296 = arith.subi %sign3A_292, %sign3A_295 : i32
      %sign3A_297 = arith.constant 0 : i32
      %sign3A_298 = arith.cmpi sgt, %jit3A_288, %sign3A_297 : i32
      %sign3A_299 = arith.extui %sign3A_298 : i1 to i32
      %sign3A_300 = arith.constant 0 : i32
      %sign3A_301 = arith.cmpi slt, %jit3A_288, %sign3A_300 : i32
      %sign3A_302 = arith.extui %sign3A_301 : i1 to i32
      %sign3A_303 = arith.subi %sign3A_299, %sign3A_302 : i32
      %ne3A_304 = arith.cmpi ne, %sign3A_296, %sign3A_303 : i32
      %rem3A_305 = arith.remsi %sub3A_287, %jit3A_288 : i32
      %ne3A_306 = arith.constant 0 : i32
      %ne3A_307 = arith.cmpi ne, %rem3A_305, %ne3A_306 : i32
      %and3A_308 = arith.andi %ne3A_304, %ne3A_307 : i1
      %sub3A_309 = arith.constant 1 : i32
      %sub3A_310 = arith.subi %div3A_289, %sub3A_309 : i32
      %select_n3A_311 = arith.select %and3A_308, %sub3A_310, %div3A_289 : i32
      %while3A_312 = arith.constant 0 : i32
      %while3A_313 = arith.constant 0 : i32
      %while3A_314 = arith.subi %select_n3A_311, %while3A_312 : i32
      %while3A_315 = arith.addi %while3A_312, %while3A_314 : i32
      %while3A_316 = arith.constant 1 : i32
      %while3A_317 = arith.divsi %while3A_314, %while3A_316 : i32
      %while3A_318 = arith.muli %while3A_317, %while3A_316 : i32
      %while3A_319 = arith.addi %while3A_312, %while3A_318 : i32
      %while3A_320 = arith.constant 1 : i32
      %while3A_321 = scf.for %while3A_448 = %while3A_312 to %while3A_319 step %while3A_320 iter_args(%while3A_449 = %while3A_313) -> (i32)  : i32 {
        %mul3A_450 = arith.constant 16 : i32
        %mul3A_451 = arith.muli %while3A_448, %mul3A_450 : i32
        %add3A_452 = vector.broadcast %mul3A_451 : i32 to vector<16xi32>
        %add3A_453 = arith.addi %add3A_452, %iota3A : vector<16xi32>
        %gather3A = tpu.vector_load_idx %arg13[%add3A_453] : memref<1024xi32, #tpu.memory_space<vmem>>[vector<16xi32>], vector<16xi32>,
        %gather3A_454 = tpu.vector_load_idx %arg14[%add3A_453] : memref<1024xi32, #tpu.memory_space<vmem>>[vector<16xi32>], vector<16xi32>,
        %lt3A = vector.broadcast %scan3A_32#0 : i32 to vector<16xi32>
        %lt3A_455 = arith.cmpi slt, %add3A_453, %lt3A : vector<16xi32>
        %ge3A_456 = vector.broadcast %mul3A_283 : i32 to vector<16xi32>
        %ge3A_457 = arith.cmpi sge, %gather3A, %ge3A_456 : vector<16xi32>
        %and3A_458 = arith.andi %lt3A_455, %ge3A_457 : vector<16xi1>
        %add3A_459 = arith.constant 512 : i32
        %add3A_460 = arith.addi %mul3A_283, %add3A_459 : i32
        %lt3A_461 = vector.broadcast %add3A_460 : i32 to vector<16xi32>
        %lt3A_462 = arith.cmpi slt, %gather3A, %lt3A_461 : vector<16xi32>
        %and3A_463 = arith.andi %and3A_458, %lt3A_462 : vector<16xi1>
        %jit3A_464 = arith.constant 1 : i32
        %jit3A_465 = arith.constant 0 : i32
        %broadcast_in_dim3A_466 = vector.broadcast %jit3A_464 : i32 to vector<16xi32>
        %broadcast_in_dim3A_467 = vector.broadcast %jit3A_465 : i32 to vector<16xi32>
        %select_n3A_468 = arith.select %and3A_463, %broadcast_in_dim3A_466, %broadcast_in_dim3A_467 : vector<16xi1>, vector<16xi32>
        %broadcast_in_dim3A_469 = arith.constant true
        %broadcast_in_dim3A_470 = vector.broadcast %broadcast_in_dim3A_469 : i1 to vector<16xi1>
        %masked_cumsum3A = tpu.scan <sum>, %select_n3A_468 masked %broadcast_in_dim3A_470 : vector<16xi32>, vector<16xi1> -> vector<16xi32>
        %add3A_471 = vector.broadcast %while3A_449 : i32 to vector<16xi32>
        %add3A_472 = arith.addi %add3A_471, %masked_cumsum3A : vector<16xi32>
        %sub3A_473 = arith.constant 1 : i32
        %sub3A_474 = vector.broadcast %sub3A_473 : i32 to vector<16xi32>
        %sub3A_475 = arith.subi %add3A_472, %sub3A_474 : vector<16xi32>
        %sub3A_476 = vector.broadcast %mul3A_283 : i32 to vector<16xi32>
        %sub3A_477 = arith.subi %gather3A, %sub3A_476 : vector<16xi32>
        tpu.vector_store_idx %arg17[%sub3A_475], %sub3A_477 masked %and3A_463 : memref<128xi32, #tpu.memory_space<vmem>>[vector<16xi32>], vector<16xi32>, vector<16xi1>
        tpu.vector_store_idx %arg18[%sub3A_475], %gather3A_454 masked %and3A_463 : memref<128xi32, #tpu.memory_space<vmem>>[vector<16xi32>], vector<16xi32>, vector<16xi1>
        %slice3A = vector.extract_strided_slice %masked_cumsum3A {offsets = [15], sizes = [1], strides = [1]} : vector<16xi32> to vector<1xi32>
        %squeeze3A = vector.extract %slice3A[0] : i32 from vector<1xi32>
        %add3A_478 = arith.addi %while3A_449, %squeeze3A : i32
        scf.yield %add3A_478 : i32
      }
      %while3A_322 = arith.constant 1 : i32
      %while3A_323 = scf.for %while3A_448 = %while3A_319 to %while3A_315 step %while3A_322 iter_args(%while3A_449 = %while3A_321) -> (i32)  : i32 {
        %mul3A_450 = arith.constant 16 : i32
        %mul3A_451 = arith.muli %while3A_448, %mul3A_450 : i32
        %add3A_452 = vector.broadcast %mul3A_451 : i32 to vector<16xi32>
        %add3A_453 = arith.addi %add3A_452, %iota3A : vector<16xi32>
        %gather3A = tpu.vector_load_idx %arg13[%add3A_453] : memref<1024xi32, #tpu.memory_space<vmem>>[vector<16xi32>], vector<16xi32>,
        %gather3A_454 = tpu.vector_load_idx %arg14[%add3A_453] : memref<1024xi32, #tpu.memory_space<vmem>>[vector<16xi32>], vector<16xi32>,
        %lt3A = vector.broadcast %scan3A_32#0 : i32 to vector<16xi32>
        %lt3A_455 = arith.cmpi slt, %add3A_453, %lt3A : vector<16xi32>
        %ge3A_456 = vector.broadcast %mul3A_283 : i32 to vector<16xi32>
        %ge3A_457 = arith.cmpi sge, %gather3A, %ge3A_456 : vector<16xi32>
        %and3A_458 = arith.andi %lt3A_455, %ge3A_457 : vector<16xi1>
        %add3A_459 = arith.constant 512 : i32
        %add3A_460 = arith.addi %mul3A_283, %add3A_459 : i32
        %lt3A_461 = vector.broadcast %add3A_460 : i32 to vector<16xi32>
        %lt3A_462 = arith.cmpi slt, %gather3A, %lt3A_461 : vector<16xi32>
        %and3A_463 = arith.andi %and3A_458, %lt3A_462 : vector<16xi1>
        %jit3A_464 = arith.constant 1 : i32
        %jit3A_465 = arith.constant 0 : i32
        %broadcast_in_dim3A_466 = vector.broadcast %jit3A_464 : i32 to vector<16xi32>
        %broadcast_in_dim3A_467 = vector.broadcast %jit3A_465 : i32 to vector<16xi32>
        %select_n3A_468 = arith.select %and3A_463, %broadcast_in_dim3A_466, %broadcast_in_dim3A_467 : vector<16xi1>, vector<16xi32>
        %broadcast_in_dim3A_469 = arith.constant true
        %broadcast_in_dim3A_470 = vector.broadcast %broadcast_in_dim3A_469 : i1 to vector<16xi1>
        %masked_cumsum3A = tpu.scan <sum>, %select_n3A_468 masked %broadcast_in_dim3A_470 : vector<16xi32>, vector<16xi1> -> vector<16xi32>
        %add3A_471 = vector.broadcast %while3A_449 : i32 to vector<16xi32>
        %add3A_472 = arith.addi %add3A_471, %masked_cumsum3A : vector<16xi32>
        %sub3A_473 = arith.constant 1 : i32
        %sub3A_474 = vector.broadcast %sub3A_473 : i32 to vector<16xi32>
        %sub3A_475 = arith.subi %add3A_472, %sub3A_474 : vector<16xi32>
        %sub3A_476 = vector.broadcast %mul3A_283 : i32 to vector<16xi32>
        %sub3A_477 = arith.subi %gather3A, %sub3A_476 : vector<16xi32>
        tpu.vector_store_idx %arg17[%sub3A_475], %sub3A_477 masked %and3A_463 : memref<128xi32, #tpu.memory_space<vmem>>[vector<16xi32>], vector<16xi32>, vector<16xi1>
        tpu.vector_store_idx %arg18[%sub3A_475], %gather3A_454 masked %and3A_463 : memref<128xi32, #tpu.memory_space<vmem>>[vector<16xi32>], vector<16xi32>, vector<16xi1>
        %slice3A = vector.extract_strided_slice %masked_cumsum3A {offsets = [15], sizes = [1], strides = [1]} : vector<16xi32> to vector<1xi32>
        %squeeze3A = vector.extract %slice3A[0] : i32 from vector<1xi32>
        %add3A_478 = arith.addi %while3A_449, %squeeze3A : i32
        scf.yield %add3A_478 : i32
      }
      %add3A_324 = arith.constant 16 : i32
      %add3A_325 = arith.addi %while3A_323, %add3A_324 : i32
      %sub3A_326 = arith.constant 1 : i32
      %sub3A_327 = arith.subi %add3A_325, %sub3A_326 : i32
      %jit3A_328 = arith.constant 16 : i32
      %div3A_329 = arith.divsi %sub3A_327, %jit3A_328 : i32
      %sign3A_330 = arith.constant 0 : i32
      %sign3A_331 = arith.cmpi sgt, %sub3A_327, %sign3A_330 : i32
      %sign3A_332 = arith.extui %sign3A_331 : i1 to i32
      %sign3A_333 = arith.constant 0 : i32
      %sign3A_334 = arith.cmpi slt, %sub3A_327, %sign3A_333 : i32
      %sign3A_335 = arith.extui %sign3A_334 : i1 to i32
      %sign3A_336 = arith.subi %sign3A_332, %sign3A_335 : i32
      %sign3A_337 = arith.constant 0 : i32
      %sign3A_338 = arith.cmpi sgt, %jit3A_328, %sign3A_337 : i32
      %sign3A_339 = arith.extui %sign3A_338 : i1 to i32
      %sign3A_340 = arith.constant 0 : i32
      %sign3A_341 = arith.cmpi slt, %jit3A_328, %sign3A_340 : i32
      %sign3A_342 = arith.extui %sign3A_341 : i1 to i32
      %sign3A_343 = arith.subi %sign3A_339, %sign3A_342 : i32
      %ne3A_344 = arith.cmpi ne, %sign3A_336, %sign3A_343 : i32
      %rem3A_345 = arith.remsi %sub3A_327, %jit3A_328 : i32
      %ne3A_346 = arith.constant 0 : i32
      %ne3A_347 = arith.cmpi ne, %rem3A_345, %ne3A_346 : i32
      %and3A_348 = arith.andi %ne3A_344, %ne3A_347 : i1
      %sub3A_349 = arith.constant 1 : i32
      %sub3A_350 = arith.subi %div3A_329, %sub3A_349 : i32
      %select_n3A_351 = arith.select %and3A_348, %sub3A_350, %div3A_329 : i32
      %broadcast_in_dim3A_352 = vector.broadcast %sub3A_281 : i32 to vector<16xi32>
      %while3A_353 = arith.constant 0 : i32
      %while3A_354 = arith.constant 0 : i32
      %while3A_355 = arith.subi %select_n3A_351, %while3A_354 : i32
      %while3A_356 = arith.addi %while3A_354, %while3A_355 : i32
      %while3A_357 = arith.constant 1 : i32
      %while3A_358 = arith.divsi %while3A_355, %while3A_357 : i32
      %while3A_359 = arith.muli %while3A_358, %while3A_357 : i32
      %while3A_360 = arith.addi %while3A_354, %while3A_359 : i32
      %while3A_361 = arith.constant 1 : i32
      scf.for %while3A_448 = %while3A_354 to %while3A_360 step %while3A_361  : i32 {
        %rem3A_449 = arith.constant 2 : i32
        %rem3A_450 = arith.remsi %while3A_448, %rem3A_449 : i32
        %mul3A_451 = arith.constant 16 : i32
        %mul3A_452 = arith.muli %while3A_448, %mul3A_451 : i32
        %add3A_453 = vector.broadcast %mul3A_452 : i32 to vector<16xi32>
        %add3A_454 = arith.addi %add3A_453, %iota3A : vector<16xi32>
        %lt3A = vector.broadcast %while3A_323 : i32 to vector<16xi32>
        %lt3A_455 = arith.cmpi slt, %add3A_454, %lt3A : vector<16xi32>
        %jit3A_456 = arith.constant 0 : i32
        %broadcast_in_dim3A_457 = vector.broadcast %jit3A_456 : i32 to vector<16xi32>
        %select_n3A_458 = arith.select %lt3A_455, %add3A_454, %broadcast_in_dim3A_457 : vector<16xi1>, vector<16xi32>
        %gather3A = tpu.vector_load_idx %arg17[%select_n3A_458] : memref<128xi32, #tpu.memory_space<vmem>>[vector<16xi32>], vector<16xi32>,
        %jit3A_459 = arith.constant 0 : i32
        %broadcast_in_dim3A_460 = vector.broadcast %jit3A_459 : i32 to vector<16xi32>
        %select_n3A_461 = arith.select %lt3A_455, %add3A_454, %broadcast_in_dim3A_460 : vector<16xi1>, vector<16xi32>
        %gather3A_462 = tpu.vector_load_idx %arg18[%select_n3A_461] : memref<128xi32, #tpu.memory_space<vmem>>[vector<16xi32>], vector<16xi32>,
        %select_n3A_463 = arith.select %lt3A_455, %gather3A_462, %add3A_17 : vector<16xi1>, vector<16xi32>
        %scan3A_464 = arith.constant 0 : i32
        %scan3A_465 = arith.constant 0 : i32
        %scan3A_466 = arith.constant 32 : i32
        %scan3A_467 = arith.addi %scan3A_465, %scan3A_466 : i32
        %scan3A_468 = arith.constant 1 : i32
        scf.for %scan3A_492 = %scan3A_465 to %scan3A_467 step %scan3A_468  : i32 {
          %broadcast_in_dim3A_493 = vector.broadcast %scan3A_492 : i32 to vector<16xi32>
          %gather3A_494 = tpu.vector_load_idx %arg11[%broadcast_in_dim3A_352, %broadcast_in_dim3A_493, %gather3A] : memref<2x32x512xf32, #tpu.memory_space<vmem>>[vector<16xi32>, vector<16xi32>, vector<16xi32>], vector<16xf32>,
          %mul3A_495 = arith.constant 33 : i32
          %mul3A_496 = vector.broadcast %mul3A_495 : i32 to vector<16xi32>
          %mul3A_497 = arith.muli %iota3A, %mul3A_496 : vector<16xi32>
          %add3A_498 = vector.broadcast %scan3A_492 : i32 to vector<16xi32>
          %add3A_499 = arith.addi %mul3A_497, %add3A_498 : vector<16xi32>
          tpu.vector_store_idx %arg19[%add3A_499], %gather3A_494 : memref<528xf32, #tpu.memory_space<vmem>>[vector<16xi32>], vector<16xf32>,
        }
        %scan3A_469 = arith.constant 32 : i32
        %dma_wait3A_470 = arith.constant 0 : i32
        %dma_wait3A_471 = arith.constant 0 : i32
        %dma_wait3A_472 = arith.constant 0 : i32
        %dma_wait3A_473 = tpu.memref_slice %arg20[%dma_wait3A_470, %dma_wait3A_471, %dma_wait3A_472] : memref<2x16x128xf32, #tpu.memory_space<vmem>> -> memref<1x16x128xf32, #tpu.memory_space<vmem>>
        %dma_wait3A_474 = tpu.memref_squeeze %dma_wait3A_473 : memref<1x16x128xf32, #tpu.memory_space<vmem>> -> memref<16x128xf32, #tpu.memory_space<vmem>>
        %dma_wait3A_475 = arith.constant 0 : i32
        %dma_wait3A_476 = arith.constant 0 : i32
        %dma_wait3A_477 = tpu.memref_slice %arg6[%dma_wait3A_475, %dma_wait3A_476] : memref<16400x128xf32, #tpu.memory_space<hbm>> -> memref<16400x128xf32, #tpu.memory_space<hbm>>
        tpu.wait_indirect_dma semaphore(%arg23 : memref<!tpu.dma_semaphore, #tpu.memory_space<semaphore_mem>>) src(%dma_wait3A_474 : memref<16x128xf32, #tpu.memory_space<vmem>>) dst(%dma_wait3A_477 : memref<16400x128xf32, #tpu.memory_space<hbm>>)
        %broadcast_in_dim3A_478 = vector.broadcast %rem3A_450 : i32 to vector<16xi32>
        %scan3A_479 = arith.constant 0 : i32
        %scan3A_480 = arith.constant 0 : i32
        %scan3A_481 = arith.constant 16 : i32
        %scan3A_482 = arith.addi %scan3A_480, %scan3A_481 : i32
        %scan3A_483 = arith.constant 1 : i32
        scf.for %scan3A_492 = %scan3A_480 to %scan3A_482 step %scan3A_483  : i32 {
          %mul3A_493 = arith.constant 33 : i32
          %mul3A_494 = arith.muli %scan3A_492, %mul3A_493 : i32
          %add3A_495 = vector.broadcast %mul3A_494 : i32 to vector<16xi32>
          %add3A_496 = arith.addi %add3A_495, %iota3A : vector<16xi32>
          %gather3A_497 = tpu.vector_load_idx %arg19[%add3A_496] : memref<528xf32, #tpu.memory_space<vmem>>[vector<16xi32>], vector<16xf32>,
          %mul3A_498 = arith.constant 33 : i32
          %mul3A_499 = arith.muli %scan3A_492, %mul3A_498 : i32
          %add3A_500 = arith.constant 16 : i32
          %add3A_501 = arith.addi %mul3A_499, %add3A_500 : i32
          %add3A_502 = vector.broadcast %add3A_501 : i32 to vector<16xi32>
          %add3A_503 = arith.addi %add3A_502, %iota3A : vector<16xi32>
          %gather3A_504 = tpu.vector_load_idx %arg19[%add3A_503] : memref<528xf32, #tpu.memory_space<vmem>>[vector<16xi32>], vector<16xf32>,
          %broadcast_in_dim3A_505 = vector.broadcast %scan3A_492 : i32 to vector<16xi32>
          tpu.vector_store_idx %arg20[%broadcast_in_dim3A_478, %broadcast_in_dim3A_505, %iota3A], %gather3A_497 : memref<2x16x128xf32, #tpu.memory_space<vmem>>[vector<16xi32>, vector<16xi32>, vector<16xi32>], vector<16xf32>,
          %add3A_506 = arith.constant 16 : i32
          %add3A_507 = vector.broadcast %add3A_506 : i32 to vector<16xi32>
          %add3A_508 = arith.addi %iota3A, %add3A_507 : vector<16xi32>
          tpu.vector_store_idx %arg20[%broadcast_in_dim3A_478, %broadcast_in_dim3A_505, %add3A_508], %gather3A_504 : memref<2x16x128xf32, #tpu.memory_space<vmem>>[vector<16xi32>, vector<16xi32>, vector<16xi32>], vector<16xf32>,
        }
        %scan3A_484 = arith.constant 16 : i32
        %dma_start3A_485 = arith.constant 0 : i32
        %dma_start3A_486 = arith.constant 0 : i32
        %dma_start3A_487 = tpu.memref_slice %arg20[%rem3A_450, %dma_start3A_485, %dma_start3A_486] : memref<2x16x128xf32, #tpu.memory_space<vmem>> -> memref<1x16x128xf32, #tpu.memory_space<vmem>>
        %dma_start3A_488 = tpu.memref_squeeze %dma_start3A_487 : memref<1x16x128xf32, #tpu.memory_space<vmem>> -> memref<16x128xf32, #tpu.memory_space<vmem>>
        %dma_start3A_489 = arith.constant 0 : i32
        %dma_start3A_490 = arith.constant 0 : i32
        %dma_start3A_491 = tpu.memref_slice %arg6[%dma_start3A_489, %dma_start3A_490] : memref<16400x128xf32, #tpu.memory_space<hbm>> -> memref<16400x128xf32, #tpu.memory_space<hbm>>
        tpu.enqueue_indirect_dma source(%dma_start3A_488 : memref<16x128xf32, #tpu.memory_space<vmem>>) target(%dma_start3A_491 : memref<16400x128xf32, #tpu.memory_space<hbm>>) offsets(%select_n3A_463 : vector<16xi32>) semaphore(%arg23 : memref<!tpu.dma_semaphore, #tpu.memory_space<semaphore_mem>>)
      }
      %while3A_362 = arith.constant 1 : i32
      scf.for %while3A_448 = %while3A_360 to %while3A_356 step %while3A_362  : i32 {
        %rem3A_449 = arith.constant 2 : i32
        %rem3A_450 = arith.remsi %while3A_448, %rem3A_449 : i32
        %mul3A_451 = arith.constant 16 : i32
        %mul3A_452 = arith.muli %while3A_448, %mul3A_451 : i32
        %add3A_453 = vector.broadcast %mul3A_452 : i32 to vector<16xi32>
        %add3A_454 = arith.addi %add3A_453, %iota3A : vector<16xi32>
        %lt3A = vector.broadcast %while3A_323 : i32 to vector<16xi32>
        %lt3A_455 = arith.cmpi slt, %add3A_454, %lt3A : vector<16xi32>
        %jit3A_456 = arith.constant 0 : i32
        %broadcast_in_dim3A_457 = vector.broadcast %jit3A_456 : i32 to vector<16xi32>
        %select_n3A_458 = arith.select %lt3A_455, %add3A_454, %broadcast_in_dim3A_457 : vector<16xi1>, vector<16xi32>
        %gather3A = tpu.vector_load_idx %arg17[%select_n3A_458] : memref<128xi32, #tpu.memory_space<vmem>>[vector<16xi32>], vector<16xi32>,
        %jit3A_459 = arith.constant 0 : i32
        %broadcast_in_dim3A_460 = vector.broadcast %jit3A_459 : i32 to vector<16xi32>
        %select_n3A_461 = arith.select %lt3A_455, %add3A_454, %broadcast_in_dim3A_460 : vector<16xi1>, vector<16xi32>
        %gather3A_462 = tpu.vector_load_idx %arg18[%select_n3A_461] : memref<128xi32, #tpu.memory_space<vmem>>[vector<16xi32>], vector<16xi32>,
        %select_n3A_463 = arith.select %lt3A_455, %gather3A_462, %add3A_17 : vector<16xi1>, vector<16xi32>
        %scan3A_464 = arith.constant 0 : i32
        %scan3A_465 = arith.constant 0 : i32
        %scan3A_466 = arith.constant 32 : i32
        %scan3A_467 = arith.addi %scan3A_465, %scan3A_466 : i32
        %scan3A_468 = arith.constant 1 : i32
        scf.for %scan3A_492 = %scan3A_465 to %scan3A_467 step %scan3A_468  : i32 {
          %broadcast_in_dim3A_493 = vector.broadcast %scan3A_492 : i32 to vector<16xi32>
          %gather3A_494 = tpu.vector_load_idx %arg11[%broadcast_in_dim3A_352, %broadcast_in_dim3A_493, %gather3A] : memref<2x32x512xf32, #tpu.memory_space<vmem>>[vector<16xi32>, vector<16xi32>, vector<16xi32>], vector<16xf32>,
          %mul3A_495 = arith.constant 33 : i32
          %mul3A_496 = vector.broadcast %mul3A_495 : i32 to vector<16xi32>
          %mul3A_497 = arith.muli %iota3A, %mul3A_496 : vector<16xi32>
          %add3A_498 = vector.broadcast %scan3A_492 : i32 to vector<16xi32>
          %add3A_499 = arith.addi %mul3A_497, %add3A_498 : vector<16xi32>
          tpu.vector_store_idx %arg19[%add3A_499], %gather3A_494 : memref<528xf32, #tpu.memory_space<vmem>>[vector<16xi32>], vector<16xf32>,
        }
        %scan3A_469 = arith.constant 32 : i32
        %dma_wait3A_470 = arith.constant 0 : i32
        %dma_wait3A_471 = arith.constant 0 : i32
        %dma_wait3A_472 = arith.constant 0 : i32
        %dma_wait3A_473 = tpu.memref_slice %arg20[%dma_wait3A_470, %dma_wait3A_471, %dma_wait3A_472] : memref<2x16x128xf32, #tpu.memory_space<vmem>> -> memref<1x16x128xf32, #tpu.memory_space<vmem>>
        %dma_wait3A_474 = tpu.memref_squeeze %dma_wait3A_473 : memref<1x16x128xf32, #tpu.memory_space<vmem>> -> memref<16x128xf32, #tpu.memory_space<vmem>>
        %dma_wait3A_475 = arith.constant 0 : i32
        %dma_wait3A_476 = arith.constant 0 : i32
        %dma_wait3A_477 = tpu.memref_slice %arg6[%dma_wait3A_475, %dma_wait3A_476] : memref<16400x128xf32, #tpu.memory_space<hbm>> -> memref<16400x128xf32, #tpu.memory_space<hbm>>
        tpu.wait_indirect_dma semaphore(%arg23 : memref<!tpu.dma_semaphore, #tpu.memory_space<semaphore_mem>>) src(%dma_wait3A_474 : memref<16x128xf32, #tpu.memory_space<vmem>>) dst(%dma_wait3A_477 : memref<16400x128xf32, #tpu.memory_space<hbm>>)
        %broadcast_in_dim3A_478 = vector.broadcast %rem3A_450 : i32 to vector<16xi32>
        %scan3A_479 = arith.constant 0 : i32
        %scan3A_480 = arith.constant 0 : i32
        %scan3A_481 = arith.constant 16 : i32
        %scan3A_482 = arith.addi %scan3A_480, %scan3A_481 : i32
        %scan3A_483 = arith.constant 1 : i32
        scf.for %scan3A_492 = %scan3A_480 to %scan3A_482 step %scan3A_483  : i32 {
          %mul3A_493 = arith.constant 33 : i32
          %mul3A_494 = arith.muli %scan3A_492, %mul3A_493 : i32
          %add3A_495 = vector.broadcast %mul3A_494 : i32 to vector<16xi32>
          %add3A_496 = arith.addi %add3A_495, %iota3A : vector<16xi32>
          %gather3A_497 = tpu.vector_load_idx %arg19[%add3A_496] : memref<528xf32, #tpu.memory_space<vmem>>[vector<16xi32>], vector<16xf32>,
          %mul3A_498 = arith.constant 33 : i32
          %mul3A_499 = arith.muli %scan3A_492, %mul3A_498 : i32
          %add3A_500 = arith.constant 16 : i32
          %add3A_501 = arith.addi %mul3A_499, %add3A_500 : i32
          %add3A_502 = vector.broadcast %add3A_501 : i32 to vector<16xi32>
          %add3A_503 = arith.addi %add3A_502, %iota3A : vector<16xi32>
          %gather3A_504 = tpu.vector_load_idx %arg19[%add3A_503] : memref<528xf32, #tpu.memory_space<vmem>>[vector<16xi32>], vector<16xf32>,
          %broadcast_in_dim3A_505 = vector.broadcast %scan3A_492 : i32 to vector<16xi32>
          tpu.vector_store_idx %arg20[%broadcast_in_dim3A_478, %broadcast_in_dim3A_505, %iota3A], %gather3A_497 : memref<2x16x128xf32, #tpu.memory_space<vmem>>[vector<16xi32>, vector<16xi32>, vector<16xi32>], vector<16xf32>,
          %add3A_506 = arith.constant 16 : i32
          %add3A_507 = vector.broadcast %add3A_506 : i32 to vector<16xi32>
          %add3A_508 = arith.addi %iota3A, %add3A_507 : vector<16xi32>
          tpu.vector_store_idx %arg20[%broadcast_in_dim3A_478, %broadcast_in_dim3A_505, %add3A_508], %gather3A_504 : memref<2x16x128xf32, #tpu.memory_space<vmem>>[vector<16xi32>, vector<16xi32>, vector<16xi32>], vector<16xf32>,
        }
        %scan3A_484 = arith.constant 16 : i32
        %dma_start3A_485 = arith.constant 0 : i32
        %dma_start3A_486 = arith.constant 0 : i32
        %dma_start3A_487 = tpu.memref_slice %arg20[%rem3A_450, %dma_start3A_485, %dma_start3A_486] : memref<2x16x128xf32, #tpu.memory_space<vmem>> -> memref<1x16x128xf32, #tpu.memory_space<vmem>>
        %dma_start3A_488 = tpu.memref_squeeze %dma_start3A_487 : memref<1x16x128xf32, #tpu.memory_space<vmem>> -> memref<16x128xf32, #tpu.memory_space<vmem>>
        %dma_start3A_489 = arith.constant 0 : i32
        %dma_start3A_490 = arith.constant 0 : i32
        %dma_start3A_491 = tpu.memref_slice %arg6[%dma_start3A_489, %dma_start3A_490] : memref<16400x128xf32, #tpu.memory_space<hbm>> -> memref<16400x128xf32, #tpu.memory_space<hbm>>
        tpu.enqueue_indirect_dma source(%dma_start3A_488 : memref<16x128xf32, #tpu.memory_space<vmem>>) target(%dma_start3A_491 : memref<16400x128xf32, #tpu.memory_space<hbm>>) offsets(%select_n3A_463 : vector<16xi32>) semaphore(%arg23 : memref<!tpu.dma_semaphore, #tpu.memory_space<semaphore_mem>>)
      }
      %sub3A_363 = arith.constant 1 : i32
      %sub3A_364 = arith.subi %while3A_243, %sub3A_363 : i32
      %sub3A_365 = arith.constant 1 : i32
      %sub3A_366 = arith.subi %sub3A_365, %rem3A_245 : i32
      %mul3A_367 = arith.constant 512 : i32
      %mul3A_368 = arith.muli %sub3A_364, %mul3A_367 : i32
      %add3A_369 = arith.constant 16 : i32
      %add3A_370 = arith.addi %scan3A_32#1, %add3A_369 : i32
      %sub3A_371 = arith.constant 1 : i32
      %sub3A_372 = arith.subi %add3A_370, %sub3A_371 : i32
      %jit3A_373 = arith.constant 16 : i32
      %div3A_374 = arith.divsi %sub3A_372, %jit3A_373 : i32
      %sign3A_375 = arith.constant 0 : i32
      %sign3A_376 = arith.cmpi sgt, %sub3A_372, %sign3A_375 : i32
      %sign3A_377 = arith.extui %sign3A_376 : i1 to i32
      %sign3A_378 = arith.constant 0 : i32
      %sign3A_379 = arith.cmpi slt, %sub3A_372, %sign3A_378 : i32
      %sign3A_380 = arith.extui %sign3A_379 : i1 to i32
      %sign3A_381 = arith.subi %sign3A_377, %sign3A_380 : i32
      %sign3A_382 = arith.constant 0 : i32
      %sign3A_383 = arith.cmpi sgt, %jit3A_373, %sign3A_382 : i32
      %sign3A_384 = arith.extui %sign3A_383 : i1 to i32
      %sign3A_385 = arith.constant 0 : i32
      %sign3A_386 = arith.cmpi slt, %jit3A_373, %sign3A_385 : i32
      %sign3A_387 = arith.extui %sign3A_386 : i1 to i32
      %sign3A_388 = arith.subi %sign3A_384, %sign3A_387 : i32
      %ne3A_389 = arith.cmpi ne, %sign3A_381, %sign3A_388 : i32
      %rem3A_390 = arith.remsi %sub3A_372, %jit3A_373 : i32
      %ne3A_391 = arith.constant 0 : i32
      %ne3A_392 = arith.cmpi ne, %rem3A_390, %ne3A_391 : i32
      %and3A_393 = arith.andi %ne3A_389, %ne3A_392 : i1
      %sub3A_394 = arith.constant 1 : i32
      %sub3A_395 = arith.subi %div3A_374, %sub3A_394 : i32
      %select_n3A_396 = arith.select %and3A_393, %sub3A_395, %div3A_374 : i32
      %while3A_397 = arith.constant 0 : i32
      %while3A_398 = arith.constant 0 : i32
      %while3A_399 = arith.subi %select_n3A_396, %while3A_397 : i32
      %while3A_400 = arith.addi %while3A_397, %while3A_399 : i32
      %while3A_401 = arith.constant 1 : i32
      %while3A_402 = arith.divsi %while3A_399, %while3A_401 : i32
      %while3A_403 = arith.muli %while3A_402, %while3A_401 : i32
      %while3A_404 = arith.addi %while3A_397, %while3A_403 : i32
      %while3A_405 = arith.constant 1 : i32
      %while3A_406 = scf.for %while3A_448 = %while3A_397 to %while3A_404 step %while3A_405 iter_args(%while3A_449 = %while3A_398) -> (i32)  : i32 {
        %mul3A_450 = arith.constant 16 : i32
        %mul3A_451 = arith.muli %while3A_448, %mul3A_450 : i32
        %add3A_452 = vector.broadcast %mul3A_451 : i32 to vector<16xi32>
        %add3A_453 = arith.addi %add3A_452, %iota3A : vector<16xi32>
        %gather3A = tpu.vector_load_idx %arg15[%add3A_453] : memref<1024xi32, #tpu.memory_space<vmem>>[vector<16xi32>], vector<16xi32>,
        %gather3A_454 = tpu.vector_load_idx %arg16[%add3A_453] : memref<1024xi32, #tpu.memory_space<vmem>>[vector<16xi32>], vector<16xi32>,
        %lt3A = vector.broadcast %scan3A_32#1 : i32 to vector<16xi32>
        %lt3A_455 = arith.cmpi slt, %add3A_453, %lt3A : vector<16xi32>
        %ge3A_456 = vector.broadcast %mul3A_368 : i32 to vector<16xi32>
        %ge3A_457 = arith.cmpi sge, %gather3A, %ge3A_456 : vector<16xi32>
        %and3A_458 = arith.andi %lt3A_455, %ge3A_457 : vector<16xi1>
        %add3A_459 = arith.constant 512 : i32
        %add3A_460 = arith.addi %mul3A_368, %add3A_459 : i32
        %lt3A_461 = vector.broadcast %add3A_460 : i32 to vector<16xi32>
        %lt3A_462 = arith.cmpi slt, %gather3A, %lt3A_461 : vector<16xi32>
        %and3A_463 = arith.andi %and3A_458, %lt3A_462 : vector<16xi1>
        %jit3A_464 = arith.constant 1 : i32
        %jit3A_465 = arith.constant 0 : i32
        %broadcast_in_dim3A_466 = vector.broadcast %jit3A_464 : i32 to vector<16xi32>
        %broadcast_in_dim3A_467 = vector.broadcast %jit3A_465 : i32 to vector<16xi32>
        %select_n3A_468 = arith.select %and3A_463, %broadcast_in_dim3A_466, %broadcast_in_dim3A_467 : vector<16xi1>, vector<16xi32>
        %broadcast_in_dim3A_469 = arith.constant true
        %broadcast_in_dim3A_470 = vector.broadcast %broadcast_in_dim3A_469 : i1 to vector<16xi1>
        %masked_cumsum3A = tpu.scan <sum>, %select_n3A_468 masked %broadcast_in_dim3A_470 : vector<16xi32>, vector<16xi1> -> vector<16xi32>
        %add3A_471 = vector.broadcast %while3A_449 : i32 to vector<16xi32>
        %add3A_472 = arith.addi %add3A_471, %masked_cumsum3A : vector<16xi32>
        %sub3A_473 = arith.constant 1 : i32
        %sub3A_474 = vector.broadcast %sub3A_473 : i32 to vector<16xi32>
        %sub3A_475 = arith.subi %add3A_472, %sub3A_474 : vector<16xi32>
        %sub3A_476 = vector.broadcast %mul3A_368 : i32 to vector<16xi32>
        %sub3A_477 = arith.subi %gather3A, %sub3A_476 : vector<16xi32>
        tpu.vector_store_idx %arg17[%sub3A_475], %sub3A_477 masked %and3A_463 : memref<128xi32, #tpu.memory_space<vmem>>[vector<16xi32>], vector<16xi32>, vector<16xi1>
        tpu.vector_store_idx %arg18[%sub3A_475], %gather3A_454 masked %and3A_463 : memref<128xi32, #tpu.memory_space<vmem>>[vector<16xi32>], vector<16xi32>, vector<16xi1>
        %slice3A = vector.extract_strided_slice %masked_cumsum3A {offsets = [15], sizes = [1], strides = [1]} : vector<16xi32> to vector<1xi32>
        %squeeze3A = vector.extract %slice3A[0] : i32 from vector<1xi32>
        %add3A_478 = arith.addi %while3A_449, %squeeze3A : i32
        scf.yield %add3A_478 : i32
      }
      %while3A_407 = arith.constant 1 : i32
      %while3A_408 = scf.for %while3A_448 = %while3A_404 to %while3A_400 step %while3A_407 iter_args(%while3A_449 = %while3A_406) -> (i32)  : i32 {
        %mul3A_450 = arith.constant 16 : i32
        %mul3A_451 = arith.muli %while3A_448, %mul3A_450 : i32
        %add3A_452 = vector.broadcast %mul3A_451 : i32 to vector<16xi32>
        %add3A_453 = arith.addi %add3A_452, %iota3A : vector<16xi32>
        %gather3A = tpu.vector_load_idx %arg15[%add3A_453] : memref<1024xi32, #tpu.memory_space<vmem>>[vector<16xi32>], vector<16xi32>,
        %gather3A_454 = tpu.vector_load_idx %arg16[%add3A_453] : memref<1024xi32, #tpu.memory_space<vmem>>[vector<16xi32>], vector<16xi32>,
        %lt3A = vector.broadcast %scan3A_32#1 : i32 to vector<16xi32>
        %lt3A_455 = arith.cmpi slt, %add3A_453, %lt3A : vector<16xi32>
        %ge3A_456 = vector.broadcast %mul3A_368 : i32 to vector<16xi32>
        %ge3A_457 = arith.cmpi sge, %gather3A, %ge3A_456 : vector<16xi32>
        %and3A_458 = arith.andi %lt3A_455, %ge3A_457 : vector<16xi1>
        %add3A_459 = arith.constant 512 : i32
        %add3A_460 = arith.addi %mul3A_368, %add3A_459 : i32
        %lt3A_461 = vector.broadcast %add3A_460 : i32 to vector<16xi32>
        %lt3A_462 = arith.cmpi slt, %gather3A, %lt3A_461 : vector<16xi32>
        %and3A_463 = arith.andi %and3A_458, %lt3A_462 : vector<16xi1>
        %jit3A_464 = arith.constant 1 : i32
        %jit3A_465 = arith.constant 0 : i32
        %broadcast_in_dim3A_466 = vector.broadcast %jit3A_464 : i32 to vector<16xi32>
        %broadcast_in_dim3A_467 = vector.broadcast %jit3A_465 : i32 to vector<16xi32>
        %select_n3A_468 = arith.select %and3A_463, %broadcast_in_dim3A_466, %broadcast_in_dim3A_467 : vector<16xi1>, vector<16xi32>
        %broadcast_in_dim3A_469 = arith.constant true
        %broadcast_in_dim3A_470 = vector.broadcast %broadcast_in_dim3A_469 : i1 to vector<16xi1>
        %masked_cumsum3A = tpu.scan <sum>, %select_n3A_468 masked %broadcast_in_dim3A_470 : vector<16xi32>, vector<16xi1> -> vector<16xi32>
        %add3A_471 = vector.broadcast %while3A_449 : i32 to vector<16xi32>
        %add3A_472 = arith.addi %add3A_471, %masked_cumsum3A : vector<16xi32>
        %sub3A_473 = arith.constant 1 : i32
        %sub3A_474 = vector.broadcast %sub3A_473 : i32 to vector<16xi32>
        %sub3A_475 = arith.subi %add3A_472, %sub3A_474 : vector<16xi32>
        %sub3A_476 = vector.broadcast %mul3A_368 : i32 to vector<16xi32>
        %sub3A_477 = arith.subi %gather3A, %sub3A_476 : vector<16xi32>
        tpu.vector_store_idx %arg17[%sub3A_475], %sub3A_477 masked %and3A_463 : memref<128xi32, #tpu.memory_space<vmem>>[vector<16xi32>], vector<16xi32>, vector<16xi1>
        tpu.vector_store_idx %arg18[%sub3A_475], %gather3A_454 masked %and3A_463 : memref<128xi32, #tpu.memory_space<vmem>>[vector<16xi32>], vector<16xi32>, vector<16xi1>
        %slice3A = vector.extract_strided_slice %masked_cumsum3A {offsets = [15], sizes = [1], strides = [1]} : vector<16xi32> to vector<1xi32>
        %squeeze3A = vector.extract %slice3A[0] : i32 from vector<1xi32>
        %add3A_478 = arith.addi %while3A_449, %squeeze3A : i32
        scf.yield %add3A_478 : i32
      }
      %add3A_409 = arith.constant 16 : i32
      %add3A_410 = arith.addi %while3A_408, %add3A_409 : i32
      %sub3A_411 = arith.constant 1 : i32
      %sub3A_412 = arith.subi %add3A_410, %sub3A_411 : i32
      %jit3A_413 = arith.constant 16 : i32
      %div3A_414 = arith.divsi %sub3A_412, %jit3A_413 : i32
      %sign3A_415 = arith.constant 0 : i32
      %sign3A_416 = arith.cmpi sgt, %sub3A_412, %sign3A_415 : i32
      %sign3A_417 = arith.extui %sign3A_416 : i1 to i32
      %sign3A_418 = arith.constant 0 : i32
      %sign3A_419 = arith.cmpi slt, %sub3A_412, %sign3A_418 : i32
      %sign3A_420 = arith.extui %sign3A_419 : i1 to i32
      %sign3A_421 = arith.subi %sign3A_417, %sign3A_420 : i32
      %sign3A_422 = arith.constant 0 : i32
      %sign3A_423 = arith.cmpi sgt, %jit3A_413, %sign3A_422 : i32
      %sign3A_424 = arith.extui %sign3A_423 : i1 to i32
      %sign3A_425 = arith.constant 0 : i32
      %sign3A_426 = arith.cmpi slt, %jit3A_413, %sign3A_425 : i32
      %sign3A_427 = arith.extui %sign3A_426 : i1 to i32
      %sign3A_428 = arith.subi %sign3A_424, %sign3A_427 : i32
      %ne3A_429 = arith.cmpi ne, %sign3A_421, %sign3A_428 : i32
      %rem3A_430 = arith.remsi %sub3A_412, %jit3A_413 : i32
      %ne3A_431 = arith.constant 0 : i32
      %ne3A_432 = arith.cmpi ne, %rem3A_430, %ne3A_431 : i32
      %and3A_433 = arith.andi %ne3A_429, %ne3A_432 : i1
      %sub3A_434 = arith.constant 1 : i32
      %sub3A_435 = arith.subi %div3A_414, %sub3A_434 : i32
      %select_n3A_436 = arith.select %and3A_433, %sub3A_435, %div3A_414 : i32
      %broadcast_in_dim3A_437 = vector.broadcast %sub3A_366 : i32 to vector<16xi32>
      %while3A_438 = arith.constant 0 : i32
      %while3A_439 = arith.constant 0 : i32
      %while3A_440 = arith.subi %select_n3A_436, %while3A_439 : i32
      %while3A_441 = arith.addi %while3A_439, %while3A_440 : i32
      %while3A_442 = arith.constant 1 : i32
      %while3A_443 = arith.divsi %while3A_440, %while3A_442 : i32
      %while3A_444 = arith.muli %while3A_443, %while3A_442 : i32
      %while3A_445 = arith.addi %while3A_439, %while3A_444 : i32
      %while3A_446 = arith.constant 1 : i32
      scf.for %while3A_448 = %while3A_439 to %while3A_445 step %while3A_446  : i32 {
        %rem3A_449 = arith.constant 2 : i32
        %rem3A_450 = arith.remsi %while3A_448, %rem3A_449 : i32
        %mul3A_451 = arith.constant 16 : i32
        %mul3A_452 = arith.muli %while3A_448, %mul3A_451 : i32
        %add3A_453 = vector.broadcast %mul3A_452 : i32 to vector<16xi32>
        %add3A_454 = arith.addi %add3A_453, %iota3A : vector<16xi32>
        %lt3A = vector.broadcast %while3A_408 : i32 to vector<16xi32>
        %lt3A_455 = arith.cmpi slt, %add3A_454, %lt3A : vector<16xi32>
        %jit3A_456 = arith.constant 0 : i32
        %broadcast_in_dim3A_457 = vector.broadcast %jit3A_456 : i32 to vector<16xi32>
        %select_n3A_458 = arith.select %lt3A_455, %add3A_454, %broadcast_in_dim3A_457 : vector<16xi1>, vector<16xi32>
        %gather3A = tpu.vector_load_idx %arg17[%select_n3A_458] : memref<128xi32, #tpu.memory_space<vmem>>[vector<16xi32>], vector<16xi32>,
        %jit3A_459 = arith.constant 0 : i32
        %broadcast_in_dim3A_460 = vector.broadcast %jit3A_459 : i32 to vector<16xi32>
        %select_n3A_461 = arith.select %lt3A_455, %add3A_454, %broadcast_in_dim3A_460 : vector<16xi1>, vector<16xi32>
        %gather3A_462 = tpu.vector_load_idx %arg18[%select_n3A_461] : memref<128xi32, #tpu.memory_space<vmem>>[vector<16xi32>], vector<16xi32>,
        %select_n3A_463 = arith.select %lt3A_455, %gather3A_462, %add3A_17 : vector<16xi1>, vector<16xi32>
        %scan3A_464 = arith.constant 0 : i32
        %scan3A_465 = arith.constant 0 : i32
        %scan3A_466 = arith.constant 32 : i32
        %scan3A_467 = arith.addi %scan3A_465, %scan3A_466 : i32
        %scan3A_468 = arith.constant 1 : i32
        scf.for %scan3A_492 = %scan3A_465 to %scan3A_467 step %scan3A_468  : i32 {
          %broadcast_in_dim3A_493 = vector.broadcast %scan3A_492 : i32 to vector<16xi32>
          %gather3A_494 = tpu.vector_load_idx %arg12[%broadcast_in_dim3A_437, %broadcast_in_dim3A_493, %gather3A] : memref<2x32x512xf32, #tpu.memory_space<vmem>>[vector<16xi32>, vector<16xi32>, vector<16xi32>], vector<16xf32>,
          %mul3A_495 = arith.constant 33 : i32
          %mul3A_496 = vector.broadcast %mul3A_495 : i32 to vector<16xi32>
          %mul3A_497 = arith.muli %iota3A, %mul3A_496 : vector<16xi32>
          %add3A_498 = vector.broadcast %scan3A_492 : i32 to vector<16xi32>
          %add3A_499 = arith.addi %mul3A_497, %add3A_498 : vector<16xi32>
          tpu.vector_store_idx %arg19[%add3A_499], %gather3A_494 : memref<528xf32, #tpu.memory_space<vmem>>[vector<16xi32>], vector<16xf32>,
        }
        %scan3A_469 = arith.constant 32 : i32
        %dma_wait3A_470 = arith.constant 0 : i32
        %dma_wait3A_471 = arith.constant 0 : i32
        %dma_wait3A_472 = arith.constant 0 : i32
        %dma_wait3A_473 = tpu.memref_slice %arg20[%dma_wait3A_470, %dma_wait3A_471, %dma_wait3A_472] : memref<2x16x128xf32, #tpu.memory_space<vmem>> -> memref<1x16x128xf32, #tpu.memory_space<vmem>>
        %dma_wait3A_474 = tpu.memref_squeeze %dma_wait3A_473 : memref<1x16x128xf32, #tpu.memory_space<vmem>> -> memref<16x128xf32, #tpu.memory_space<vmem>>
        %dma_wait3A_475 = arith.constant 0 : i32
        %dma_wait3A_476 = arith.constant 0 : i32
        %dma_wait3A_477 = tpu.memref_slice %arg6[%dma_wait3A_475, %dma_wait3A_476] : memref<16400x128xf32, #tpu.memory_space<hbm>> -> memref<16400x128xf32, #tpu.memory_space<hbm>>
        tpu.wait_indirect_dma semaphore(%arg23 : memref<!tpu.dma_semaphore, #tpu.memory_space<semaphore_mem>>) src(%dma_wait3A_474 : memref<16x128xf32, #tpu.memory_space<vmem>>) dst(%dma_wait3A_477 : memref<16400x128xf32, #tpu.memory_space<hbm>>)
        %broadcast_in_dim3A_478 = vector.broadcast %rem3A_450 : i32 to vector<16xi32>
        %scan3A_479 = arith.constant 0 : i32
        %scan3A_480 = arith.constant 0 : i32
        %scan3A_481 = arith.constant 16 : i32
        %scan3A_482 = arith.addi %scan3A_480, %scan3A_481 : i32
        %scan3A_483 = arith.constant 1 : i32
        scf.for %scan3A_492 = %scan3A_480 to %scan3A_482 step %scan3A_483  : i32 {
          %mul3A_493 = arith.constant 33 : i32
          %mul3A_494 = arith.muli %scan3A_492, %mul3A_493 : i32
          %add3A_495 = vector.broadcast %mul3A_494 : i32 to vector<16xi32>
          %add3A_496 = arith.addi %add3A_495, %iota3A : vector<16xi32>
          %gather3A_497 = tpu.vector_load_idx %arg19[%add3A_496] : memref<528xf32, #tpu.memory_space<vmem>>[vector<16xi32>], vector<16xf32>,
          %mul3A_498 = arith.constant 33 : i32
          %mul3A_499 = arith.muli %scan3A_492, %mul3A_498 : i32
          %add3A_500 = arith.constant 16 : i32
          %add3A_501 = arith.addi %mul3A_499, %add3A_500 : i32
          %add3A_502 = vector.broadcast %add3A_501 : i32 to vector<16xi32>
          %add3A_503 = arith.addi %add3A_502, %iota3A : vector<16xi32>
          %gather3A_504 = tpu.vector_load_idx %arg19[%add3A_503] : memref<528xf32, #tpu.memory_space<vmem>>[vector<16xi32>], vector<16xf32>,
          %broadcast_in_dim3A_505 = vector.broadcast %scan3A_492 : i32 to vector<16xi32>
          tpu.vector_store_idx %arg20[%broadcast_in_dim3A_478, %broadcast_in_dim3A_505, %iota3A], %gather3A_497 : memref<2x16x128xf32, #tpu.memory_space<vmem>>[vector<16xi32>, vector<16xi32>, vector<16xi32>], vector<16xf32>,
          %add3A_506 = arith.constant 16 : i32
          %add3A_507 = vector.broadcast %add3A_506 : i32 to vector<16xi32>
          %add3A_508 = arith.addi %iota3A, %add3A_507 : vector<16xi32>
          tpu.vector_store_idx %arg20[%broadcast_in_dim3A_478, %broadcast_in_dim3A_505, %add3A_508], %gather3A_504 : memref<2x16x128xf32, #tpu.memory_space<vmem>>[vector<16xi32>, vector<16xi32>, vector<16xi32>], vector<16xf32>,
        }
        %scan3A_484 = arith.constant 16 : i32
        %dma_start3A_485 = arith.constant 0 : i32
        %dma_start3A_486 = arith.constant 0 : i32
        %dma_start3A_487 = tpu.memref_slice %arg20[%rem3A_450, %dma_start3A_485, %dma_start3A_486] : memref<2x16x128xf32, #tpu.memory_space<vmem>> -> memref<1x16x128xf32, #tpu.memory_space<vmem>>
        %dma_start3A_488 = tpu.memref_squeeze %dma_start3A_487 : memref<1x16x128xf32, #tpu.memory_space<vmem>> -> memref<16x128xf32, #tpu.memory_space<vmem>>
        %dma_start3A_489 = arith.constant 0 : i32
        %dma_start3A_490 = arith.constant 0 : i32
        %dma_start3A_491 = tpu.memref_slice %arg7[%dma_start3A_489, %dma_start3A_490] : memref<16400x128xf32, #tpu.memory_space<hbm>> -> memref<16400x128xf32, #tpu.memory_space<hbm>>
        tpu.enqueue_indirect_dma source(%dma_start3A_488 : memref<16x128xf32, #tpu.memory_space<vmem>>) target(%dma_start3A_491 : memref<16400x128xf32, #tpu.memory_space<hbm>>) offsets(%select_n3A_463 : vector<16xi32>) semaphore(%arg23 : memref<!tpu.dma_semaphore, #tpu.memory_space<semaphore_mem>>)
      }
      %while3A_447 = arith.constant 1 : i32
      scf.for %while3A_448 = %while3A_445 to %while3A_441 step %while3A_447  : i32 {
        %rem3A_449 = arith.constant 2 : i32
        %rem3A_450 = arith.remsi %while3A_448, %rem3A_449 : i32
        %mul3A_451 = arith.constant 16 : i32
        %mul3A_452 = arith.muli %while3A_448, %mul3A_451 : i32
        %add3A_453 = vector.broadcast %mul3A_452 : i32 to vector<16xi32>
        %add3A_454 = arith.addi %add3A_453, %iota3A : vector<16xi32>
        %lt3A = vector.broadcast %while3A_408 : i32 to vector<16xi32>
        %lt3A_455 = arith.cmpi slt, %add3A_454, %lt3A : vector<16xi32>
        %jit3A_456 = arith.constant 0 : i32
        %broadcast_in_dim3A_457 = vector.broadcast %jit3A_456 : i32 to vector<16xi32>
        %select_n3A_458 = arith.select %lt3A_455, %add3A_454, %broadcast_in_dim3A_457 : vector<16xi1>, vector<16xi32>
        %gather3A = tpu.vector_load_idx %arg17[%select_n3A_458] : memref<128xi32, #tpu.memory_space<vmem>>[vector<16xi32>], vector<16xi32>,
        %jit3A_459 = arith.constant 0 : i32
        %broadcast_in_dim3A_460 = vector.broadcast %jit3A_459 : i32 to vector<16xi32>
        %select_n3A_461 = arith.select %lt3A_455, %add3A_454, %broadcast_in_dim3A_460 : vector<16xi1>, vector<16xi32>
        %gather3A_462 = tpu.vector_load_idx %arg18[%select_n3A_461] : memref<128xi32, #tpu.memory_space<vmem>>[vector<16xi32>], vector<16xi32>,
        %select_n3A_463 = arith.select %lt3A_455, %gather3A_462, %add3A_17 : vector<16xi1>, vector<16xi32>
        %scan3A_464 = arith.constant 0 : i32
        %scan3A_465 = arith.constant 0 : i32
        %scan3A_466 = arith.constant 32 : i32
        %scan3A_467 = arith.addi %scan3A_465, %scan3A_466 : i32
        %scan3A_468 = arith.constant 1 : i32
        scf.for %scan3A_492 = %scan3A_465 to %scan3A_467 step %scan3A_468  : i32 {
          %broadcast_in_dim3A_493 = vector.broadcast %scan3A_492 : i32 to vector<16xi32>
          %gather3A_494 = tpu.vector_load_idx %arg12[%broadcast_in_dim3A_437, %broadcast_in_dim3A_493, %gather3A] : memref<2x32x512xf32, #tpu.memory_space<vmem>>[vector<16xi32>, vector<16xi32>, vector<16xi32>], vector<16xf32>,
          %mul3A_495 = arith.constant 33 : i32
          %mul3A_496 = vector.broadcast %mul3A_495 : i32 to vector<16xi32>
          %mul3A_497 = arith.muli %iota3A, %mul3A_496 : vector<16xi32>
          %add3A_498 = vector.broadcast %scan3A_492 : i32 to vector<16xi32>
          %add3A_499 = arith.addi %mul3A_497, %add3A_498 : vector<16xi32>
          tpu.vector_store_idx %arg19[%add3A_499], %gather3A_494 : memref<528xf32, #tpu.memory_space<vmem>>[vector<16xi32>], vector<16xf32>,
        }
        %scan3A_469 = arith.constant 32 : i32
        %dma_wait3A_470 = arith.constant 0 : i32
        %dma_wait3A_471 = arith.constant 0 : i32
        %dma_wait3A_472 = arith.constant 0 : i32
        %dma_wait3A_473 = tpu.memref_slice %arg20[%dma_wait3A_470, %dma_wait3A_471, %dma_wait3A_472] : memref<2x16x128xf32, #tpu.memory_space<vmem>> -> memref<1x16x128xf32, #tpu.memory_space<vmem>>
        %dma_wait3A_474 = tpu.memref_squeeze %dma_wait3A_473 : memref<1x16x128xf32, #tpu.memory_space<vmem>> -> memref<16x128xf32, #tpu.memory_space<vmem>>
        %dma_wait3A_475 = arith.constant 0 : i32
        %dma_wait3A_476 = arith.constant 0 : i32
        %dma_wait3A_477 = tpu.memref_slice %arg6[%dma_wait3A_475, %dma_wait3A_476] : memref<16400x128xf32, #tpu.memory_space<hbm>> -> memref<16400x128xf32, #tpu.memory_space<hbm>>
        tpu.wait_indirect_dma semaphore(%arg23 : memref<!tpu.dma_semaphore, #tpu.memory_space<semaphore_mem>>) src(%dma_wait3A_474 : memref<16x128xf32, #tpu.memory_space<vmem>>) dst(%dma_wait3A_477 : memref<16400x128xf32, #tpu.memory_space<hbm>>)
        %broadcast_in_dim3A_478 = vector.broadcast %rem3A_450 : i32 to vector<16xi32>
        %scan3A_479 = arith.constant 0 : i32
        %scan3A_480 = arith.constant 0 : i32
        %scan3A_481 = arith.constant 16 : i32
        %scan3A_482 = arith.addi %scan3A_480, %scan3A_481 : i32
        %scan3A_483 = arith.constant 1 : i32
        scf.for %scan3A_492 = %scan3A_480 to %scan3A_482 step %scan3A_483  : i32 {
          %mul3A_493 = arith.constant 33 : i32
          %mul3A_494 = arith.muli %scan3A_492, %mul3A_493 : i32
          %add3A_495 = vector.broadcast %mul3A_494 : i32 to vector<16xi32>
          %add3A_496 = arith.addi %add3A_495, %iota3A : vector<16xi32>
          %gather3A_497 = tpu.vector_load_idx %arg19[%add3A_496] : memref<528xf32, #tpu.memory_space<vmem>>[vector<16xi32>], vector<16xf32>,
          %mul3A_498 = arith.constant 33 : i32
          %mul3A_499 = arith.muli %scan3A_492, %mul3A_498 : i32
          %add3A_500 = arith.constant 16 : i32
          %add3A_501 = arith.addi %mul3A_499, %add3A_500 : i32
          %add3A_502 = vector.broadcast %add3A_501 : i32 to vector<16xi32>
          %add3A_503 = arith.addi %add3A_502, %iota3A : vector<16xi32>
          %gather3A_504 = tpu.vector_load_idx %arg19[%add3A_503] : memref<528xf32, #tpu.memory_space<vmem>>[vector<16xi32>], vector<16xf32>,
          %broadcast_in_dim3A_505 = vector.broadcast %scan3A_492 : i32 to vector<16xi32>
          tpu.vector_store_idx %arg20[%broadcast_in_dim3A_478, %broadcast_in_dim3A_505, %iota3A], %gather3A_497 : memref<2x16x128xf32, #tpu.memory_space<vmem>>[vector<16xi32>, vector<16xi32>, vector<16xi32>], vector<16xf32>,
          %add3A_506 = arith.constant 16 : i32
          %add3A_507 = vector.broadcast %add3A_506 : i32 to vector<16xi32>
          %add3A_508 = arith.addi %iota3A, %add3A_507 : vector<16xi32>
          tpu.vector_store_idx %arg20[%broadcast_in_dim3A_478, %broadcast_in_dim3A_505, %add3A_508], %gather3A_504 : memref<2x16x128xf32, #tpu.memory_space<vmem>>[vector<16xi32>, vector<16xi32>, vector<16xi32>], vector<16xf32>,
        }
        %scan3A_484 = arith.constant 16 : i32
        %dma_start3A_485 = arith.constant 0 : i32
        %dma_start3A_486 = arith.constant 0 : i32
        %dma_start3A_487 = tpu.memref_slice %arg20[%rem3A_450, %dma_start3A_485, %dma_start3A_486] : memref<2x16x128xf32, #tpu.memory_space<vmem>> -> memref<1x16x128xf32, #tpu.memory_space<vmem>>
        %dma_start3A_488 = tpu.memref_squeeze %dma_start3A_487 : memref<1x16x128xf32, #tpu.memory_space<vmem>> -> memref<16x128xf32, #tpu.memory_space<vmem>>
        %dma_start3A_489 = arith.constant 0 : i32
        %dma_start3A_490 = arith.constant 0 : i32
        %dma_start3A_491 = tpu.memref_slice %arg7[%dma_start3A_489, %dma_start3A_490] : memref<16400x128xf32, #tpu.memory_space<hbm>> -> memref<16400x128xf32, #tpu.memory_space<hbm>>
        tpu.enqueue_indirect_dma source(%dma_start3A_488 : memref<16x128xf32, #tpu.memory_space<vmem>>) target(%dma_start3A_491 : memref<16400x128xf32, #tpu.memory_space<hbm>>) offsets(%select_n3A_463 : vector<16xi32>) semaphore(%arg23 : memref<!tpu.dma_semaphore, #tpu.memory_space<semaphore_mem>>)
      }
    }
    %while3A_60 = arith.constant 1 : i32
    scf.for %while3A_243 = %while3A_58 to %while3A_54 step %while3A_60  : i32 {
      %rem3A_244 = arith.constant 2 : i32
      %rem3A_245 = arith.remsi %while3A_243, %rem3A_244 : i32
      %mul3A_246 = arith.constant 512 : i32
      %mul3A_247 = arith.muli %while3A_243, %mul3A_246 : i32
      %add3A_248 = arith.addi %mul3A_8, %mul3A_247 : i32
      %multiple_of3A_249 = tpu.assume_multiple %add3A_248, 128 : i32
      %dma_start3A_250 = arith.constant 0 : i32
      %dma_start3A_251 = arith.constant 0 : i32
      %dma_start3A_252 = tpu.memref_slice %arg11[%rem3A_245, %dma_start3A_250, %dma_start3A_251] : memref<2x32x512xf32, #tpu.memory_space<vmem>> -> memref<1x32x512xf32, #tpu.memory_space<vmem>>
      %dma_start3A_253 = tpu.memref_squeeze %dma_start3A_252 : memref<1x32x512xf32, #tpu.memory_space<vmem>> -> memref<32x512xf32, #tpu.memory_space<vmem>>
      %dma_start3A_254 = arith.constant 0 : i32
      %dma_start3A_255 = tpu.memref_slice %arg4[%dma_start3A_254, %multiple_of3A_249] : memref<32x1000001xf32, #tpu.memory_space<hbm>> -> memref<32x512xf32, #tpu.memory_space<hbm>>
      tpu.enqueue_indirect_dma source(%dma_start3A_255 : memref<32x512xf32, #tpu.memory_space<hbm>>) target(%dma_start3A_253 : memref<32x512xf32, #tpu.memory_space<vmem>>) offsets(%arg10 : memref<32xi32, #tpu.memory_space<vmem>>) semaphore(%arg21 : memref<!tpu.dma_semaphore, #tpu.memory_space<semaphore_mem>>)
      %dma_start3A_256 = arith.constant 0 : i32
      %dma_start3A_257 = arith.constant 0 : i32
      %dma_start3A_258 = tpu.memref_slice %arg12[%rem3A_245, %dma_start3A_256, %dma_start3A_257] : memref<2x32x512xf32, #tpu.memory_space<vmem>> -> memref<1x32x512xf32, #tpu.memory_space<vmem>>
      %dma_start3A_259 = tpu.memref_squeeze %dma_start3A_258 : memref<1x32x512xf32, #tpu.memory_space<vmem>> -> memref<32x512xf32, #tpu.memory_space<vmem>>
      %dma_start3A_260 = arith.constant 0 : i32
      %dma_start3A_261 = tpu.memref_slice %arg5[%dma_start3A_260, %multiple_of3A_249] : memref<32x1000001xf32, #tpu.memory_space<hbm>> -> memref<32x512xf32, #tpu.memory_space<hbm>>
      tpu.enqueue_indirect_dma source(%dma_start3A_261 : memref<32x512xf32, #tpu.memory_space<hbm>>) target(%dma_start3A_259 : memref<32x512xf32, #tpu.memory_space<vmem>>) offsets(%arg10 : memref<32xi32, #tpu.memory_space<vmem>>) semaphore(%arg22 : memref<!tpu.dma_semaphore, #tpu.memory_space<semaphore_mem>>)
      %sub3A_262 = arith.constant 1 : i32
      %sub3A_263 = arith.subi %sub3A_262, %rem3A_245 : i32
      %dma_wait3A_264 = arith.constant 0 : i32
      %dma_wait3A_265 = arith.constant 0 : i32
      %dma_wait3A_266 = tpu.memref_slice %arg11[%sub3A_263, %dma_wait3A_264, %dma_wait3A_265] : memref<2x32x512xf32, #tpu.memory_space<vmem>> -> memref<1x32x512xf32, #tpu.memory_space<vmem>>
      %dma_wait3A_267 = tpu.memref_squeeze %dma_wait3A_266 : memref<1x32x512xf32, #tpu.memory_space<vmem>> -> memref<32x512xf32, #tpu.memory_space<vmem>>
      %dma_wait3A_268 = arith.constant 0 : i32
      %dma_wait3A_269 = arith.constant 0 : i32
      %dma_wait3A_270 = tpu.memref_slice %arg4[%dma_wait3A_268, %dma_wait3A_269] : memref<32x1000001xf32, #tpu.memory_space<hbm>> -> memref<32x512xf32, #tpu.memory_space<hbm>>
      tpu.wait_indirect_dma semaphore(%arg21 : memref<!tpu.dma_semaphore, #tpu.memory_space<semaphore_mem>>) src(%dma_wait3A_270 : memref<32x512xf32, #tpu.memory_space<hbm>>) dst(%dma_wait3A_267 : memref<32x512xf32, #tpu.memory_space<vmem>>)
      %dma_wait3A_271 = arith.constant 0 : i32
      %dma_wait3A_272 = arith.constant 0 : i32
      %dma_wait3A_273 = tpu.memref_slice %arg12[%sub3A_263, %dma_wait3A_271, %dma_wait3A_272] : memref<2x32x512xf32, #tpu.memory_space<vmem>> -> memref<1x32x512xf32, #tpu.memory_space<vmem>>
      %dma_wait3A_274 = tpu.memref_squeeze %dma_wait3A_273 : memref<1x32x512xf32, #tpu.memory_space<vmem>> -> memref<32x512xf32, #tpu.memory_space<vmem>>
      %dma_wait3A_275 = arith.constant 0 : i32
      %dma_wait3A_276 = arith.constant 0 : i32
      %dma_wait3A_277 = tpu.memref_slice %arg5[%dma_wait3A_275, %dma_wait3A_276] : memref<32x1000001xf32, #tpu.memory_space<hbm>> -> memref<32x512xf32, #tpu.memory_space<hbm>>
      tpu.wait_indirect_dma semaphore(%arg22 : memref<!tpu.dma_semaphore, #tpu.memory_space<semaphore_mem>>) src(%dma_wait3A_277 : memref<32x512xf32, #tpu.memory_space<hbm>>) dst(%dma_wait3A_274 : memref<32x512xf32, #tpu.memory_space<vmem>>)
      %sub3A_278 = arith.constant 1 : i32
      %sub3A_279 = arith.subi %while3A_243, %sub3A_278 : i32
      %sub3A_280 = arith.constant 1 : i32
      %sub3A_281 = arith.subi %sub3A_280, %rem3A_245 : i32
      %mul3A_282 = arith.constant 512 : i32
      %mul3A_283 = arith.muli %sub3A_279, %mul3A_282 : i32
      %add3A_284 = arith.constant 16 : i32
      %add3A_285 = arith.addi %scan3A_32#0, %add3A_284 : i32
      %sub3A_286 = arith.constant 1 : i32
      %sub3A_287 = arith.subi %add3A_285, %sub3A_286 : i32
      %jit3A_288 = arith.constant 16 : i32
      %div3A_289 = arith.divsi %sub3A_287, %jit3A_288 : i32
      %sign3A_290 = arith.constant 0 : i32
      %sign3A_291 = arith.cmpi sgt, %sub3A_287, %sign3A_290 : i32
      %sign3A_292 = arith.extui %sign3A_291 : i1 to i32
      %sign3A_293 = arith.constant 0 : i32
      %sign3A_294 = arith.cmpi slt, %sub3A_287, %sign3A_293 : i32
      %sign3A_295 = arith.extui %sign3A_294 : i1 to i32
      %sign3A_296 = arith.subi %sign3A_292, %sign3A_295 : i32
      %sign3A_297 = arith.constant 0 : i32
      %sign3A_298 = arith.cmpi sgt, %jit3A_288, %sign3A_297 : i32
      %sign3A_299 = arith.extui %sign3A_298 : i1 to i32
      %sign3A_300 = arith.constant 0 : i32
      %sign3A_301 = arith.cmpi slt, %jit3A_288, %sign3A_300 : i32
      %sign3A_302 = arith.extui %sign3A_301 : i1 to i32
      %sign3A_303 = arith.subi %sign3A_299, %sign3A_302 : i32
      %ne3A_304 = arith.cmpi ne, %sign3A_296, %sign3A_303 : i32
      %rem3A_305 = arith.remsi %sub3A_287, %jit3A_288 : i32
      %ne3A_306 = arith.constant 0 : i32
      %ne3A_307 = arith.cmpi ne, %rem3A_305, %ne3A_306 : i32
      %and3A_308 = arith.andi %ne3A_304, %ne3A_307 : i1
      %sub3A_309 = arith.constant 1 : i32
      %sub3A_310 = arith.subi %div3A_289, %sub3A_309 : i32
      %select_n3A_311 = arith.select %and3A_308, %sub3A_310, %div3A_289 : i32
      %while3A_312 = arith.constant 0 : i32
      %while3A_313 = arith.constant 0 : i32
      %while3A_314 = arith.subi %select_n3A_311, %while3A_312 : i32
      %while3A_315 = arith.addi %while3A_312, %while3A_314 : i32
      %while3A_316 = arith.constant 1 : i32
      %while3A_317 = arith.divsi %while3A_314, %while3A_316 : i32
      %while3A_318 = arith.muli %while3A_317, %while3A_316 : i32
      %while3A_319 = arith.addi %while3A_312, %while3A_318 : i32
      %while3A_320 = arith.constant 1 : i32
      %while3A_321 = scf.for %while3A_448 = %while3A_312 to %while3A_319 step %while3A_320 iter_args(%while3A_449 = %while3A_313) -> (i32)  : i32 {
        %mul3A_450 = arith.constant 16 : i32
        %mul3A_451 = arith.muli %while3A_448, %mul3A_450 : i32
        %add3A_452 = vector.broadcast %mul3A_451 : i32 to vector<16xi32>
        %add3A_453 = arith.addi %add3A_452, %iota3A : vector<16xi32>
        %gather3A = tpu.vector_load_idx %arg13[%add3A_453] : memref<1024xi32, #tpu.memory_space<vmem>>[vector<16xi32>], vector<16xi32>,
        %gather3A_454 = tpu.vector_load_idx %arg14[%add3A_453] : memref<1024xi32, #tpu.memory_space<vmem>>[vector<16xi32>], vector<16xi32>,
        %lt3A = vector.broadcast %scan3A_32#0 : i32 to vector<16xi32>
        %lt3A_455 = arith.cmpi slt, %add3A_453, %lt3A : vector<16xi32>
        %ge3A_456 = vector.broadcast %mul3A_283 : i32 to vector<16xi32>
        %ge3A_457 = arith.cmpi sge, %gather3A, %ge3A_456 : vector<16xi32>
        %and3A_458 = arith.andi %lt3A_455, %ge3A_457 : vector<16xi1>
        %add3A_459 = arith.constant 512 : i32
        %add3A_460 = arith.addi %mul3A_283, %add3A_459 : i32
        %lt3A_461 = vector.broadcast %add3A_460 : i32 to vector<16xi32>
        %lt3A_462 = arith.cmpi slt, %gather3A, %lt3A_461 : vector<16xi32>
        %and3A_463 = arith.andi %and3A_458, %lt3A_462 : vector<16xi1>
        %jit3A_464 = arith.constant 1 : i32
        %jit3A_465 = arith.constant 0 : i32
        %broadcast_in_dim3A_466 = vector.broadcast %jit3A_464 : i32 to vector<16xi32>
        %broadcast_in_dim3A_467 = vector.broadcast %jit3A_465 : i32 to vector<16xi32>
        %select_n3A_468 = arith.select %and3A_463, %broadcast_in_dim3A_466, %broadcast_in_dim3A_467 : vector<16xi1>, vector<16xi32>
        %broadcast_in_dim3A_469 = arith.constant true
        %broadcast_in_dim3A_470 = vector.broadcast %broadcast_in_dim3A_469 : i1 to vector<16xi1>
        %masked_cumsum3A = tpu.scan <sum>, %select_n3A_468 masked %broadcast_in_dim3A_470 : vector<16xi32>, vector<16xi1> -> vector<16xi32>
        %add3A_471 = vector.broadcast %while3A_449 : i32 to vector<16xi32>
        %add3A_472 = arith.addi %add3A_471, %masked_cumsum3A : vector<16xi32>
        %sub3A_473 = arith.constant 1 : i32
        %sub3A_474 = vector.broadcast %sub3A_473 : i32 to vector<16xi32>
        %sub3A_475 = arith.subi %add3A_472, %sub3A_474 : vector<16xi32>
        %sub3A_476 = vector.broadcast %mul3A_283 : i32 to vector<16xi32>
        %sub3A_477 = arith.subi %gather3A, %sub3A_476 : vector<16xi32>
        tpu.vector_store_idx %arg17[%sub3A_475], %sub3A_477 masked %and3A_463 : memref<128xi32, #tpu.memory_space<vmem>>[vector<16xi32>], vector<16xi32>, vector<16xi1>
        tpu.vector_store_idx %arg18[%sub3A_475], %gather3A_454 masked %and3A_463 : memref<128xi32, #tpu.memory_space<vmem>>[vector<16xi32>], vector<16xi32>, vector<16xi1>
        %slice3A = vector.extract_strided_slice %masked_cumsum3A {offsets = [15], sizes = [1], strides = [1]} : vector<16xi32> to vector<1xi32>
        %squeeze3A = vector.extract %slice3A[0] : i32 from vector<1xi32>
        %add3A_478 = arith.addi %while3A_449, %squeeze3A : i32
        scf.yield %add3A_478 : i32
      }
      %while3A_322 = arith.constant 1 : i32
      %while3A_323 = scf.for %while3A_448 = %while3A_319 to %while3A_315 step %while3A_322 iter_args(%while3A_449 = %while3A_321) -> (i32)  : i32 {
        %mul3A_450 = arith.constant 16 : i32
        %mul3A_451 = arith.muli %while3A_448, %mul3A_450 : i32
        %add3A_452 = vector.broadcast %mul3A_451 : i32 to vector<16xi32>
        %add3A_453 = arith.addi %add3A_452, %iota3A : vector<16xi32>
        %gather3A = tpu.vector_load_idx %arg13[%add3A_453] : memref<1024xi32, #tpu.memory_space<vmem>>[vector<16xi32>], vector<16xi32>,
        %gather3A_454 = tpu.vector_load_idx %arg14[%add3A_453] : memref<1024xi32, #tpu.memory_space<vmem>>[vector<16xi32>], vector<16xi32>,
        %lt3A = vector.broadcast %scan3A_32#0 : i32 to vector<16xi32>
        %lt3A_455 = arith.cmpi slt, %add3A_453, %lt3A : vector<16xi32>
        %ge3A_456 = vector.broadcast %mul3A_283 : i32 to vector<16xi32>
        %ge3A_457 = arith.cmpi sge, %gather3A, %ge3A_456 : vector<16xi32>
        %and3A_458 = arith.andi %lt3A_455, %ge3A_457 : vector<16xi1>
        %add3A_459 = arith.constant 512 : i32
        %add3A_460 = arith.addi %mul3A_283, %add3A_459 : i32
        %lt3A_461 = vector.broadcast %add3A_460 : i32 to vector<16xi32>
        %lt3A_462 = arith.cmpi slt, %gather3A, %lt3A_461 : vector<16xi32>
        %and3A_463 = arith.andi %and3A_458, %lt3A_462 : vector<16xi1>
        %jit3A_464 = arith.constant 1 : i32
        %jit3A_465 = arith.constant 0 : i32
        %broadcast_in_dim3A_466 = vector.broadcast %jit3A_464 : i32 to vector<16xi32>
        %broadcast_in_dim3A_467 = vector.broadcast %jit3A_465 : i32 to vector<16xi32>
        %select_n3A_468 = arith.select %and3A_463, %broadcast_in_dim3A_466, %broadcast_in_dim3A_467 : vector<16xi1>, vector<16xi32>
        %broadcast_in_dim3A_469 = arith.constant true
        %broadcast_in_dim3A_470 = vector.broadcast %broadcast_in_dim3A_469 : i1 to vector<16xi1>
        %masked_cumsum3A = tpu.scan <sum>, %select_n3A_468 masked %broadcast_in_dim3A_470 : vector<16xi32>, vector<16xi1> -> vector<16xi32>
        %add3A_471 = vector.broadcast %while3A_449 : i32 to vector<16xi32>
        %add3A_472 = arith.addi %add3A_471, %masked_cumsum3A : vector<16xi32>
        %sub3A_473 = arith.constant 1 : i32
        %sub3A_474 = vector.broadcast %sub3A_473 : i32 to vector<16xi32>
        %sub3A_475 = arith.subi %add3A_472, %sub3A_474 : vector<16xi32>
        %sub3A_476 = vector.broadcast %mul3A_283 : i32 to vector<16xi32>
        %sub3A_477 = arith.subi %gather3A, %sub3A_476 : vector<16xi32>
        tpu.vector_store_idx %arg17[%sub3A_475], %sub3A_477 masked %and3A_463 : memref<128xi32, #tpu.memory_space<vmem>>[vector<16xi32>], vector<16xi32>, vector<16xi1>
        tpu.vector_store_idx %arg18[%sub3A_475], %gather3A_454 masked %and3A_463 : memref<128xi32, #tpu.memory_space<vmem>>[vector<16xi32>], vector<16xi32>, vector<16xi1>
        %slice3A = vector.extract_strided_slice %masked_cumsum3A {offsets = [15], sizes = [1], strides = [1]} : vector<16xi32> to vector<1xi32>
        %squeeze3A = vector.extract %slice3A[0] : i32 from vector<1xi32>
        %add3A_478 = arith.addi %while3A_449, %squeeze3A : i32
        scf.yield %add3A_478 : i32
      }
      %add3A_324 = arith.constant 16 : i32
      %add3A_325 = arith.addi %while3A_323, %add3A_324 : i32
      %sub3A_326 = arith.constant 1 : i32
      %sub3A_327 = arith.subi %add3A_325, %sub3A_326 : i32
      %jit3A_328 = arith.constant 16 : i32
      %div3A_329 = arith.divsi %sub3A_327, %jit3A_328 : i32
      %sign3A_330 = arith.constant 0 : i32
      %sign3A_331 = arith.cmpi sgt, %sub3A_327, %sign3A_330 : i32
      %sign3A_332 = arith.extui %sign3A_331 : i1 to i32
      %sign3A_333 = arith.constant 0 : i32
      %sign3A_334 = arith.cmpi slt, %sub3A_327, %sign3A_333 : i32
      %sign3A_335 = arith.extui %sign3A_334 : i1 to i32
      %sign3A_336 = arith.subi %sign3A_332, %sign3A_335 : i32
      %sign3A_337 = arith.constant 0 : i32
      %sign3A_338 = arith.cmpi sgt, %jit3A_328, %sign3A_337 : i32
      %sign3A_339 = arith.extui %sign3A_338 : i1 to i32
      %sign3A_340 = arith.constant 0 : i32
      %sign3A_341 = arith.cmpi slt, %jit3A_328, %sign3A_340 : i32
      %sign3A_342 = arith.extui %sign3A_341 : i1 to i32
      %sign3A_343 = arith.subi %sign3A_339, %sign3A_342 : i32
      %ne3A_344 = arith.cmpi ne, %sign3A_336, %sign3A_343 : i32
      %rem3A_345 = arith.remsi %sub3A_327, %jit3A_328 : i32
      %ne3A_346 = arith.constant 0 : i32
      %ne3A_347 = arith.cmpi ne, %rem3A_345, %ne3A_346 : i32
      %and3A_348 = arith.andi %ne3A_344, %ne3A_347 : i1
      %sub3A_349 = arith.constant 1 : i32
      %sub3A_350 = arith.subi %div3A_329, %sub3A_349 : i32
      %select_n3A_351 = arith.select %and3A_348, %sub3A_350, %div3A_329 : i32
      %broadcast_in_dim3A_352 = vector.broadcast %sub3A_281 : i32 to vector<16xi32>
      %while3A_353 = arith.constant 0 : i32
      %while3A_354 = arith.constant 0 : i32
      %while3A_355 = arith.subi %select_n3A_351, %while3A_354 : i32
      %while3A_356 = arith.addi %while3A_354, %while3A_355 : i32
      %while3A_357 = arith.constant 1 : i32
      %while3A_358 = arith.divsi %while3A_355, %while3A_357 : i32
      %while3A_359 = arith.muli %while3A_358, %while3A_357 : i32
      %while3A_360 = arith.addi %while3A_354, %while3A_359 : i32
      %while3A_361 = arith.constant 1 : i32
      scf.for %while3A_448 = %while3A_354 to %while3A_360 step %while3A_361  : i32 {
        %rem3A_449 = arith.constant 2 : i32
        %rem3A_450 = arith.remsi %while3A_448, %rem3A_449 : i32
        %mul3A_451 = arith.constant 16 : i32
        %mul3A_452 = arith.muli %while3A_448, %mul3A_451 : i32
        %add3A_453 = vector.broadcast %mul3A_452 : i32 to vector<16xi32>
        %add3A_454 = arith.addi %add3A_453, %iota3A : vector<16xi32>
        %lt3A = vector.broadcast %while3A_323 : i32 to vector<16xi32>
        %lt3A_455 = arith.cmpi slt, %add3A_454, %lt3A : vector<16xi32>
        %jit3A_456 = arith.constant 0 : i32
        %broadcast_in_dim3A_457 = vector.broadcast %jit3A_456 : i32 to vector<16xi32>
        %select_n3A_458 = arith.select %lt3A_455, %add3A_454, %broadcast_in_dim3A_457 : vector<16xi1>, vector<16xi32>
        %gather3A = tpu.vector_load_idx %arg17[%select_n3A_458] : memref<128xi32, #tpu.memory_space<vmem>>[vector<16xi32>], vector<16xi32>,
        %jit3A_459 = arith.constant 0 : i32
        %broadcast_in_dim3A_460 = vector.broadcast %jit3A_459 : i32 to vector<16xi32>
        %select_n3A_461 = arith.select %lt3A_455, %add3A_454, %broadcast_in_dim3A_460 : vector<16xi1>, vector<16xi32>
        %gather3A_462 = tpu.vector_load_idx %arg18[%select_n3A_461] : memref<128xi32, #tpu.memory_space<vmem>>[vector<16xi32>], vector<16xi32>,
        %select_n3A_463 = arith.select %lt3A_455, %gather3A_462, %add3A_17 : vector<16xi1>, vector<16xi32>
        %scan3A_464 = arith.constant 0 : i32
        %scan3A_465 = arith.constant 0 : i32
        %scan3A_466 = arith.constant 32 : i32
        %scan3A_467 = arith.addi %scan3A_465, %scan3A_466 : i32
        %scan3A_468 = arith.constant 1 : i32
        scf.for %scan3A_492 = %scan3A_465 to %scan3A_467 step %scan3A_468  : i32 {
          %broadcast_in_dim3A_493 = vector.broadcast %scan3A_492 : i32 to vector<16xi32>
          %gather3A_494 = tpu.vector_load_idx %arg11[%broadcast_in_dim3A_352, %broadcast_in_dim3A_493, %gather3A] : memref<2x32x512xf32, #tpu.memory_space<vmem>>[vector<16xi32>, vector<16xi32>, vector<16xi32>], vector<16xf32>,
          %mul3A_495 = arith.constant 33 : i32
          %mul3A_496 = vector.broadcast %mul3A_495 : i32 to vector<16xi32>
          %mul3A_497 = arith.muli %iota3A, %mul3A_496 : vector<16xi32>
          %add3A_498 = vector.broadcast %scan3A_492 : i32 to vector<16xi32>
          %add3A_499 = arith.addi %mul3A_497, %add3A_498 : vector<16xi32>
          tpu.vector_store_idx %arg19[%add3A_499], %gather3A_494 : memref<528xf32, #tpu.memory_space<vmem>>[vector<16xi32>], vector<16xf32>,
        }
        %scan3A_469 = arith.constant 32 : i32
        %dma_wait3A_470 = arith.constant 0 : i32
        %dma_wait3A_471 = arith.constant 0 : i32
        %dma_wait3A_472 = arith.constant 0 : i32
        %dma_wait3A_473 = tpu.memref_slice %arg20[%dma_wait3A_470, %dma_wait3A_471, %dma_wait3A_472] : memref<2x16x128xf32, #tpu.memory_space<vmem>> -> memref<1x16x128xf32, #tpu.memory_space<vmem>>
        %dma_wait3A_474 = tpu.memref_squeeze %dma_wait3A_473 : memref<1x16x128xf32, #tpu.memory_space<vmem>> -> memref<16x128xf32, #tpu.memory_space<vmem>>
        %dma_wait3A_475 = arith.constant 0 : i32
        %dma_wait3A_476 = arith.constant 0 : i32
        %dma_wait3A_477 = tpu.memref_slice %arg6[%dma_wait3A_475, %dma_wait3A_476] : memref<16400x128xf32, #tpu.memory_space<hbm>> -> memref<16400x128xf32, #tpu.memory_space<hbm>>
        tpu.wait_indirect_dma semaphore(%arg23 : memref<!tpu.dma_semaphore, #tpu.memory_space<semaphore_mem>>) src(%dma_wait3A_474 : memref<16x128xf32, #tpu.memory_space<vmem>>) dst(%dma_wait3A_477 : memref<16400x128xf32, #tpu.memory_space<hbm>>)
        %broadcast_in_dim3A_478 = vector.broadcast %rem3A_450 : i32 to vector<16xi32>
        %scan3A_479 = arith.constant 0 : i32
        %scan3A_480 = arith.constant 0 : i32
        %scan3A_481 = arith.constant 16 : i32
        %scan3A_482 = arith.addi %scan3A_480, %scan3A_481 : i32
        %scan3A_483 = arith.constant 1 : i32
        scf.for %scan3A_492 = %scan3A_480 to %scan3A_482 step %scan3A_483  : i32 {
          %mul3A_493 = arith.constant 33 : i32
          %mul3A_494 = arith.muli %scan3A_492, %mul3A_493 : i32
          %add3A_495 = vector.broadcast %mul3A_494 : i32 to vector<16xi32>
          %add3A_496 = arith.addi %add3A_495, %iota3A : vector<16xi32>
          %gather3A_497 = tpu.vector_load_idx %arg19[%add3A_496] : memref<528xf32, #tpu.memory_space<vmem>>[vector<16xi32>], vector<16xf32>,
          %mul3A_498 = arith.constant 33 : i32
          %mul3A_499 = arith.muli %scan3A_492, %mul3A_498 : i32
          %add3A_500 = arith.constant 16 : i32
          %add3A_501 = arith.addi %mul3A_499, %add3A_500 : i32
          %add3A_502 = vector.broadcast %add3A_501 : i32 to vector<16xi32>
          %add3A_503 = arith.addi %add3A_502, %iota3A : vector<16xi32>
          %gather3A_504 = tpu.vector_load_idx %arg19[%add3A_503] : memref<528xf32, #tpu.memory_space<vmem>>[vector<16xi32>], vector<16xf32>,
          %broadcast_in_dim3A_505 = vector.broadcast %scan3A_492 : i32 to vector<16xi32>
          tpu.vector_store_idx %arg20[%broadcast_in_dim3A_478, %broadcast_in_dim3A_505, %iota3A], %gather3A_497 : memref<2x16x128xf32, #tpu.memory_space<vmem>>[vector<16xi32>, vector<16xi32>, vector<16xi32>], vector<16xf32>,
          %add3A_506 = arith.constant 16 : i32
          %add3A_507 = vector.broadcast %add3A_506 : i32 to vector<16xi32>
          %add3A_508 = arith.addi %iota3A, %add3A_507 : vector<16xi32>
          tpu.vector_store_idx %arg20[%broadcast_in_dim3A_478, %broadcast_in_dim3A_505, %add3A_508], %gather3A_504 : memref<2x16x128xf32, #tpu.memory_space<vmem>>[vector<16xi32>, vector<16xi32>, vector<16xi32>], vector<16xf32>,
        }
        %scan3A_484 = arith.constant 16 : i32
        %dma_start3A_485 = arith.constant 0 : i32
        %dma_start3A_486 = arith.constant 0 : i32
        %dma_start3A_487 = tpu.memref_slice %arg20[%rem3A_450, %dma_start3A_485, %dma_start3A_486] : memref<2x16x128xf32, #tpu.memory_space<vmem>> -> memref<1x16x128xf32, #tpu.memory_space<vmem>>
        %dma_start3A_488 = tpu.memref_squeeze %dma_start3A_487 : memref<1x16x128xf32, #tpu.memory_space<vmem>> -> memref<16x128xf32, #tpu.memory_space<vmem>>
        %dma_start3A_489 = arith.constant 0 : i32
        %dma_start3A_490 = arith.constant 0 : i32
        %dma_start3A_491 = tpu.memref_slice %arg6[%dma_start3A_489, %dma_start3A_490] : memref<16400x128xf32, #tpu.memory_space<hbm>> -> memref<16400x128xf32, #tpu.memory_space<hbm>>
        tpu.enqueue_indirect_dma source(%dma_start3A_488 : memref<16x128xf32, #tpu.memory_space<vmem>>) target(%dma_start3A_491 : memref<16400x128xf32, #tpu.memory_space<hbm>>) offsets(%select_n3A_463 : vector<16xi32>) semaphore(%arg23 : memref<!tpu.dma_semaphore, #tpu.memory_space<semaphore_mem>>)
      }
      %while3A_362 = arith.constant 1 : i32
      scf.for %while3A_448 = %while3A_360 to %while3A_356 step %while3A_362  : i32 {
        %rem3A_449 = arith.constant 2 : i32
        %rem3A_450 = arith.remsi %while3A_448, %rem3A_449 : i32
        %mul3A_451 = arith.constant 16 : i32
        %mul3A_452 = arith.muli %while3A_448, %mul3A_451 : i32
        %add3A_453 = vector.broadcast %mul3A_452 : i32 to vector<16xi32>
        %add3A_454 = arith.addi %add3A_453, %iota3A : vector<16xi32>
        %lt3A = vector.broadcast %while3A_323 : i32 to vector<16xi32>
        %lt3A_455 = arith.cmpi slt, %add3A_454, %lt3A : vector<16xi32>
        %jit3A_456 = arith.constant 0 : i32
        %broadcast_in_dim3A_457 = vector.broadcast %jit3A_456 : i32 to vector<16xi32>
        %select_n3A_458 = arith.select %lt3A_455, %add3A_454, %broadcast_in_dim3A_457 : vector<16xi1>, vector<16xi32>
        %gather3A = tpu.vector_load_idx %arg17[%select_n3A_458] : memref<128xi32, #tpu.memory_space<vmem>>[vector<16xi32>], vector<16xi32>,
        %jit3A_459 = arith.constant 0 : i32
        %broadcast_in_dim3A_460 = vector.broadcast %jit3A_459 : i32 to vector<16xi32>
        %select_n3A_461 = arith.select %lt3A_455, %add3A_454, %broadcast_in_dim3A_460 : vector<16xi1>, vector<16xi32>
        %gather3A_462 = tpu.vector_load_idx %arg18[%select_n3A_461] : memref<128xi32, #tpu.memory_space<vmem>>[vector<16xi32>], vector<16xi32>,
        %select_n3A_463 = arith.select %lt3A_455, %gather3A_462, %add3A_17 : vector<16xi1>, vector<16xi32>
        %scan3A_464 = arith.constant 0 : i32
        %scan3A_465 = arith.constant 0 : i32
        %scan3A_466 = arith.constant 32 : i32
        %scan3A_467 = arith.addi %scan3A_465, %scan3A_466 : i32
        %scan3A_468 = arith.constant 1 : i32
        scf.for %scan3A_492 = %scan3A_465 to %scan3A_467 step %scan3A_468  : i32 {
          %broadcast_in_dim3A_493 = vector.broadcast %scan3A_492 : i32 to vector<16xi32>
          %gather3A_494 = tpu.vector_load_idx %arg11[%broadcast_in_dim3A_352, %broadcast_in_dim3A_493, %gather3A] : memref<2x32x512xf32, #tpu.memory_space<vmem>>[vector<16xi32>, vector<16xi32>, vector<16xi32>], vector<16xf32>,
          %mul3A_495 = arith.constant 33 : i32
          %mul3A_496 = vector.broadcast %mul3A_495 : i32 to vector<16xi32>
          %mul3A_497 = arith.muli %iota3A, %mul3A_496 : vector<16xi32>
          %add3A_498 = vector.broadcast %scan3A_492 : i32 to vector<16xi32>
          %add3A_499 = arith.addi %mul3A_497, %add3A_498 : vector<16xi32>
          tpu.vector_store_idx %arg19[%add3A_499], %gather3A_494 : memref<528xf32, #tpu.memory_space<vmem>>[vector<16xi32>], vector<16xf32>,
        }
        %scan3A_469 = arith.constant 32 : i32
        %dma_wait3A_470 = arith.constant 0 : i32
        %dma_wait3A_471 = arith.constant 0 : i32
        %dma_wait3A_472 = arith.constant 0 : i32
        %dma_wait3A_473 = tpu.memref_slice %arg20[%dma_wait3A_470, %dma_wait3A_471, %dma_wait3A_472] : memref<2x16x128xf32, #tpu.memory_space<vmem>> -> memref<1x16x128xf32, #tpu.memory_space<vmem>>
        %dma_wait3A_474 = tpu.memref_squeeze %dma_wait3A_473 : memref<1x16x128xf32, #tpu.memory_space<vmem>> -> memref<16x128xf32, #tpu.memory_space<vmem>>
        %dma_wait3A_475 = arith.constant 0 : i32
        %dma_wait3A_476 = arith.constant 0 : i32
        %dma_wait3A_477 = tpu.memref_slice %arg6[%dma_wait3A_475, %dma_wait3A_476] : memref<16400x128xf32, #tpu.memory_space<hbm>> -> memref<16400x128xf32, #tpu.memory_space<hbm>>
        tpu.wait_indirect_dma semaphore(%arg23 : memref<!tpu.dma_semaphore, #tpu.memory_space<semaphore_mem>>) src(%dma_wait3A_474 : memref<16x128xf32, #tpu.memory_space<vmem>>) dst(%dma_wait3A_477 : memref<16400x128xf32, #tpu.memory_space<hbm>>)
        %broadcast_in_dim3A_478 = vector.broadcast %rem3A_450 : i32 to vector<16xi32>
        %scan3A_479 = arith.constant 0 : i32
        %scan3A_480 = arith.constant 0 : i32
        %scan3A_481 = arith.constant 16 : i32
        %scan3A_482 = arith.addi %scan3A_480, %scan3A_481 : i32
        %scan3A_483 = arith.constant 1 : i32
        scf.for %scan3A_492 = %scan3A_480 to %scan3A_482 step %scan3A_483  : i32 {
          %mul3A_493 = arith.constant 33 : i32
          %mul3A_494 = arith.muli %scan3A_492, %mul3A_493 : i32
          %add3A_495 = vector.broadcast %mul3A_494 : i32 to vector<16xi32>
          %add3A_496 = arith.addi %add3A_495, %iota3A : vector<16xi32>
          %gather3A_497 = tpu.vector_load_idx %arg19[%add3A_496] : memref<528xf32, #tpu.memory_space<vmem>>[vector<16xi32>], vector<16xf32>,
          %mul3A_498 = arith.constant 33 : i32
          %mul3A_499 = arith.muli %scan3A_492, %mul3A_498 : i32
          %add3A_500 = arith.constant 16 : i32
          %add3A_501 = arith.addi %mul3A_499, %add3A_500 : i32
          %add3A_502 = vector.broadcast %add3A_501 : i32 to vector<16xi32>
          %add3A_503 = arith.addi %add3A_502, %iota3A : vector<16xi32>
          %gather3A_504 = tpu.vector_load_idx %arg19[%add3A_503] : memref<528xf32, #tpu.memory_space<vmem>>[vector<16xi32>], vector<16xf32>,
          %broadcast_in_dim3A_505 = vector.broadcast %scan3A_492 : i32 to vector<16xi32>
          tpu.vector_store_idx %arg20[%broadcast_in_dim3A_478, %broadcast_in_dim3A_505, %iota3A], %gather3A_497 : memref<2x16x128xf32, #tpu.memory_space<vmem>>[vector<16xi32>, vector<16xi32>, vector<16xi32>], vector<16xf32>,
          %add3A_506 = arith.constant 16 : i32
          %add3A_507 = vector.broadcast %add3A_506 : i32 to vector<16xi32>
          %add3A_508 = arith.addi %iota3A, %add3A_507 : vector<16xi32>
          tpu.vector_store_idx %arg20[%broadcast_in_dim3A_478, %broadcast_in_dim3A_505, %add3A_508], %gather3A_504 : memref<2x16x128xf32, #tpu.memory_space<vmem>>[vector<16xi32>, vector<16xi32>, vector<16xi32>], vector<16xf32>,
        }
        %scan3A_484 = arith.constant 16 : i32
        %dma_start3A_485 = arith.constant 0 : i32
        %dma_start3A_486 = arith.constant 0 : i32
        %dma_start3A_487 = tpu.memref_slice %arg20[%rem3A_450, %dma_start3A_485, %dma_start3A_486] : memref<2x16x128xf32, #tpu.memory_space<vmem>> -> memref<1x16x128xf32, #tpu.memory_space<vmem>>
        %dma_start3A_488 = tpu.memref_squeeze %dma_start3A_487 : memref<1x16x128xf32, #tpu.memory_space<vmem>> -> memref<16x128xf32, #tpu.memory_space<vmem>>
        %dma_start3A_489 = arith.constant 0 : i32
        %dma_start3A_490 = arith.constant 0 : i32
        %dma_start3A_491 = tpu.memref_slice %arg6[%dma_start3A_489, %dma_start3A_490] : memref<16400x128xf32, #tpu.memory_space<hbm>> -> memref<16400x128xf32, #tpu.memory_space<hbm>>
        tpu.enqueue_indirect_dma source(%dma_start3A_488 : memref<16x128xf32, #tpu.memory_space<vmem>>) target(%dma_start3A_491 : memref<16400x128xf32, #tpu.memory_space<hbm>>) offsets(%select_n3A_463 : vector<16xi32>) semaphore(%arg23 : memref<!tpu.dma_semaphore, #tpu.memory_space<semaphore_mem>>)
      }
      %sub3A_363 = arith.constant 1 : i32
      %sub3A_364 = arith.subi %while3A_243, %sub3A_363 : i32
      %sub3A_365 = arith.constant 1 : i32
      %sub3A_366 = arith.subi %sub3A_365, %rem3A_245 : i32
      %mul3A_367 = arith.constant 512 : i32
      %mul3A_368 = arith.muli %sub3A_364, %mul3A_367 : i32
      %add3A_369 = arith.constant 16 : i32
      %add3A_370 = arith.addi %scan3A_32#1, %add3A_369 : i32
      %sub3A_371 = arith.constant 1 : i32
      %sub3A_372 = arith.subi %add3A_370, %sub3A_371 : i32
      %jit3A_373 = arith.constant 16 : i32
      %div3A_374 = arith.divsi %sub3A_372, %jit3A_373 : i32
      %sign3A_375 = arith.constant 0 : i32
      %sign3A_376 = arith.cmpi sgt, %sub3A_372, %sign3A_375 : i32
      %sign3A_377 = arith.extui %sign3A_376 : i1 to i32
      %sign3A_378 = arith.constant 0 : i32
      %sign3A_379 = arith.cmpi slt, %sub3A_372, %sign3A_378 : i32
      %sign3A_380 = arith.extui %sign3A_379 : i1 to i32
      %sign3A_381 = arith.subi %sign3A_377, %sign3A_380 : i32
      %sign3A_382 = arith.constant 0 : i32
      %sign3A_383 = arith.cmpi sgt, %jit3A_373, %sign3A_382 : i32
      %sign3A_384 = arith.extui %sign3A_383 : i1 to i32
      %sign3A_385 = arith.constant 0 : i32
      %sign3A_386 = arith.cmpi slt, %jit3A_373, %sign3A_385 : i32
      %sign3A_387 = arith.extui %sign3A_386 : i1 to i32
      %sign3A_388 = arith.subi %sign3A_384, %sign3A_387 : i32
      %ne3A_389 = arith.cmpi ne, %sign3A_381, %sign3A_388 : i32
      %rem3A_390 = arith.remsi %sub3A_372, %jit3A_373 : i32
      %ne3A_391 = arith.constant 0 : i32
      %ne3A_392 = arith.cmpi ne, %rem3A_390, %ne3A_391 : i32
      %and3A_393 = arith.andi %ne3A_389, %ne3A_392 : i1
      %sub3A_394 = arith.constant 1 : i32
      %sub3A_395 = arith.subi %div3A_374, %sub3A_394 : i32
      %select_n3A_396 = arith.select %and3A_393, %sub3A_395, %div3A_374 : i32
      %while3A_397 = arith.constant 0 : i32
      %while3A_398 = arith.constant 0 : i32
      %while3A_399 = arith.subi %select_n3A_396, %while3A_397 : i32
      %while3A_400 = arith.addi %while3A_397, %while3A_399 : i32
      %while3A_401 = arith.constant 1 : i32
      %while3A_402 = arith.divsi %while3A_399, %while3A_401 : i32
      %while3A_403 = arith.muli %while3A_402, %while3A_401 : i32
      %while3A_404 = arith.addi %while3A_397, %while3A_403 : i32
      %while3A_405 = arith.constant 1 : i32
      %while3A_406 = scf.for %while3A_448 = %while3A_397 to %while3A_404 step %while3A_405 iter_args(%while3A_449 = %while3A_398) -> (i32)  : i32 {
        %mul3A_450 = arith.constant 16 : i32
        %mul3A_451 = arith.muli %while3A_448, %mul3A_450 : i32
        %add3A_452 = vector.broadcast %mul3A_451 : i32 to vector<16xi32>
        %add3A_453 = arith.addi %add3A_452, %iota3A : vector<16xi32>
        %gather3A = tpu.vector_load_idx %arg15[%add3A_453] : memref<1024xi32, #tpu.memory_space<vmem>>[vector<16xi32>], vector<16xi32>,
        %gather3A_454 = tpu.vector_load_idx %arg16[%add3A_453] : memref<1024xi32, #tpu.memory_space<vmem>>[vector<16xi32>], vector<16xi32>,
        %lt3A = vector.broadcast %scan3A_32#1 : i32 to vector<16xi32>
        %lt3A_455 = arith.cmpi slt, %add3A_453, %lt3A : vector<16xi32>
        %ge3A_456 = vector.broadcast %mul3A_368 : i32 to vector<16xi32>
        %ge3A_457 = arith.cmpi sge, %gather3A, %ge3A_456 : vector<16xi32>
        %and3A_458 = arith.andi %lt3A_455, %ge3A_457 : vector<16xi1>
        %add3A_459 = arith.constant 512 : i32
        %add3A_460 = arith.addi %mul3A_368, %add3A_459 : i32
        %lt3A_461 = vector.broadcast %add3A_460 : i32 to vector<16xi32>
        %lt3A_462 = arith.cmpi slt, %gather3A, %lt3A_461 : vector<16xi32>
        %and3A_463 = arith.andi %and3A_458, %lt3A_462 : vector<16xi1>
        %jit3A_464 = arith.constant 1 : i32
        %jit3A_465 = arith.constant 0 : i32
        %broadcast_in_dim3A_466 = vector.broadcast %jit3A_464 : i32 to vector<16xi32>
        %broadcast_in_dim3A_467 = vector.broadcast %jit3A_465 : i32 to vector<16xi32>
        %select_n3A_468 = arith.select %and3A_463, %broadcast_in_dim3A_466, %broadcast_in_dim3A_467 : vector<16xi1>, vector<16xi32>
        %broadcast_in_dim3A_469 = arith.constant true
        %broadcast_in_dim3A_470 = vector.broadcast %broadcast_in_dim3A_469 : i1 to vector<16xi1>
        %masked_cumsum3A = tpu.scan <sum>, %select_n3A_468 masked %broadcast_in_dim3A_470 : vector<16xi32>, vector<16xi1> -> vector<16xi32>
        %add3A_471 = vector.broadcast %while3A_449 : i32 to vector<16xi32>
        %add3A_472 = arith.addi %add3A_471, %masked_cumsum3A : vector<16xi32>
        %sub3A_473 = arith.constant 1 : i32
        %sub3A_474 = vector.broadcast %sub3A_473 : i32 to vector<16xi32>
        %sub3A_475 = arith.subi %add3A_472, %sub3A_474 : vector<16xi32>
        %sub3A_476 = vector.broadcast %mul3A_368 : i32 to vector<16xi32>
        %sub3A_477 = arith.subi %gather3A, %sub3A_476 : vector<16xi32>
        tpu.vector_store_idx %arg17[%sub3A_475], %sub3A_477 masked %and3A_463 : memref<128xi32, #tpu.memory_space<vmem>>[vector<16xi32>], vector<16xi32>, vector<16xi1>
        tpu.vector_store_idx %arg18[%sub3A_475], %gather3A_454 masked %and3A_463 : memref<128xi32, #tpu.memory_space<vmem>>[vector<16xi32>], vector<16xi32>, vector<16xi1>
        %slice3A = vector.extract_strided_slice %masked_cumsum3A {offsets = [15], sizes = [1], strides = [1]} : vector<16xi32> to vector<1xi32>
        %squeeze3A = vector.extract %slice3A[0] : i32 from vector<1xi32>
        %add3A_478 = arith.addi %while3A_449, %squeeze3A : i32
        scf.yield %add3A_478 : i32
      }
      %while3A_407 = arith.constant 1 : i32
      %while3A_408 = scf.for %while3A_448 = %while3A_404 to %while3A_400 step %while3A_407 iter_args(%while3A_449 = %while3A_406) -> (i32)  : i32 {
        %mul3A_450 = arith.constant 16 : i32
        %mul3A_451 = arith.muli %while3A_448, %mul3A_450 : i32
        %add3A_452 = vector.broadcast %mul3A_451 : i32 to vector<16xi32>
        %add3A_453 = arith.addi %add3A_452, %iota3A : vector<16xi32>
        %gather3A = tpu.vector_load_idx %arg15[%add3A_453] : memref<1024xi32, #tpu.memory_space<vmem>>[vector<16xi32>], vector<16xi32>,
        %gather3A_454 = tpu.vector_load_idx %arg16[%add3A_453] : memref<1024xi32, #tpu.memory_space<vmem>>[vector<16xi32>], vector<16xi32>,
        %lt3A = vector.broadcast %scan3A_32#1 : i32 to vector<16xi32>
        %lt3A_455 = arith.cmpi slt, %add3A_453, %lt3A : vector<16xi32>
        %ge3A_456 = vector.broadcast %mul3A_368 : i32 to vector<16xi32>
        %ge3A_457 = arith.cmpi sge, %gather3A, %ge3A_456 : vector<16xi32>
        %and3A_458 = arith.andi %lt3A_455, %ge3A_457 : vector<16xi1>
        %add3A_459 = arith.constant 512 : i32
        %add3A_460 = arith.addi %mul3A_368, %add3A_459 : i32
        %lt3A_461 = vector.broadcast %add3A_460 : i32 to vector<16xi32>
        %lt3A_462 = arith.cmpi slt, %gather3A, %lt3A_461 : vector<16xi32>
        %and3A_463 = arith.andi %and3A_458, %lt3A_462 : vector<16xi1>
        %jit3A_464 = arith.constant 1 : i32
        %jit3A_465 = arith.constant 0 : i32
        %broadcast_in_dim3A_466 = vector.broadcast %jit3A_464 : i32 to vector<16xi32>
        %broadcast_in_dim3A_467 = vector.broadcast %jit3A_465 : i32 to vector<16xi32>
        %select_n3A_468 = arith.select %and3A_463, %broadcast_in_dim3A_466, %broadcast_in_dim3A_467 : vector<16xi1>, vector<16xi32>
        %broadcast_in_dim3A_469 = arith.constant true
        %broadcast_in_dim3A_470 = vector.broadcast %broadcast_in_dim3A_469 : i1 to vector<16xi1>
        %masked_cumsum3A = tpu.scan <sum>, %select_n3A_468 masked %broadcast_in_dim3A_470 : vector<16xi32>, vector<16xi1> -> vector<16xi32>
        %add3A_471 = vector.broadcast %while3A_449 : i32 to vector<16xi32>
        %add3A_472 = arith.addi %add3A_471, %masked_cumsum3A : vector<16xi32>
        %sub3A_473 = arith.constant 1 : i32
        %sub3A_474 = vector.broadcast %sub3A_473 : i32 to vector<16xi32>
        %sub3A_475 = arith.subi %add3A_472, %sub3A_474 : vector<16xi32>
        %sub3A_476 = vector.broadcast %mul3A_368 : i32 to vector<16xi32>
        %sub3A_477 = arith.subi %gather3A, %sub3A_476 : vector<16xi32>
        tpu.vector_store_idx %arg17[%sub3A_475], %sub3A_477 masked %and3A_463 : memref<128xi32, #tpu.memory_space<vmem>>[vector<16xi32>], vector<16xi32>, vector<16xi1>
        tpu.vector_store_idx %arg18[%sub3A_475], %gather3A_454 masked %and3A_463 : memref<128xi32, #tpu.memory_space<vmem>>[vector<16xi32>], vector<16xi32>, vector<16xi1>
        %slice3A = vector.extract_strided_slice %masked_cumsum3A {offsets = [15], sizes = [1], strides = [1]} : vector<16xi32> to vector<1xi32>
        %squeeze3A = vector.extract %slice3A[0] : i32 from vector<1xi32>
        %add3A_478 = arith.addi %while3A_449, %squeeze3A : i32
        scf.yield %add3A_478 : i32
      }
      %add3A_409 = arith.constant 16 : i32
      %add3A_410 = arith.addi %while3A_408, %add3A_409 : i32
      %sub3A_411 = arith.constant 1 : i32
      %sub3A_412 = arith.subi %add3A_410, %sub3A_411 : i32
      %jit3A_413 = arith.constant 16 : i32
      %div3A_414 = arith.divsi %sub3A_412, %jit3A_413 : i32
      %sign3A_415 = arith.constant 0 : i32
      %sign3A_416 = arith.cmpi sgt, %sub3A_412, %sign3A_415 : i32
      %sign3A_417 = arith.extui %sign3A_416 : i1 to i32
      %sign3A_418 = arith.constant 0 : i32
      %sign3A_419 = arith.cmpi slt, %sub3A_412, %sign3A_418 : i32
      %sign3A_420 = arith.extui %sign3A_419 : i1 to i32
      %sign3A_421 = arith.subi %sign3A_417, %sign3A_420 : i32
      %sign3A_422 = arith.constant 0 : i32
      %sign3A_423 = arith.cmpi sgt, %jit3A_413, %sign3A_422 : i32
      %sign3A_424 = arith.extui %sign3A_423 : i1 to i32
      %sign3A_425 = arith.constant 0 : i32
      %sign3A_426 = arith.cmpi slt, %jit3A_413, %sign3A_425 : i32
      %sign3A_427 = arith.extui %sign3A_426 : i1 to i32
      %sign3A_428 = arith.subi %sign3A_424, %sign3A_427 : i32
      %ne3A_429 = arith.cmpi ne, %sign3A_421, %sign3A_428 : i32
      %rem3A_430 = arith.remsi %sub3A_412, %jit3A_413 : i32
      %ne3A_431 = arith.constant 0 : i32
      %ne3A_432 = arith.cmpi ne, %rem3A_430, %ne3A_431 : i32
      %and3A_433 = arith.andi %ne3A_429, %ne3A_432 : i1
      %sub3A_434 = arith.constant 1 : i32
      %sub3A_435 = arith.subi %div3A_414, %sub3A_434 : i32
      %select_n3A_436 = arith.select %and3A_433, %sub3A_435, %div3A_414 : i32
      %broadcast_in_dim3A_437 = vector.broadcast %sub3A_366 : i32 to vector<16xi32>
      %while3A_438 = arith.constant 0 : i32
      %while3A_439 = arith.constant 0 : i32
      %while3A_440 = arith.subi %select_n3A_436, %while3A_439 : i32
      %while3A_441 = arith.addi %while3A_439, %while3A_440 : i32
      %while3A_442 = arith.constant 1 : i32
      %while3A_443 = arith.divsi %while3A_440, %while3A_442 : i32
      %while3A_444 = arith.muli %while3A_443, %while3A_442 : i32
      %while3A_445 = arith.addi %while3A_439, %while3A_444 : i32
      %while3A_446 = arith.constant 1 : i32
      scf.for %while3A_448 = %while3A_439 to %while3A_445 step %while3A_446  : i32 {
        %rem3A_449 = arith.constant 2 : i32
        %rem3A_450 = arith.remsi %while3A_448, %rem3A_449 : i32
        %mul3A_451 = arith.constant 16 : i32
        %mul3A_452 = arith.muli %while3A_448, %mul3A_451 : i32
        %add3A_453 = vector.broadcast %mul3A_452 : i32 to vector<16xi32>
        %add3A_454 = arith.addi %add3A_453, %iota3A : vector<16xi32>
        %lt3A = vector.broadcast %while3A_408 : i32 to vector<16xi32>
        %lt3A_455 = arith.cmpi slt, %add3A_454, %lt3A : vector<16xi32>
        %jit3A_456 = arith.constant 0 : i32
        %broadcast_in_dim3A_457 = vector.broadcast %jit3A_456 : i32 to vector<16xi32>
        %select_n3A_458 = arith.select %lt3A_455, %add3A_454, %broadcast_in_dim3A_457 : vector<16xi1>, vector<16xi32>
        %gather3A = tpu.vector_load_idx %arg17[%select_n3A_458] : memref<128xi32, #tpu.memory_space<vmem>>[vector<16xi32>], vector<16xi32>,
        %jit3A_459 = arith.constant 0 : i32
        %broadcast_in_dim3A_460 = vector.broadcast %jit3A_459 : i32 to vector<16xi32>
        %select_n3A_461 = arith.select %lt3A_455, %add3A_454, %broadcast_in_dim3A_460 : vector<16xi1>, vector<16xi32>
        %gather3A_462 = tpu.vector_load_idx %arg18[%select_n3A_461] : memref<128xi32, #tpu.memory_space<vmem>>[vector<16xi32>], vector<16xi32>,
        %select_n3A_463 = arith.select %lt3A_455, %gather3A_462, %add3A_17 : vector<16xi1>, vector<16xi32>
        %scan3A_464 = arith.constant 0 : i32
        %scan3A_465 = arith.constant 0 : i32
        %scan3A_466 = arith.constant 32 : i32
        %scan3A_467 = arith.addi %scan3A_465, %scan3A_466 : i32
        %scan3A_468 = arith.constant 1 : i32
        scf.for %scan3A_492 = %scan3A_465 to %scan3A_467 step %scan3A_468  : i32 {
          %broadcast_in_dim3A_493 = vector.broadcast %scan3A_492 : i32 to vector<16xi32>
          %gather3A_494 = tpu.vector_load_idx %arg12[%broadcast_in_dim3A_437, %broadcast_in_dim3A_493, %gather3A] : memref<2x32x512xf32, #tpu.memory_space<vmem>>[vector<16xi32>, vector<16xi32>, vector<16xi32>], vector<16xf32>,
          %mul3A_495 = arith.constant 33 : i32
          %mul3A_496 = vector.broadcast %mul3A_495 : i32 to vector<16xi32>
          %mul3A_497 = arith.muli %iota3A, %mul3A_496 : vector<16xi32>
          %add3A_498 = vector.broadcast %scan3A_492 : i32 to vector<16xi32>
          %add3A_499 = arith.addi %mul3A_497, %add3A_498 : vector<16xi32>
          tpu.vector_store_idx %arg19[%add3A_499], %gather3A_494 : memref<528xf32, #tpu.memory_space<vmem>>[vector<16xi32>], vector<16xf32>,
        }
        %scan3A_469 = arith.constant 32 : i32
        %dma_wait3A_470 = arith.constant 0 : i32
        %dma_wait3A_471 = arith.constant 0 : i32
        %dma_wait3A_472 = arith.constant 0 : i32
        %dma_wait3A_473 = tpu.memref_slice %arg20[%dma_wait3A_470, %dma_wait3A_471, %dma_wait3A_472] : memref<2x16x128xf32, #tpu.memory_space<vmem>> -> memref<1x16x128xf32, #tpu.memory_space<vmem>>
        %dma_wait3A_474 = tpu.memref_squeeze %dma_wait3A_473 : memref<1x16x128xf32, #tpu.memory_space<vmem>> -> memref<16x128xf32, #tpu.memory_space<vmem>>
        %dma_wait3A_475 = arith.constant 0 : i32
        %dma_wait3A_476 = arith.constant 0 : i32
        %dma_wait3A_477 = tpu.memref_slice %arg6[%dma_wait3A_475, %dma_wait3A_476] : memref<16400x128xf32, #tpu.memory_space<hbm>> -> memref<16400x128xf32, #tpu.memory_space<hbm>>
        tpu.wait_indirect_dma semaphore(%arg23 : memref<!tpu.dma_semaphore, #tpu.memory_space<semaphore_mem>>) src(%dma_wait3A_474 : memref<16x128xf32, #tpu.memory_space<vmem>>) dst(%dma_wait3A_477 : memref<16400x128xf32, #tpu.memory_space<hbm>>)
        %broadcast_in_dim3A_478 = vector.broadcast %rem3A_450 : i32 to vector<16xi32>
        %scan3A_479 = arith.constant 0 : i32
        %scan3A_480 = arith.constant 0 : i32
        %scan3A_481 = arith.constant 16 : i32
        %scan3A_482 = arith.addi %scan3A_480, %scan3A_481 : i32
        %scan3A_483 = arith.constant 1 : i32
        scf.for %scan3A_492 = %scan3A_480 to %scan3A_482 step %scan3A_483  : i32 {
          %mul3A_493 = arith.constant 33 : i32
          %mul3A_494 = arith.muli %scan3A_492, %mul3A_493 : i32
          %add3A_495 = vector.broadcast %mul3A_494 : i32 to vector<16xi32>
          %add3A_496 = arith.addi %add3A_495, %iota3A : vector<16xi32>
          %gather3A_497 = tpu.vector_load_idx %arg19[%add3A_496] : memref<528xf32, #tpu.memory_space<vmem>>[vector<16xi32>], vector<16xf32>,
          %mul3A_498 = arith.constant 33 : i32
          %mul3A_499 = arith.muli %scan3A_492, %mul3A_498 : i32
          %add3A_500 = arith.constant 16 : i32
          %add3A_501 = arith.addi %mul3A_499, %add3A_500 : i32
          %add3A_502 = vector.broadcast %add3A_501 : i32 to vector<16xi32>
          %add3A_503 = arith.addi %add3A_502, %iota3A : vector<16xi32>
          %gather3A_504 = tpu.vector_load_idx %arg19[%add3A_503] : memref<528xf32, #tpu.memory_space<vmem>>[vector<16xi32>], vector<16xf32>,
          %broadcast_in_dim3A_505 = vector.broadcast %scan3A_492 : i32 to vector<16xi32>
          tpu.vector_store_idx %arg20[%broadcast_in_dim3A_478, %broadcast_in_dim3A_505, %iota3A], %gather3A_497 : memref<2x16x128xf32, #tpu.memory_space<vmem>>[vector<16xi32>, vector<16xi32>, vector<16xi32>], vector<16xf32>,
          %add3A_506 = arith.constant 16 : i32
          %add3A_507 = vector.broadcast %add3A_506 : i32 to vector<16xi32>
          %add3A_508 = arith.addi %iota3A, %add3A_507 : vector<16xi32>
          tpu.vector_store_idx %arg20[%broadcast_in_dim3A_478, %broadcast_in_dim3A_505, %add3A_508], %gather3A_504 : memref<2x16x128xf32, #tpu.memory_space<vmem>>[vector<16xi32>, vector<16xi32>, vector<16xi32>], vector<16xf32>,
        }
        %scan3A_484 = arith.constant 16 : i32
        %dma_start3A_485 = arith.constant 0 : i32
        %dma_start3A_486 = arith.constant 0 : i32
        %dma_start3A_487 = tpu.memref_slice %arg20[%rem3A_450, %dma_start3A_485, %dma_start3A_486] : memref<2x16x128xf32, #tpu.memory_space<vmem>> -> memref<1x16x128xf32, #tpu.memory_space<vmem>>
        %dma_start3A_488 = tpu.memref_squeeze %dma_start3A_487 : memref<1x16x128xf32, #tpu.memory_space<vmem>> -> memref<16x128xf32, #tpu.memory_space<vmem>>
        %dma_start3A_489 = arith.constant 0 : i32
        %dma_start3A_490 = arith.constant 0 : i32
        %dma_start3A_491 = tpu.memref_slice %arg7[%dma_start3A_489, %dma_start3A_490] : memref<16400x128xf32, #tpu.memory_space<hbm>> -> memref<16400x128xf32, #tpu.memory_space<hbm>>
        tpu.enqueue_indirect_dma source(%dma_start3A_488 : memref<16x128xf32, #tpu.memory_space<vmem>>) target(%dma_start3A_491 : memref<16400x128xf32, #tpu.memory_space<hbm>>) offsets(%select_n3A_463 : vector<16xi32>) semaphore(%arg23 : memref<!tpu.dma_semaphore, #tpu.memory_space<semaphore_mem>>)
      }
      %while3A_447 = arith.constant 1 : i32
      scf.for %while3A_448 = %while3A_445 to %while3A_441 step %while3A_447  : i32 {
        %rem3A_449 = arith.constant 2 : i32
        %rem3A_450 = arith.remsi %while3A_448, %rem3A_449 : i32
        %mul3A_451 = arith.constant 16 : i32
        %mul3A_452 = arith.muli %while3A_448, %mul3A_451 : i32
        %add3A_453 = vector.broadcast %mul3A_452 : i32 to vector<16xi32>
        %add3A_454 = arith.addi %add3A_453, %iota3A : vector<16xi32>
        %lt3A = vector.broadcast %while3A_408 : i32 to vector<16xi32>
        %lt3A_455 = arith.cmpi slt, %add3A_454, %lt3A : vector<16xi32>
        %jit3A_456 = arith.constant 0 : i32
        %broadcast_in_dim3A_457 = vector.broadcast %jit3A_456 : i32 to vector<16xi32>
        %select_n3A_458 = arith.select %lt3A_455, %add3A_454, %broadcast_in_dim3A_457 : vector<16xi1>, vector<16xi32>
        %gather3A = tpu.vector_load_idx %arg17[%select_n3A_458] : memref<128xi32, #tpu.memory_space<vmem>>[vector<16xi32>], vector<16xi32>,
        %jit3A_459 = arith.constant 0 : i32
        %broadcast_in_dim3A_460 = vector.broadcast %jit3A_459 : i32 to vector<16xi32>
        %select_n3A_461 = arith.select %lt3A_455, %add3A_454, %broadcast_in_dim3A_460 : vector<16xi1>, vector<16xi32>
        %gather3A_462 = tpu.vector_load_idx %arg18[%select_n3A_461] : memref<128xi32, #tpu.memory_space<vmem>>[vector<16xi32>], vector<16xi32>,
        %select_n3A_463 = arith.select %lt3A_455, %gather3A_462, %add3A_17 : vector<16xi1>, vector<16xi32>
        %scan3A_464 = arith.constant 0 : i32
        %scan3A_465 = arith.constant 0 : i32
        %scan3A_466 = arith.constant 32 : i32
        %scan3A_467 = arith.addi %scan3A_465, %scan3A_466 : i32
        %scan3A_468 = arith.constant 1 : i32
        scf.for %scan3A_492 = %scan3A_465 to %scan3A_467 step %scan3A_468  : i32 {
          %broadcast_in_dim3A_493 = vector.broadcast %scan3A_492 : i32 to vector<16xi32>
          %gather3A_494 = tpu.vector_load_idx %arg12[%broadcast_in_dim3A_437, %broadcast_in_dim3A_493, %gather3A] : memref<2x32x512xf32, #tpu.memory_space<vmem>>[vector<16xi32>, vector<16xi32>, vector<16xi32>], vector<16xf32>,
          %mul3A_495 = arith.constant 33 : i32
          %mul3A_496 = vector.broadcast %mul3A_495 : i32 to vector<16xi32>
          %mul3A_497 = arith.muli %iota3A, %mul3A_496 : vector<16xi32>
          %add3A_498 = vector.broadcast %scan3A_492 : i32 to vector<16xi32>
          %add3A_499 = arith.addi %mul3A_497, %add3A_498 : vector<16xi32>
          tpu.vector_store_idx %arg19[%add3A_499], %gather3A_494 : memref<528xf32, #tpu.memory_space<vmem>>[vector<16xi32>], vector<16xf32>,
        }
        %scan3A_469 = arith.constant 32 : i32
        %dma_wait3A_470 = arith.constant 0 : i32
        %dma_wait3A_471 = arith.constant 0 : i32
        %dma_wait3A_472 = arith.constant 0 : i32
        %dma_wait3A_473 = tpu.memref_slice %arg20[%dma_wait3A_470, %dma_wait3A_471, %dma_wait3A_472] : memref<2x16x128xf32, #tpu.memory_space<vmem>> -> memref<1x16x128xf32, #tpu.memory_space<vmem>>
        %dma_wait3A_474 = tpu.memref_squeeze %dma_wait3A_473 : memref<1x16x128xf32, #tpu.memory_space<vmem>> -> memref<16x128xf32, #tpu.memory_space<vmem>>
        %dma_wait3A_475 = arith.constant 0 : i32
        %dma_wait3A_476 = arith.constant 0 : i32
        %dma_wait3A_477 = tpu.memref_slice %arg6[%dma_wait3A_475, %dma_wait3A_476] : memref<16400x128xf32, #tpu.memory_space<hbm>> -> memref<16400x128xf32, #tpu.memory_space<hbm>>
        tpu.wait_indirect_dma semaphore(%arg23 : memref<!tpu.dma_semaphore, #tpu.memory_space<semaphore_mem>>) src(%dma_wait3A_474 : memref<16x128xf32, #tpu.memory_space<vmem>>) dst(%dma_wait3A_477 : memref<16400x128xf32, #tpu.memory_space<hbm>>)
        %broadcast_in_dim3A_478 = vector.broadcast %rem3A_450 : i32 to vector<16xi32>
        %scan3A_479 = arith.constant 0 : i32
        %scan3A_480 = arith.constant 0 : i32
        %scan3A_481 = arith.constant 16 : i32
        %scan3A_482 = arith.addi %scan3A_480, %scan3A_481 : i32
        %scan3A_483 = arith.constant 1 : i32
        scf.for %scan3A_492 = %scan3A_480 to %scan3A_482 step %scan3A_483  : i32 {
          %mul3A_493 = arith.constant 33 : i32
          %mul3A_494 = arith.muli %scan3A_492, %mul3A_493 : i32
          %add3A_495 = vector.broadcast %mul3A_494 : i32 to vector<16xi32>
          %add3A_496 = arith.addi %add3A_495, %iota3A : vector<16xi32>
          %gather3A_497 = tpu.vector_load_idx %arg19[%add3A_496] : memref<528xf32, #tpu.memory_space<vmem>>[vector<16xi32>], vector<16xf32>,
          %mul3A_498 = arith.constant 33 : i32
          %mul3A_499 = arith.muli %scan3A_492, %mul3A_498 : i32
          %add3A_500 = arith.constant 16 : i32
          %add3A_501 = arith.addi %mul3A_499, %add3A_500 : i32
          %add3A_502 = vector.broadcast %add3A_501 : i32 to vector<16xi32>
          %add3A_503 = arith.addi %add3A_502, %iota3A : vector<16xi32>
          %gather3A_504 = tpu.vector_load_idx %arg19[%add3A_503] : memref<528xf32, #tpu.memory_space<vmem>>[vector<16xi32>], vector<16xf32>,
          %broadcast_in_dim3A_505 = vector.broadcast %scan3A_492 : i32 to vector<16xi32>
          tpu.vector_store_idx %arg20[%broadcast_in_dim3A_478, %broadcast_in_dim3A_505, %iota3A], %gather3A_497 : memref<2x16x128xf32, #tpu.memory_space<vmem>>[vector<16xi32>, vector<16xi32>, vector<16xi32>], vector<16xf32>,
          %add3A_506 = arith.constant 16 : i32
          %add3A_507 = vector.broadcast %add3A_506 : i32 to vector<16xi32>
          %add3A_508 = arith.addi %iota3A, %add3A_507 : vector<16xi32>
          tpu.vector_store_idx %arg20[%broadcast_in_dim3A_478, %broadcast_in_dim3A_505, %add3A_508], %gather3A_504 : memref<2x16x128xf32, #tpu.memory_space<vmem>>[vector<16xi32>, vector<16xi32>, vector<16xi32>], vector<16xf32>,
        }
        %scan3A_484 = arith.constant 16 : i32
        %dma_start3A_485 = arith.constant 0 : i32
        %dma_start3A_486 = arith.constant 0 : i32
        %dma_start3A_487 = tpu.memref_slice %arg20[%rem3A_450, %dma_start3A_485, %dma_start3A_486] : memref<2x16x128xf32, #tpu.memory_space<vmem>> -> memref<1x16x128xf32, #tpu.memory_space<vmem>>
        %dma_start3A_488 = tpu.memref_squeeze %dma_start3A_487 : memref<1x16x128xf32, #tpu.memory_space<vmem>> -> memref<16x128xf32, #tpu.memory_space<vmem>>
        %dma_start3A_489 = arith.constant 0 : i32
        %dma_start3A_490 = arith.constant 0 : i32
        %dma_start3A_491 = tpu.memref_slice %arg7[%dma_start3A_489, %dma_start3A_490] : memref<16400x128xf32, #tpu.memory_space<hbm>> -> memref<16400x128xf32, #tpu.memory_space<hbm>>
        tpu.enqueue_indirect_dma source(%dma_start3A_488 : memref<16x128xf32, #tpu.memory_space<vmem>>) target(%dma_start3A_491 : memref<16400x128xf32, #tpu.memory_space<hbm>>) offsets(%select_n3A_463 : vector<16xi32>) semaphore(%arg23 : memref<!tpu.dma_semaphore, #tpu.memory_space<semaphore_mem>>)
      }
    }
    %sub3A = arith.constant 1 : i32
    %sub3A_61 = arith.subi %add3A_6, %sub3A : i32
    %rem3A = arith.constant 2 : i32
    %rem3A_62 = arith.remsi %sub3A_61, %rem3A : i32
    %dma_wait3A = arith.constant 0 : i32
    %dma_wait3A_63 = arith.constant 0 : i32
    %dma_wait3A_64 = tpu.memref_slice %arg11[%rem3A_62, %dma_wait3A, %dma_wait3A_63] : memref<2x32x512xf32, #tpu.memory_space<vmem>> -> memref<1x32x512xf32, #tpu.memory_space<vmem>>
    %dma_wait3A_65 = tpu.memref_squeeze %dma_wait3A_64 : memref<1x32x512xf32, #tpu.memory_space<vmem>> -> memref<32x512xf32, #tpu.memory_space<vmem>>
    %dma_wait3A_66 = arith.constant 0 : i32
    %dma_wait3A_67 = arith.constant 0 : i32
    %dma_wait3A_68 = tpu.memref_slice %arg4[%dma_wait3A_66, %dma_wait3A_67] : memref<32x1000001xf32, #tpu.memory_space<hbm>> -> memref<32x512xf32, #tpu.memory_space<hbm>>
    tpu.wait_indirect_dma semaphore(%arg21 : memref<!tpu.dma_semaphore, #tpu.memory_space<semaphore_mem>>) src(%dma_wait3A_68 : memref<32x512xf32, #tpu.memory_space<hbm>>) dst(%dma_wait3A_65 : memref<32x512xf32, #tpu.memory_space<vmem>>)
    %dma_wait3A_69 = arith.constant 0 : i32
    %dma_wait3A_70 = arith.constant 0 : i32
    %dma_wait3A_71 = tpu.memref_slice %arg12[%rem3A_62, %dma_wait3A_69, %dma_wait3A_70] : memref<2x32x512xf32, #tpu.memory_space<vmem>> -> memref<1x32x512xf32, #tpu.memory_space<vmem>>
    %dma_wait3A_72 = tpu.memref_squeeze %dma_wait3A_71 : memref<1x32x512xf32, #tpu.memory_space<vmem>> -> memref<32x512xf32, #tpu.memory_space<vmem>>
    %dma_wait3A_73 = arith.constant 0 : i32
    %dma_wait3A_74 = arith.constant 0 : i32
    %dma_wait3A_75 = tpu.memref_slice %arg5[%dma_wait3A_73, %dma_wait3A_74] : memref<32x1000001xf32, #tpu.memory_space<hbm>> -> memref<32x512xf32, #tpu.memory_space<hbm>>
    tpu.wait_indirect_dma semaphore(%arg22 : memref<!tpu.dma_semaphore, #tpu.memory_space<semaphore_mem>>) src(%dma_wait3A_75 : memref<32x512xf32, #tpu.memory_space<hbm>>) dst(%dma_wait3A_72 : memref<32x512xf32, #tpu.memory_space<vmem>>)
    %sub3A_76 = arith.constant 1 : i32
    %sub3A_77 = arith.subi %add3A_6, %sub3A_76 : i32
    %mul3A_78 = arith.constant 512 : i32
    %mul3A_79 = arith.muli %sub3A_77, %mul3A_78 : i32
    %add3A_80 = arith.constant 16 : i32
    %add3A_81 = arith.addi %scan3A_32#0, %add3A_80 : i32
    %sub3A_82 = arith.constant 1 : i32
    %sub3A_83 = arith.subi %add3A_81, %sub3A_82 : i32
    %jit3A = arith.constant 16 : i32
    %div3A = arith.divsi %sub3A_83, %jit3A : i32
    %sign3A = arith.constant 0 : i32
    %sign3A_84 = arith.cmpi sgt, %sub3A_83, %sign3A : i32
    %sign3A_85 = arith.extui %sign3A_84 : i1 to i32
    %sign3A_86 = arith.constant 0 : i32
    %sign3A_87 = arith.cmpi slt, %sub3A_83, %sign3A_86 : i32
    %sign3A_88 = arith.extui %sign3A_87 : i1 to i32
    %sign3A_89 = arith.subi %sign3A_85, %sign3A_88 : i32
    %sign3A_90 = arith.constant 0 : i32
    %sign3A_91 = arith.cmpi sgt, %jit3A, %sign3A_90 : i32
    %sign3A_92 = arith.extui %sign3A_91 : i1 to i32
    %sign3A_93 = arith.constant 0 : i32
    %sign3A_94 = arith.cmpi slt, %jit3A, %sign3A_93 : i32
    %sign3A_95 = arith.extui %sign3A_94 : i1 to i32
    %sign3A_96 = arith.subi %sign3A_92, %sign3A_95 : i32
    %ne3A = arith.cmpi ne, %sign3A_89, %sign3A_96 : i32
    %rem3A_97 = arith.remsi %sub3A_83, %jit3A : i32
    %ne3A_98 = arith.constant 0 : i32
    %ne3A_99 = arith.cmpi ne, %rem3A_97, %ne3A_98 : i32
    %and3A = arith.andi %ne3A, %ne3A_99 : i1
    %sub3A_100 = arith.constant 1 : i32
    %sub3A_101 = arith.subi %div3A, %sub3A_100 : i32
    %select_n3A = arith.select %and3A, %sub3A_101, %div3A : i32
    %while3A_102 = arith.constant 0 : i32
    %while3A_103 = arith.constant 0 : i32
    %while3A_104 = arith.subi %select_n3A, %while3A_102 : i32
    %while3A_105 = arith.addi %while3A_102, %while3A_104 : i32
    %while3A_106 = arith.constant 1 : i32
    %while3A_107 = arith.divsi %while3A_104, %while3A_106 : i32
    %while3A_108 = arith.muli %while3A_107, %while3A_106 : i32
    %while3A_109 = arith.addi %while3A_102, %while3A_108 : i32
    %while3A_110 = arith.constant 1 : i32
    %while3A_111 = scf.for %while3A_243 = %while3A_102 to %while3A_109 step %while3A_110 iter_args(%while3A_244 = %while3A_103) -> (i32)  : i32 {
      %mul3A_245 = arith.constant 16 : i32
      %mul3A_246 = arith.muli %while3A_243, %mul3A_245 : i32
      %add3A_247 = vector.broadcast %mul3A_246 : i32 to vector<16xi32>
      %add3A_248 = arith.addi %add3A_247, %iota3A : vector<16xi32>
      %gather3A = tpu.vector_load_idx %arg13[%add3A_248] : memref<1024xi32, #tpu.memory_space<vmem>>[vector<16xi32>], vector<16xi32>,
      %gather3A_249 = tpu.vector_load_idx %arg14[%add3A_248] : memref<1024xi32, #tpu.memory_space<vmem>>[vector<16xi32>], vector<16xi32>,
      %lt3A = vector.broadcast %scan3A_32#0 : i32 to vector<16xi32>
      %lt3A_250 = arith.cmpi slt, %add3A_248, %lt3A : vector<16xi32>
      %ge3A_251 = vector.broadcast %mul3A_79 : i32 to vector<16xi32>
      %ge3A_252 = arith.cmpi sge, %gather3A, %ge3A_251 : vector<16xi32>
      %and3A_253 = arith.andi %lt3A_250, %ge3A_252 : vector<16xi1>
      %add3A_254 = arith.constant 512 : i32
      %add3A_255 = arith.addi %mul3A_79, %add3A_254 : i32
      %lt3A_256 = vector.broadcast %add3A_255 : i32 to vector<16xi32>
      %lt3A_257 = arith.cmpi slt, %gather3A, %lt3A_256 : vector<16xi32>
      %and3A_258 = arith.andi %and3A_253, %lt3A_257 : vector<16xi1>
      %jit3A_259 = arith.constant 1 : i32
      %jit3A_260 = arith.constant 0 : i32
      %broadcast_in_dim3A_261 = vector.broadcast %jit3A_259 : i32 to vector<16xi32>
      %broadcast_in_dim3A_262 = vector.broadcast %jit3A_260 : i32 to vector<16xi32>
      %select_n3A_263 = arith.select %and3A_258, %broadcast_in_dim3A_261, %broadcast_in_dim3A_262 : vector<16xi1>, vector<16xi32>
      %broadcast_in_dim3A_264 = arith.constant true
      %broadcast_in_dim3A_265 = vector.broadcast %broadcast_in_dim3A_264 : i1 to vector<16xi1>
      %masked_cumsum3A = tpu.scan <sum>, %select_n3A_263 masked %broadcast_in_dim3A_265 : vector<16xi32>, vector<16xi1> -> vector<16xi32>
      %add3A_266 = vector.broadcast %while3A_244 : i32 to vector<16xi32>
      %add3A_267 = arith.addi %add3A_266, %masked_cumsum3A : vector<16xi32>
      %sub3A_268 = arith.constant 1 : i32
      %sub3A_269 = vector.broadcast %sub3A_268 : i32 to vector<16xi32>
      %sub3A_270 = arith.subi %add3A_267, %sub3A_269 : vector<16xi32>
      %sub3A_271 = vector.broadcast %mul3A_79 : i32 to vector<16xi32>
      %sub3A_272 = arith.subi %gather3A, %sub3A_271 : vector<16xi32>
      tpu.vector_store_idx %arg17[%sub3A_270], %sub3A_272 masked %and3A_258 : memref<128xi32, #tpu.memory_space<vmem>>[vector<16xi32>], vector<16xi32>, vector<16xi1>
      tpu.vector_store_idx %arg18[%sub3A_270], %gather3A_249 masked %and3A_258 : memref<128xi32, #tpu.memory_space<vmem>>[vector<16xi32>], vector<16xi32>, vector<16xi1>
      %slice3A = vector.extract_strided_slice %masked_cumsum3A {offsets = [15], sizes = [1], strides = [1]} : vector<16xi32> to vector<1xi32>
      %squeeze3A = vector.extract %slice3A[0] : i32 from vector<1xi32>
      %add3A_273 = arith.addi %while3A_244, %squeeze3A : i32
      scf.yield %add3A_273 : i32
    }
    %while3A_112 = arith.constant 1 : i32
    %while3A_113 = scf.for %while3A_243 = %while3A_109 to %while3A_105 step %while3A_112 iter_args(%while3A_244 = %while3A_111) -> (i32)  : i32 {
      %mul3A_245 = arith.constant 16 : i32
      %mul3A_246 = arith.muli %while3A_243, %mul3A_245 : i32
      %add3A_247 = vector.broadcast %mul3A_246 : i32 to vector<16xi32>
      %add3A_248 = arith.addi %add3A_247, %iota3A : vector<16xi32>
      %gather3A = tpu.vector_load_idx %arg13[%add3A_248] : memref<1024xi32, #tpu.memory_space<vmem>>[vector<16xi32>], vector<16xi32>,
      %gather3A_249 = tpu.vector_load_idx %arg14[%add3A_248] : memref<1024xi32, #tpu.memory_space<vmem>>[vector<16xi32>], vector<16xi32>,
      %lt3A = vector.broadcast %scan3A_32#0 : i32 to vector<16xi32>
      %lt3A_250 = arith.cmpi slt, %add3A_248, %lt3A : vector<16xi32>
      %ge3A_251 = vector.broadcast %mul3A_79 : i32 to vector<16xi32>
      %ge3A_252 = arith.cmpi sge, %gather3A, %ge3A_251 : vector<16xi32>
      %and3A_253 = arith.andi %lt3A_250, %ge3A_252 : vector<16xi1>
      %add3A_254 = arith.constant 512 : i32
      %add3A_255 = arith.addi %mul3A_79, %add3A_254 : i32
      %lt3A_256 = vector.broadcast %add3A_255 : i32 to vector<16xi32>
      %lt3A_257 = arith.cmpi slt, %gather3A, %lt3A_256 : vector<16xi32>
      %and3A_258 = arith.andi %and3A_253, %lt3A_257 : vector<16xi1>
      %jit3A_259 = arith.constant 1 : i32
      %jit3A_260 = arith.constant 0 : i32
      %broadcast_in_dim3A_261 = vector.broadcast %jit3A_259 : i32 to vector<16xi32>
      %broadcast_in_dim3A_262 = vector.broadcast %jit3A_260 : i32 to vector<16xi32>
      %select_n3A_263 = arith.select %and3A_258, %broadcast_in_dim3A_261, %broadcast_in_dim3A_262 : vector<16xi1>, vector<16xi32>
      %broadcast_in_dim3A_264 = arith.constant true
      %broadcast_in_dim3A_265 = vector.broadcast %broadcast_in_dim3A_264 : i1 to vector<16xi1>
      %masked_cumsum3A = tpu.scan <sum>, %select_n3A_263 masked %broadcast_in_dim3A_265 : vector<16xi32>, vector<16xi1> -> vector<16xi32>
      %add3A_266 = vector.broadcast %while3A_244 : i32 to vector<16xi32>
      %add3A_267 = arith.addi %add3A_266, %masked_cumsum3A : vector<16xi32>
      %sub3A_268 = arith.constant 1 : i32
      %sub3A_269 = vector.broadcast %sub3A_268 : i32 to vector<16xi32>
      %sub3A_270 = arith.subi %add3A_267, %sub3A_269 : vector<16xi32>
      %sub3A_271 = vector.broadcast %mul3A_79 : i32 to vector<16xi32>
      %sub3A_272 = arith.subi %gather3A, %sub3A_271 : vector<16xi32>
      tpu.vector_store_idx %arg17[%sub3A_270], %sub3A_272 masked %and3A_258 : memref<128xi32, #tpu.memory_space<vmem>>[vector<16xi32>], vector<16xi32>, vector<16xi1>
      tpu.vector_store_idx %arg18[%sub3A_270], %gather3A_249 masked %and3A_258 : memref<128xi32, #tpu.memory_space<vmem>>[vector<16xi32>], vector<16xi32>, vector<16xi1>
      %slice3A = vector.extract_strided_slice %masked_cumsum3A {offsets = [15], sizes = [1], strides = [1]} : vector<16xi32> to vector<1xi32>
      %squeeze3A = vector.extract %slice3A[0] : i32 from vector<1xi32>
      %add3A_273 = arith.addi %while3A_244, %squeeze3A : i32
      scf.yield %add3A_273 : i32
    }
    %add3A_114 = arith.constant 16 : i32
    %add3A_115 = arith.addi %while3A_113, %add3A_114 : i32
    %sub3A_116 = arith.constant 1 : i32
    %sub3A_117 = arith.subi %add3A_115, %sub3A_116 : i32
    %jit3A_118 = arith.constant 16 : i32
    %div3A_119 = arith.divsi %sub3A_117, %jit3A_118 : i32
    %sign3A_120 = arith.constant 0 : i32
    %sign3A_121 = arith.cmpi sgt, %sub3A_117, %sign3A_120 : i32
    %sign3A_122 = arith.extui %sign3A_121 : i1 to i32
    %sign3A_123 = arith.constant 0 : i32
    %sign3A_124 = arith.cmpi slt, %sub3A_117, %sign3A_123 : i32
    %sign3A_125 = arith.extui %sign3A_124 : i1 to i32
    %sign3A_126 = arith.subi %sign3A_122, %sign3A_125 : i32
    %sign3A_127 = arith.constant 0 : i32
    %sign3A_128 = arith.cmpi sgt, %jit3A_118, %sign3A_127 : i32
    %sign3A_129 = arith.extui %sign3A_128 : i1 to i32
    %sign3A_130 = arith.constant 0 : i32
    %sign3A_131 = arith.cmpi slt, %jit3A_118, %sign3A_130 : i32
    %sign3A_132 = arith.extui %sign3A_131 : i1 to i32
    %sign3A_133 = arith.subi %sign3A_129, %sign3A_132 : i32
    %ne3A_134 = arith.cmpi ne, %sign3A_126, %sign3A_133 : i32
    %rem3A_135 = arith.remsi %sub3A_117, %jit3A_118 : i32
    %ne3A_136 = arith.constant 0 : i32
    %ne3A_137 = arith.cmpi ne, %rem3A_135, %ne3A_136 : i32
    %and3A_138 = arith.andi %ne3A_134, %ne3A_137 : i1
    %sub3A_139 = arith.constant 1 : i32
    %sub3A_140 = arith.subi %div3A_119, %sub3A_139 : i32
    %select_n3A_141 = arith.select %and3A_138, %sub3A_140, %div3A_119 : i32
    %broadcast_in_dim3A = vector.broadcast %rem3A_62 : i32 to vector<16xi32>
    %while3A_142 = arith.constant 0 : i32
    %while3A_143 = arith.constant 0 : i32
    %while3A_144 = arith.subi %select_n3A_141, %while3A_143 : i32
    %while3A_145 = arith.addi %while3A_143, %while3A_144 : i32
    %while3A_146 = arith.constant 1 : i32
    %while3A_147 = arith.divsi %while3A_144, %while3A_146 : i32
    %while3A_148 = arith.muli %while3A_147, %while3A_146 : i32
    %while3A_149 = arith.addi %while3A_143, %while3A_148 : i32
    %while3A_150 = arith.constant 1 : i32
    scf.for %while3A_243 = %while3A_143 to %while3A_149 step %while3A_150  : i32 {
      %rem3A_244 = arith.constant 2 : i32
      %rem3A_245 = arith.remsi %while3A_243, %rem3A_244 : i32
      %mul3A_246 = arith.constant 16 : i32
      %mul3A_247 = arith.muli %while3A_243, %mul3A_246 : i32
      %add3A_248 = vector.broadcast %mul3A_247 : i32 to vector<16xi32>
      %add3A_249 = arith.addi %add3A_248, %iota3A : vector<16xi32>
      %lt3A = vector.broadcast %while3A_113 : i32 to vector<16xi32>
      %lt3A_250 = arith.cmpi slt, %add3A_249, %lt3A : vector<16xi32>
      %jit3A_251 = arith.constant 0 : i32
      %broadcast_in_dim3A_252 = vector.broadcast %jit3A_251 : i32 to vector<16xi32>
      %select_n3A_253 = arith.select %lt3A_250, %add3A_249, %broadcast_in_dim3A_252 : vector<16xi1>, vector<16xi32>
      %gather3A = tpu.vector_load_idx %arg17[%select_n3A_253] : memref<128xi32, #tpu.memory_space<vmem>>[vector<16xi32>], vector<16xi32>,
      %jit3A_254 = arith.constant 0 : i32
      %broadcast_in_dim3A_255 = vector.broadcast %jit3A_254 : i32 to vector<16xi32>
      %select_n3A_256 = arith.select %lt3A_250, %add3A_249, %broadcast_in_dim3A_255 : vector<16xi1>, vector<16xi32>
      %gather3A_257 = tpu.vector_load_idx %arg18[%select_n3A_256] : memref<128xi32, #tpu.memory_space<vmem>>[vector<16xi32>], vector<16xi32>,
      %select_n3A_258 = arith.select %lt3A_250, %gather3A_257, %add3A_17 : vector<16xi1>, vector<16xi32>
      %scan3A_259 = arith.constant 0 : i32
      %scan3A_260 = arith.constant 0 : i32
      %scan3A_261 = arith.constant 32 : i32
      %scan3A_262 = arith.addi %scan3A_260, %scan3A_261 : i32
      %scan3A_263 = arith.constant 1 : i32
      scf.for %scan3A_287 = %scan3A_260 to %scan3A_262 step %scan3A_263  : i32 {
        %broadcast_in_dim3A_288 = vector.broadcast %scan3A_287 : i32 to vector<16xi32>
        %gather3A_289 = tpu.vector_load_idx %arg11[%broadcast_in_dim3A, %broadcast_in_dim3A_288, %gather3A] : memref<2x32x512xf32, #tpu.memory_space<vmem>>[vector<16xi32>, vector<16xi32>, vector<16xi32>], vector<16xf32>,
        %mul3A_290 = arith.constant 33 : i32
        %mul3A_291 = vector.broadcast %mul3A_290 : i32 to vector<16xi32>
        %mul3A_292 = arith.muli %iota3A, %mul3A_291 : vector<16xi32>
        %add3A_293 = vector.broadcast %scan3A_287 : i32 to vector<16xi32>
        %add3A_294 = arith.addi %mul3A_292, %add3A_293 : vector<16xi32>
        tpu.vector_store_idx %arg19[%add3A_294], %gather3A_289 : memref<528xf32, #tpu.memory_space<vmem>>[vector<16xi32>], vector<16xf32>,
      }
      %scan3A_264 = arith.constant 32 : i32
      %dma_wait3A_265 = arith.constant 0 : i32
      %dma_wait3A_266 = arith.constant 0 : i32
      %dma_wait3A_267 = arith.constant 0 : i32
      %dma_wait3A_268 = tpu.memref_slice %arg20[%dma_wait3A_265, %dma_wait3A_266, %dma_wait3A_267] : memref<2x16x128xf32, #tpu.memory_space<vmem>> -> memref<1x16x128xf32, #tpu.memory_space<vmem>>
      %dma_wait3A_269 = tpu.memref_squeeze %dma_wait3A_268 : memref<1x16x128xf32, #tpu.memory_space<vmem>> -> memref<16x128xf32, #tpu.memory_space<vmem>>
      %dma_wait3A_270 = arith.constant 0 : i32
      %dma_wait3A_271 = arith.constant 0 : i32
      %dma_wait3A_272 = tpu.memref_slice %arg6[%dma_wait3A_270, %dma_wait3A_271] : memref<16400x128xf32, #tpu.memory_space<hbm>> -> memref<16400x128xf32, #tpu.memory_space<hbm>>
      tpu.wait_indirect_dma semaphore(%arg23 : memref<!tpu.dma_semaphore, #tpu.memory_space<semaphore_mem>>) src(%dma_wait3A_269 : memref<16x128xf32, #tpu.memory_space<vmem>>) dst(%dma_wait3A_272 : memref<16400x128xf32, #tpu.memory_space<hbm>>)
      %broadcast_in_dim3A_273 = vector.broadcast %rem3A_245 : i32 to vector<16xi32>
      %scan3A_274 = arith.constant 0 : i32
      %scan3A_275 = arith.constant 0 : i32
      %scan3A_276 = arith.constant 16 : i32
      %scan3A_277 = arith.addi %scan3A_275, %scan3A_276 : i32
      %scan3A_278 = arith.constant 1 : i32
      scf.for %scan3A_287 = %scan3A_275 to %scan3A_277 step %scan3A_278  : i32 {
        %mul3A_288 = arith.constant 33 : i32
        %mul3A_289 = arith.muli %scan3A_287, %mul3A_288 : i32
        %add3A_290 = vector.broadcast %mul3A_289 : i32 to vector<16xi32>
        %add3A_291 = arith.addi %add3A_290, %iota3A : vector<16xi32>
        %gather3A_292 = tpu.vector_load_idx %arg19[%add3A_291] : memref<528xf32, #tpu.memory_space<vmem>>[vector<16xi32>], vector<16xf32>,
        %mul3A_293 = arith.constant 33 : i32
        %mul3A_294 = arith.muli %scan3A_287, %mul3A_293 : i32
        %add3A_295 = arith.constant 16 : i32
        %add3A_296 = arith.addi %mul3A_294, %add3A_295 : i32
        %add3A_297 = vector.broadcast %add3A_296 : i32 to vector<16xi32>
        %add3A_298 = arith.addi %add3A_297, %iota3A : vector<16xi32>
        %gather3A_299 = tpu.vector_load_idx %arg19[%add3A_298] : memref<528xf32, #tpu.memory_space<vmem>>[vector<16xi32>], vector<16xf32>,
        %broadcast_in_dim3A_300 = vector.broadcast %scan3A_287 : i32 to vector<16xi32>
        tpu.vector_store_idx %arg20[%broadcast_in_dim3A_273, %broadcast_in_dim3A_300, %iota3A], %gather3A_292 : memref<2x16x128xf32, #tpu.memory_space<vmem>>[vector<16xi32>, vector<16xi32>, vector<16xi32>], vector<16xf32>,
        %add3A_301 = arith.constant 16 : i32
        %add3A_302 = vector.broadcast %add3A_301 : i32 to vector<16xi32>
        %add3A_303 = arith.addi %iota3A, %add3A_302 : vector<16xi32>
        tpu.vector_store_idx %arg20[%broadcast_in_dim3A_273, %broadcast_in_dim3A_300, %add3A_303], %gather3A_299 : memref<2x16x128xf32, #tpu.memory_space<vmem>>[vector<16xi32>, vector<16xi32>, vector<16xi32>], vector<16xf32>,
      }
      %scan3A_279 = arith.constant 16 : i32
      %dma_start3A_280 = arith.constant 0 : i32
      %dma_start3A_281 = arith.constant 0 : i32
      %dma_start3A_282 = tpu.memref_slice %arg20[%rem3A_245, %dma_start3A_280, %dma_start3A_281] : memref<2x16x128xf32, #tpu.memory_space<vmem>> -> memref<1x16x128xf32, #tpu.memory_space<vmem>>
      %dma_start3A_283 = tpu.memref_squeeze %dma_start3A_282 : memref<1x16x128xf32, #tpu.memory_space<vmem>> -> memref<16x128xf32, #tpu.memory_space<vmem>>
      %dma_start3A_284 = arith.constant 0 : i32
      %dma_start3A_285 = arith.constant 0 : i32
      %dma_start3A_286 = tpu.memref_slice %arg6[%dma_start3A_284, %dma_start3A_285] : memref<16400x128xf32, #tpu.memory_space<hbm>> -> memref<16400x128xf32, #tpu.memory_space<hbm>>
      tpu.enqueue_indirect_dma source(%dma_start3A_283 : memref<16x128xf32, #tpu.memory_space<vmem>>) target(%dma_start3A_286 : memref<16400x128xf32, #tpu.memory_space<hbm>>) offsets(%select_n3A_258 : vector<16xi32>) semaphore(%arg23 : memref<!tpu.dma_semaphore, #tpu.memory_space<semaphore_mem>>)
    }
    %while3A_151 = arith.constant 1 : i32
    scf.for %while3A_243 = %while3A_149 to %while3A_145 step %while3A_151  : i32 {
      %rem3A_244 = arith.constant 2 : i32
      %rem3A_245 = arith.remsi %while3A_243, %rem3A_244 : i32
      %mul3A_246 = arith.constant 16 : i32
      %mul3A_247 = arith.muli %while3A_243, %mul3A_246 : i32
      %add3A_248 = vector.broadcast %mul3A_247 : i32 to vector<16xi32>
      %add3A_249 = arith.addi %add3A_248, %iota3A : vector<16xi32>
      %lt3A = vector.broadcast %while3A_113 : i32 to vector<16xi32>
      %lt3A_250 = arith.cmpi slt, %add3A_249, %lt3A : vector<16xi32>
      %jit3A_251 = arith.constant 0 : i32
      %broadcast_in_dim3A_252 = vector.broadcast %jit3A_251 : i32 to vector<16xi32>
      %select_n3A_253 = arith.select %lt3A_250, %add3A_249, %broadcast_in_dim3A_252 : vector<16xi1>, vector<16xi32>
      %gather3A = tpu.vector_load_idx %arg17[%select_n3A_253] : memref<128xi32, #tpu.memory_space<vmem>>[vector<16xi32>], vector<16xi32>,
      %jit3A_254 = arith.constant 0 : i32
      %broadcast_in_dim3A_255 = vector.broadcast %jit3A_254 : i32 to vector<16xi32>
      %select_n3A_256 = arith.select %lt3A_250, %add3A_249, %broadcast_in_dim3A_255 : vector<16xi1>, vector<16xi32>
      %gather3A_257 = tpu.vector_load_idx %arg18[%select_n3A_256] : memref<128xi32, #tpu.memory_space<vmem>>[vector<16xi32>], vector<16xi32>,
      %select_n3A_258 = arith.select %lt3A_250, %gather3A_257, %add3A_17 : vector<16xi1>, vector<16xi32>
      %scan3A_259 = arith.constant 0 : i32
      %scan3A_260 = arith.constant 0 : i32
      %scan3A_261 = arith.constant 32 : i32
      %scan3A_262 = arith.addi %scan3A_260, %scan3A_261 : i32
      %scan3A_263 = arith.constant 1 : i32
      scf.for %scan3A_287 = %scan3A_260 to %scan3A_262 step %scan3A_263  : i32 {
        %broadcast_in_dim3A_288 = vector.broadcast %scan3A_287 : i32 to vector<16xi32>
        %gather3A_289 = tpu.vector_load_idx %arg11[%broadcast_in_dim3A, %broadcast_in_dim3A_288, %gather3A] : memref<2x32x512xf32, #tpu.memory_space<vmem>>[vector<16xi32>, vector<16xi32>, vector<16xi32>], vector<16xf32>,
        %mul3A_290 = arith.constant 33 : i32
        %mul3A_291 = vector.broadcast %mul3A_290 : i32 to vector<16xi32>
        %mul3A_292 = arith.muli %iota3A, %mul3A_291 : vector<16xi32>
        %add3A_293 = vector.broadcast %scan3A_287 : i32 to vector<16xi32>
        %add3A_294 = arith.addi %mul3A_292, %add3A_293 : vector<16xi32>
        tpu.vector_store_idx %arg19[%add3A_294], %gather3A_289 : memref<528xf32, #tpu.memory_space<vmem>>[vector<16xi32>], vector<16xf32>,
      }
      %scan3A_264 = arith.constant 32 : i32
      %dma_wait3A_265 = arith.constant 0 : i32
      %dma_wait3A_266 = arith.constant 0 : i32
      %dma_wait3A_267 = arith.constant 0 : i32
      %dma_wait3A_268 = tpu.memref_slice %arg20[%dma_wait3A_265, %dma_wait3A_266, %dma_wait3A_267] : memref<2x16x128xf32, #tpu.memory_space<vmem>> -> memref<1x16x128xf32, #tpu.memory_space<vmem>>
      %dma_wait3A_269 = tpu.memref_squeeze %dma_wait3A_268 : memref<1x16x128xf32, #tpu.memory_space<vmem>> -> memref<16x128xf32, #tpu.memory_space<vmem>>
      %dma_wait3A_270 = arith.constant 0 : i32
      %dma_wait3A_271 = arith.constant 0 : i32
      %dma_wait3A_272 = tpu.memref_slice %arg6[%dma_wait3A_270, %dma_wait3A_271] : memref<16400x128xf32, #tpu.memory_space<hbm>> -> memref<16400x128xf32, #tpu.memory_space<hbm>>
      tpu.wait_indirect_dma semaphore(%arg23 : memref<!tpu.dma_semaphore, #tpu.memory_space<semaphore_mem>>) src(%dma_wait3A_269 : memref<16x128xf32, #tpu.memory_space<vmem>>) dst(%dma_wait3A_272 : memref<16400x128xf32, #tpu.memory_space<hbm>>)
      %broadcast_in_dim3A_273 = vector.broadcast %rem3A_245 : i32 to vector<16xi32>
      %scan3A_274 = arith.constant 0 : i32
      %scan3A_275 = arith.constant 0 : i32
      %scan3A_276 = arith.constant 16 : i32
      %scan3A_277 = arith.addi %scan3A_275, %scan3A_276 : i32
      %scan3A_278 = arith.constant 1 : i32
      scf.for %scan3A_287 = %scan3A_275 to %scan3A_277 step %scan3A_278  : i32 {
        %mul3A_288 = arith.constant 33 : i32
        %mul3A_289 = arith.muli %scan3A_287, %mul3A_288 : i32
        %add3A_290 = vector.broadcast %mul3A_289 : i32 to vector<16xi32>
        %add3A_291 = arith.addi %add3A_290, %iota3A : vector<16xi32>
        %gather3A_292 = tpu.vector_load_idx %arg19[%add3A_291] : memref<528xf32, #tpu.memory_space<vmem>>[vector<16xi32>], vector<16xf32>,
        %mul3A_293 = arith.constant 33 : i32
        %mul3A_294 = arith.muli %scan3A_287, %mul3A_293 : i32
        %add3A_295 = arith.constant 16 : i32
        %add3A_296 = arith.addi %mul3A_294, %add3A_295 : i32
        %add3A_297 = vector.broadcast %add3A_296 : i32 to vector<16xi32>
        %add3A_298 = arith.addi %add3A_297, %iota3A : vector<16xi32>
        %gather3A_299 = tpu.vector_load_idx %arg19[%add3A_298] : memref<528xf32, #tpu.memory_space<vmem>>[vector<16xi32>], vector<16xf32>,
        %broadcast_in_dim3A_300 = vector.broadcast %scan3A_287 : i32 to vector<16xi32>
        tpu.vector_store_idx %arg20[%broadcast_in_dim3A_273, %broadcast_in_dim3A_300, %iota3A], %gather3A_292 : memref<2x16x128xf32, #tpu.memory_space<vmem>>[vector<16xi32>, vector<16xi32>, vector<16xi32>], vector<16xf32>,
        %add3A_301 = arith.constant 16 : i32
        %add3A_302 = vector.broadcast %add3A_301 : i32 to vector<16xi32>
        %add3A_303 = arith.addi %iota3A, %add3A_302 : vector<16xi32>
        tpu.vector_store_idx %arg20[%broadcast_in_dim3A_273, %broadcast_in_dim3A_300, %add3A_303], %gather3A_299 : memref<2x16x128xf32, #tpu.memory_space<vmem>>[vector<16xi32>, vector<16xi32>, vector<16xi32>], vector<16xf32>,
      }
      %scan3A_279 = arith.constant 16 : i32
      %dma_start3A_280 = arith.constant 0 : i32
      %dma_start3A_281 = arith.constant 0 : i32
      %dma_start3A_282 = tpu.memref_slice %arg20[%rem3A_245, %dma_start3A_280, %dma_start3A_281] : memref<2x16x128xf32, #tpu.memory_space<vmem>> -> memref<1x16x128xf32, #tpu.memory_space<vmem>>
      %dma_start3A_283 = tpu.memref_squeeze %dma_start3A_282 : memref<1x16x128xf32, #tpu.memory_space<vmem>> -> memref<16x128xf32, #tpu.memory_space<vmem>>
      %dma_start3A_284 = arith.constant 0 : i32
      %dma_start3A_285 = arith.constant 0 : i32
      %dma_start3A_286 = tpu.memref_slice %arg6[%dma_start3A_284, %dma_start3A_285] : memref<16400x128xf32, #tpu.memory_space<hbm>> -> memref<16400x128xf32, #tpu.memory_space<hbm>>
      tpu.enqueue_indirect_dma source(%dma_start3A_283 : memref<16x128xf32, #tpu.memory_space<vmem>>) target(%dma_start3A_286 : memref<16400x128xf32, #tpu.memory_space<hbm>>) offsets(%select_n3A_258 : vector<16xi32>) semaphore(%arg23 : memref<!tpu.dma_semaphore, #tpu.memory_space<semaphore_mem>>)
    }
    %sub3A_152 = arith.constant 1 : i32
    %sub3A_153 = arith.subi %add3A_6, %sub3A_152 : i32
    %mul3A_154 = arith.constant 512 : i32
    %mul3A_155 = arith.muli %sub3A_153, %mul3A_154 : i32
    %add3A_156 = arith.constant 16 : i32
    %add3A_157 = arith.addi %scan3A_32#1, %add3A_156 : i32
    %sub3A_158 = arith.constant 1 : i32
    %sub3A_159 = arith.subi %add3A_157, %sub3A_158 : i32
    %jit3A_160 = arith.constant 16 : i32
    %div3A_161 = arith.divsi %sub3A_159, %jit3A_160 : i32
    %sign3A_162 = arith.constant 0 : i32
    %sign3A_163 = arith.cmpi sgt, %sub3A_159, %sign3A_162 : i32
    %sign3A_164 = arith.extui %sign3A_163 : i1 to i32
    %sign3A_165 = arith.constant 0 : i32
    %sign3A_166 = arith.cmpi slt, %sub3A_159, %sign3A_165 : i32
    %sign3A_167 = arith.extui %sign3A_166 : i1 to i32
    %sign3A_168 = arith.subi %sign3A_164, %sign3A_167 : i32
    %sign3A_169 = arith.constant 0 : i32
    %sign3A_170 = arith.cmpi sgt, %jit3A_160, %sign3A_169 : i32
    %sign3A_171 = arith.extui %sign3A_170 : i1 to i32
    %sign3A_172 = arith.constant 0 : i32
    %sign3A_173 = arith.cmpi slt, %jit3A_160, %sign3A_172 : i32
    %sign3A_174 = arith.extui %sign3A_173 : i1 to i32
    %sign3A_175 = arith.subi %sign3A_171, %sign3A_174 : i32
    %ne3A_176 = arith.cmpi ne, %sign3A_168, %sign3A_175 : i32
    %rem3A_177 = arith.remsi %sub3A_159, %jit3A_160 : i32
    %ne3A_178 = arith.constant 0 : i32
    %ne3A_179 = arith.cmpi ne, %rem3A_177, %ne3A_178 : i32
    %and3A_180 = arith.andi %ne3A_176, %ne3A_179 : i1
    %sub3A_181 = arith.constant 1 : i32
    %sub3A_182 = arith.subi %div3A_161, %sub3A_181 : i32
    %select_n3A_183 = arith.select %and3A_180, %sub3A_182, %div3A_161 : i32
    %while3A_184 = arith.constant 0 : i32
    %while3A_185 = arith.constant 0 : i32
    %while3A_186 = arith.subi %select_n3A_183, %while3A_184 : i32
    %while3A_187 = arith.addi %while3A_184, %while3A_186 : i32
    %while3A_188 = arith.constant 1 : i32
    %while3A_189 = arith.divsi %while3A_186, %while3A_188 : i32
    %while3A_190 = arith.muli %while3A_189, %while3A_188 : i32
    %while3A_191 = arith.addi %while3A_184, %while3A_190 : i32
    %while3A_192 = arith.constant 1 : i32
    %while3A_193 = scf.for %while3A_243 = %while3A_184 to %while3A_191 step %while3A_192 iter_args(%while3A_244 = %while3A_185) -> (i32)  : i32 {
      %mul3A_245 = arith.constant 16 : i32
      %mul3A_246 = arith.muli %while3A_243, %mul3A_245 : i32
      %add3A_247 = vector.broadcast %mul3A_246 : i32 to vector<16xi32>
      %add3A_248 = arith.addi %add3A_247, %iota3A : vector<16xi32>
      %gather3A = tpu.vector_load_idx %arg15[%add3A_248] : memref<1024xi32, #tpu.memory_space<vmem>>[vector<16xi32>], vector<16xi32>,
      %gather3A_249 = tpu.vector_load_idx %arg16[%add3A_248] : memref<1024xi32, #tpu.memory_space<vmem>>[vector<16xi32>], vector<16xi32>,
      %lt3A = vector.broadcast %scan3A_32#1 : i32 to vector<16xi32>
      %lt3A_250 = arith.cmpi slt, %add3A_248, %lt3A : vector<16xi32>
      %ge3A_251 = vector.broadcast %mul3A_155 : i32 to vector<16xi32>
      %ge3A_252 = arith.cmpi sge, %gather3A, %ge3A_251 : vector<16xi32>
      %and3A_253 = arith.andi %lt3A_250, %ge3A_252 : vector<16xi1>
      %add3A_254 = arith.constant 512 : i32
      %add3A_255 = arith.addi %mul3A_155, %add3A_254 : i32
      %lt3A_256 = vector.broadcast %add3A_255 : i32 to vector<16xi32>
      %lt3A_257 = arith.cmpi slt, %gather3A, %lt3A_256 : vector<16xi32>
      %and3A_258 = arith.andi %and3A_253, %lt3A_257 : vector<16xi1>
      %jit3A_259 = arith.constant 1 : i32
      %jit3A_260 = arith.constant 0 : i32
      %broadcast_in_dim3A_261 = vector.broadcast %jit3A_259 : i32 to vector<16xi32>
      %broadcast_in_dim3A_262 = vector.broadcast %jit3A_260 : i32 to vector<16xi32>
      %select_n3A_263 = arith.select %and3A_258, %broadcast_in_dim3A_261, %broadcast_in_dim3A_262 : vector<16xi1>, vector<16xi32>
      %broadcast_in_dim3A_264 = arith.constant true
      %broadcast_in_dim3A_265 = vector.broadcast %broadcast_in_dim3A_264 : i1 to vector<16xi1>
      %masked_cumsum3A = tpu.scan <sum>, %select_n3A_263 masked %broadcast_in_dim3A_265 : vector<16xi32>, vector<16xi1> -> vector<16xi32>
      %add3A_266 = vector.broadcast %while3A_244 : i32 to vector<16xi32>
      %add3A_267 = arith.addi %add3A_266, %masked_cumsum3A : vector<16xi32>
      %sub3A_268 = arith.constant 1 : i32
      %sub3A_269 = vector.broadcast %sub3A_268 : i32 to vector<16xi32>
      %sub3A_270 = arith.subi %add3A_267, %sub3A_269 : vector<16xi32>
      %sub3A_271 = vector.broadcast %mul3A_155 : i32 to vector<16xi32>
      %sub3A_272 = arith.subi %gather3A, %sub3A_271 : vector<16xi32>
      tpu.vector_store_idx %arg17[%sub3A_270], %sub3A_272 masked %and3A_258 : memref<128xi32, #tpu.memory_space<vmem>>[vector<16xi32>], vector<16xi32>, vector<16xi1>
      tpu.vector_store_idx %arg18[%sub3A_270], %gather3A_249 masked %and3A_258 : memref<128xi32, #tpu.memory_space<vmem>>[vector<16xi32>], vector<16xi32>, vector<16xi1>
      %slice3A = vector.extract_strided_slice %masked_cumsum3A {offsets = [15], sizes = [1], strides = [1]} : vector<16xi32> to vector<1xi32>
      %squeeze3A = vector.extract %slice3A[0] : i32 from vector<1xi32>
      %add3A_273 = arith.addi %while3A_244, %squeeze3A : i32
      scf.yield %add3A_273 : i32
    }
    %while3A_194 = arith.constant 1 : i32
    %while3A_195 = scf.for %while3A_243 = %while3A_191 to %while3A_187 step %while3A_194 iter_args(%while3A_244 = %while3A_193) -> (i32)  : i32 {
      %mul3A_245 = arith.constant 16 : i32
      %mul3A_246 = arith.muli %while3A_243, %mul3A_245 : i32
      %add3A_247 = vector.broadcast %mul3A_246 : i32 to vector<16xi32>
      %add3A_248 = arith.addi %add3A_247, %iota3A : vector<16xi32>
      %gather3A = tpu.vector_load_idx %arg15[%add3A_248] : memref<1024xi32, #tpu.memory_space<vmem>>[vector<16xi32>], vector<16xi32>,
      %gather3A_249 = tpu.vector_load_idx %arg16[%add3A_248] : memref<1024xi32, #tpu.memory_space<vmem>>[vector<16xi32>], vector<16xi32>,
      %lt3A = vector.broadcast %scan3A_32#1 : i32 to vector<16xi32>
      %lt3A_250 = arith.cmpi slt, %add3A_248, %lt3A : vector<16xi32>
      %ge3A_251 = vector.broadcast %mul3A_155 : i32 to vector<16xi32>
      %ge3A_252 = arith.cmpi sge, %gather3A, %ge3A_251 : vector<16xi32>
      %and3A_253 = arith.andi %lt3A_250, %ge3A_252 : vector<16xi1>
      %add3A_254 = arith.constant 512 : i32
      %add3A_255 = arith.addi %mul3A_155, %add3A_254 : i32
      %lt3A_256 = vector.broadcast %add3A_255 : i32 to vector<16xi32>
      %lt3A_257 = arith.cmpi slt, %gather3A, %lt3A_256 : vector<16xi32>
      %and3A_258 = arith.andi %and3A_253, %lt3A_257 : vector<16xi1>
      %jit3A_259 = arith.constant 1 : i32
      %jit3A_260 = arith.constant 0 : i32
      %broadcast_in_dim3A_261 = vector.broadcast %jit3A_259 : i32 to vector<16xi32>
      %broadcast_in_dim3A_262 = vector.broadcast %jit3A_260 : i32 to vector<16xi32>
      %select_n3A_263 = arith.select %and3A_258, %broadcast_in_dim3A_261, %broadcast_in_dim3A_262 : vector<16xi1>, vector<16xi32>
      %broadcast_in_dim3A_264 = arith.constant true
      %broadcast_in_dim3A_265 = vector.broadcast %broadcast_in_dim3A_264 : i1 to vector<16xi1>
      %masked_cumsum3A = tpu.scan <sum>, %select_n3A_263 masked %broadcast_in_dim3A_265 : vector<16xi32>, vector<16xi1> -> vector<16xi32>
      %add3A_266 = vector.broadcast %while3A_244 : i32 to vector<16xi32>
      %add3A_267 = arith.addi %add3A_266, %masked_cumsum3A : vector<16xi32>
      %sub3A_268 = arith.constant 1 : i32
      %sub3A_269 = vector.broadcast %sub3A_268 : i32 to vector<16xi32>
      %sub3A_270 = arith.subi %add3A_267, %sub3A_269 : vector<16xi32>
      %sub3A_271 = vector.broadcast %mul3A_155 : i32 to vector<16xi32>
      %sub3A_272 = arith.subi %gather3A, %sub3A_271 : vector<16xi32>
      tpu.vector_store_idx %arg17[%sub3A_270], %sub3A_272 masked %and3A_258 : memref<128xi32, #tpu.memory_space<vmem>>[vector<16xi32>], vector<16xi32>, vector<16xi1>
      tpu.vector_store_idx %arg18[%sub3A_270], %gather3A_249 masked %and3A_258 : memref<128xi32, #tpu.memory_space<vmem>>[vector<16xi32>], vector<16xi32>, vector<16xi1>
      %slice3A = vector.extract_strided_slice %masked_cumsum3A {offsets = [15], sizes = [1], strides = [1]} : vector<16xi32> to vector<1xi32>
      %squeeze3A = vector.extract %slice3A[0] : i32 from vector<1xi32>
      %add3A_273 = arith.addi %while3A_244, %squeeze3A : i32
      scf.yield %add3A_273 : i32
    }
    %add3A_196 = arith.constant 16 : i32
    %add3A_197 = arith.addi %while3A_195, %add3A_196 : i32
    %sub3A_198 = arith.constant 1 : i32
    %sub3A_199 = arith.subi %add3A_197, %sub3A_198 : i32
    %jit3A_200 = arith.constant 16 : i32
    %div3A_201 = arith.divsi %sub3A_199, %jit3A_200 : i32
    %sign3A_202 = arith.constant 0 : i32
    %sign3A_203 = arith.cmpi sgt, %sub3A_199, %sign3A_202 : i32
    %sign3A_204 = arith.extui %sign3A_203 : i1 to i32
    %sign3A_205 = arith.constant 0 : i32
    %sign3A_206 = arith.cmpi slt, %sub3A_199, %sign3A_205 : i32
    %sign3A_207 = arith.extui %sign3A_206 : i1 to i32
    %sign3A_208 = arith.subi %sign3A_204, %sign3A_207 : i32
    %sign3A_209 = arith.constant 0 : i32
    %sign3A_210 = arith.cmpi sgt, %jit3A_200, %sign3A_209 : i32
    %sign3A_211 = arith.extui %sign3A_210 : i1 to i32
    %sign3A_212 = arith.constant 0 : i32
    %sign3A_213 = arith.cmpi slt, %jit3A_200, %sign3A_212 : i32
    %sign3A_214 = arith.extui %sign3A_213 : i1 to i32
    %sign3A_215 = arith.subi %sign3A_211, %sign3A_214 : i32
    %ne3A_216 = arith.cmpi ne, %sign3A_208, %sign3A_215 : i32
    %rem3A_217 = arith.remsi %sub3A_199, %jit3A_200 : i32
    %ne3A_218 = arith.constant 0 : i32
    %ne3A_219 = arith.cmpi ne, %rem3A_217, %ne3A_218 : i32
    %and3A_220 = arith.andi %ne3A_216, %ne3A_219 : i1
    %sub3A_221 = arith.constant 1 : i32
    %sub3A_222 = arith.subi %div3A_201, %sub3A_221 : i32
    %select_n3A_223 = arith.select %and3A_220, %sub3A_222, %div3A_201 : i32
    %broadcast_in_dim3A_224 = vector.broadcast %rem3A_62 : i32 to vector<16xi32>
    %while3A_225 = arith.constant 0 : i32
    %while3A_226 = arith.constant 0 : i32
    %while3A_227 = arith.subi %select_n3A_223, %while3A_226 : i32
    %while3A_228 = arith.addi %while3A_226, %while3A_227 : i32
    %while3A_229 = arith.constant 1 : i32
    %while3A_230 = arith.divsi %while3A_227, %while3A_229 : i32
    %while3A_231 = arith.muli %while3A_230, %while3A_229 : i32
    %while3A_232 = arith.addi %while3A_226, %while3A_231 : i32
    %while3A_233 = arith.constant 1 : i32
    scf.for %while3A_243 = %while3A_226 to %while3A_232 step %while3A_233  : i32 {
      %rem3A_244 = arith.constant 2 : i32
      %rem3A_245 = arith.remsi %while3A_243, %rem3A_244 : i32
      %mul3A_246 = arith.constant 16 : i32
      %mul3A_247 = arith.muli %while3A_243, %mul3A_246 : i32
      %add3A_248 = vector.broadcast %mul3A_247 : i32 to vector<16xi32>
      %add3A_249 = arith.addi %add3A_248, %iota3A : vector<16xi32>
      %lt3A = vector.broadcast %while3A_195 : i32 to vector<16xi32>
      %lt3A_250 = arith.cmpi slt, %add3A_249, %lt3A : vector<16xi32>
      %jit3A_251 = arith.constant 0 : i32
      %broadcast_in_dim3A_252 = vector.broadcast %jit3A_251 : i32 to vector<16xi32>
      %select_n3A_253 = arith.select %lt3A_250, %add3A_249, %broadcast_in_dim3A_252 : vector<16xi1>, vector<16xi32>
      %gather3A = tpu.vector_load_idx %arg17[%select_n3A_253] : memref<128xi32, #tpu.memory_space<vmem>>[vector<16xi32>], vector<16xi32>,
      %jit3A_254 = arith.constant 0 : i32
      %broadcast_in_dim3A_255 = vector.broadcast %jit3A_254 : i32 to vector<16xi32>
      %select_n3A_256 = arith.select %lt3A_250, %add3A_249, %broadcast_in_dim3A_255 : vector<16xi1>, vector<16xi32>
      %gather3A_257 = tpu.vector_load_idx %arg18[%select_n3A_256] : memref<128xi32, #tpu.memory_space<vmem>>[vector<16xi32>], vector<16xi32>,
      %select_n3A_258 = arith.select %lt3A_250, %gather3A_257, %add3A_17 : vector<16xi1>, vector<16xi32>
      %scan3A_259 = arith.constant 0 : i32
      %scan3A_260 = arith.constant 0 : i32
      %scan3A_261 = arith.constant 32 : i32
      %scan3A_262 = arith.addi %scan3A_260, %scan3A_261 : i32
      %scan3A_263 = arith.constant 1 : i32
      scf.for %scan3A_287 = %scan3A_260 to %scan3A_262 step %scan3A_263  : i32 {
        %broadcast_in_dim3A_288 = vector.broadcast %scan3A_287 : i32 to vector<16xi32>
        %gather3A_289 = tpu.vector_load_idx %arg12[%broadcast_in_dim3A_224, %broadcast_in_dim3A_288, %gather3A] : memref<2x32x512xf32, #tpu.memory_space<vmem>>[vector<16xi32>, vector<16xi32>, vector<16xi32>], vector<16xf32>,
        %mul3A_290 = arith.constant 33 : i32
        %mul3A_291 = vector.broadcast %mul3A_290 : i32 to vector<16xi32>
        %mul3A_292 = arith.muli %iota3A, %mul3A_291 : vector<16xi32>
        %add3A_293 = vector.broadcast %scan3A_287 : i32 to vector<16xi32>
        %add3A_294 = arith.addi %mul3A_292, %add3A_293 : vector<16xi32>
        tpu.vector_store_idx %arg19[%add3A_294], %gather3A_289 : memref<528xf32, #tpu.memory_space<vmem>>[vector<16xi32>], vector<16xf32>,
      }
      %scan3A_264 = arith.constant 32 : i32
      %dma_wait3A_265 = arith.constant 0 : i32
      %dma_wait3A_266 = arith.constant 0 : i32
      %dma_wait3A_267 = arith.constant 0 : i32
      %dma_wait3A_268 = tpu.memref_slice %arg20[%dma_wait3A_265, %dma_wait3A_266, %dma_wait3A_267] : memref<2x16x128xf32, #tpu.memory_space<vmem>> -> memref<1x16x128xf32, #tpu.memory_space<vmem>>
      %dma_wait3A_269 = tpu.memref_squeeze %dma_wait3A_268 : memref<1x16x128xf32, #tpu.memory_space<vmem>> -> memref<16x128xf32, #tpu.memory_space<vmem>>
      %dma_wait3A_270 = arith.constant 0 : i32
      %dma_wait3A_271 = arith.constant 0 : i32
      %dma_wait3A_272 = tpu.memref_slice %arg6[%dma_wait3A_270, %dma_wait3A_271] : memref<16400x128xf32, #tpu.memory_space<hbm>> -> memref<16400x128xf32, #tpu.memory_space<hbm>>
      tpu.wait_indirect_dma semaphore(%arg23 : memref<!tpu.dma_semaphore, #tpu.memory_space<semaphore_mem>>) src(%dma_wait3A_269 : memref<16x128xf32, #tpu.memory_space<vmem>>) dst(%dma_wait3A_272 : memref<16400x128xf32, #tpu.memory_space<hbm>>)
      %broadcast_in_dim3A_273 = vector.broadcast %rem3A_245 : i32 to vector<16xi32>
      %scan3A_274 = arith.constant 0 : i32
      %scan3A_275 = arith.constant 0 : i32
      %scan3A_276 = arith.constant 16 : i32
      %scan3A_277 = arith.addi %scan3A_275, %scan3A_276 : i32
      %scan3A_278 = arith.constant 1 : i32
      scf.for %scan3A_287 = %scan3A_275 to %scan3A_277 step %scan3A_278  : i32 {
        %mul3A_288 = arith.constant 33 : i32
        %mul3A_289 = arith.muli %scan3A_287, %mul3A_288 : i32
        %add3A_290 = vector.broadcast %mul3A_289 : i32 to vector<16xi32>
        %add3A_291 = arith.addi %add3A_290, %iota3A : vector<16xi32>
        %gather3A_292 = tpu.vector_load_idx %arg19[%add3A_291] : memref<528xf32, #tpu.memory_space<vmem>>[vector<16xi32>], vector<16xf32>,
        %mul3A_293 = arith.constant 33 : i32
        %mul3A_294 = arith.muli %scan3A_287, %mul3A_293 : i32
        %add3A_295 = arith.constant 16 : i32
        %add3A_296 = arith.addi %mul3A_294, %add3A_295 : i32
        %add3A_297 = vector.broadcast %add3A_296 : i32 to vector<16xi32>
        %add3A_298 = arith.addi %add3A_297, %iota3A : vector<16xi32>
        %gather3A_299 = tpu.vector_load_idx %arg19[%add3A_298] : memref<528xf32, #tpu.memory_space<vmem>>[vector<16xi32>], vector<16xf32>,
        %broadcast_in_dim3A_300 = vector.broadcast %scan3A_287 : i32 to vector<16xi32>
        tpu.vector_store_idx %arg20[%broadcast_in_dim3A_273, %broadcast_in_dim3A_300, %iota3A], %gather3A_292 : memref<2x16x128xf32, #tpu.memory_space<vmem>>[vector<16xi32>, vector<16xi32>, vector<16xi32>], vector<16xf32>,
        %add3A_301 = arith.constant 16 : i32
        %add3A_302 = vector.broadcast %add3A_301 : i32 to vector<16xi32>
        %add3A_303 = arith.addi %iota3A, %add3A_302 : vector<16xi32>
        tpu.vector_store_idx %arg20[%broadcast_in_dim3A_273, %broadcast_in_dim3A_300, %add3A_303], %gather3A_299 : memref<2x16x128xf32, #tpu.memory_space<vmem>>[vector<16xi32>, vector<16xi32>, vector<16xi32>], vector<16xf32>,
      }
      %scan3A_279 = arith.constant 16 : i32
      %dma_start3A_280 = arith.constant 0 : i32
      %dma_start3A_281 = arith.constant 0 : i32
      %dma_start3A_282 = tpu.memref_slice %arg20[%rem3A_245, %dma_start3A_280, %dma_start3A_281] : memref<2x16x128xf32, #tpu.memory_space<vmem>> -> memref<1x16x128xf32, #tpu.memory_space<vmem>>
      %dma_start3A_283 = tpu.memref_squeeze %dma_start3A_282 : memref<1x16x128xf32, #tpu.memory_space<vmem>> -> memref<16x128xf32, #tpu.memory_space<vmem>>
      %dma_start3A_284 = arith.constant 0 : i32
      %dma_start3A_285 = arith.constant 0 : i32
      %dma_start3A_286 = tpu.memref_slice %arg7[%dma_start3A_284, %dma_start3A_285] : memref<16400x128xf32, #tpu.memory_space<hbm>> -> memref<16400x128xf32, #tpu.memory_space<hbm>>
      tpu.enqueue_indirect_dma source(%dma_start3A_283 : memref<16x128xf32, #tpu.memory_space<vmem>>) target(%dma_start3A_286 : memref<16400x128xf32, #tpu.memory_space<hbm>>) offsets(%select_n3A_258 : vector<16xi32>) semaphore(%arg23 : memref<!tpu.dma_semaphore, #tpu.memory_space<semaphore_mem>>)
    }
    %while3A_234 = arith.constant 1 : i32
    scf.for %while3A_243 = %while3A_232 to %while3A_228 step %while3A_234  : i32 {
      %rem3A_244 = arith.constant 2 : i32
      %rem3A_245 = arith.remsi %while3A_243, %rem3A_244 : i32
      %mul3A_246 = arith.constant 16 : i32
      %mul3A_247 = arith.muli %while3A_243, %mul3A_246 : i32
      %add3A_248 = vector.broadcast %mul3A_247 : i32 to vector<16xi32>
      %add3A_249 = arith.addi %add3A_248, %iota3A : vector<16xi32>
      %lt3A = vector.broadcast %while3A_195 : i32 to vector<16xi32>
      %lt3A_250 = arith.cmpi slt, %add3A_249, %lt3A : vector<16xi32>
      %jit3A_251 = arith.constant 0 : i32
      %broadcast_in_dim3A_252 = vector.broadcast %jit3A_251 : i32 to vector<16xi32>
      %select_n3A_253 = arith.select %lt3A_250, %add3A_249, %broadcast_in_dim3A_252 : vector<16xi1>, vector<16xi32>
      %gather3A = tpu.vector_load_idx %arg17[%select_n3A_253] : memref<128xi32, #tpu.memory_space<vmem>>[vector<16xi32>], vector<16xi32>,
      %jit3A_254 = arith.constant 0 : i32
      %broadcast_in_dim3A_255 = vector.broadcast %jit3A_254 : i32 to vector<16xi32>
      %select_n3A_256 = arith.select %lt3A_250, %add3A_249, %broadcast_in_dim3A_255 : vector<16xi1>, vector<16xi32>
      %gather3A_257 = tpu.vector_load_idx %arg18[%select_n3A_256] : memref<128xi32, #tpu.memory_space<vmem>>[vector<16xi32>], vector<16xi32>,
      %select_n3A_258 = arith.select %lt3A_250, %gather3A_257, %add3A_17 : vector<16xi1>, vector<16xi32>
      %scan3A_259 = arith.constant 0 : i32
      %scan3A_260 = arith.constant 0 : i32
      %scan3A_261 = arith.constant 32 : i32
      %scan3A_262 = arith.addi %scan3A_260, %scan3A_261 : i32
      %scan3A_263 = arith.constant 1 : i32
      scf.for %scan3A_287 = %scan3A_260 to %scan3A_262 step %scan3A_263  : i32 {
        %broadcast_in_dim3A_288 = vector.broadcast %scan3A_287 : i32 to vector<16xi32>
        %gather3A_289 = tpu.vector_load_idx %arg12[%broadcast_in_dim3A_224, %broadcast_in_dim3A_288, %gather3A] : memref<2x32x512xf32, #tpu.memory_space<vmem>>[vector<16xi32>, vector<16xi32>, vector<16xi32>], vector<16xf32>,
        %mul3A_290 = arith.constant 33 : i32
        %mul3A_291 = vector.broadcast %mul3A_290 : i32 to vector<16xi32>
        %mul3A_292 = arith.muli %iota3A, %mul3A_291 : vector<16xi32>
        %add3A_293 = vector.broadcast %scan3A_287 : i32 to vector<16xi32>
        %add3A_294 = arith.addi %mul3A_292, %add3A_293 : vector<16xi32>
        tpu.vector_store_idx %arg19[%add3A_294], %gather3A_289 : memref<528xf32, #tpu.memory_space<vmem>>[vector<16xi32>], vector<16xf32>,
      }
      %scan3A_264 = arith.constant 32 : i32
      %dma_wait3A_265 = arith.constant 0 : i32
      %dma_wait3A_266 = arith.constant 0 : i32
      %dma_wait3A_267 = arith.constant 0 : i32
      %dma_wait3A_268 = tpu.memref_slice %arg20[%dma_wait3A_265, %dma_wait3A_266, %dma_wait3A_267] : memref<2x16x128xf32, #tpu.memory_space<vmem>> -> memref<1x16x128xf32, #tpu.memory_space<vmem>>
      %dma_wait3A_269 = tpu.memref_squeeze %dma_wait3A_268 : memref<1x16x128xf32, #tpu.memory_space<vmem>> -> memref<16x128xf32, #tpu.memory_space<vmem>>
      %dma_wait3A_270 = arith.constant 0 : i32
      %dma_wait3A_271 = arith.constant 0 : i32
      %dma_wait3A_272 = tpu.memref_slice %arg6[%dma_wait3A_270, %dma_wait3A_271] : memref<16400x128xf32, #tpu.memory_space<hbm>> -> memref<16400x128xf32, #tpu.memory_space<hbm>>
      tpu.wait_indirect_dma semaphore(%arg23 : memref<!tpu.dma_semaphore, #tpu.memory_space<semaphore_mem>>) src(%dma_wait3A_269 : memref<16x128xf32, #tpu.memory_space<vmem>>) dst(%dma_wait3A_272 : memref<16400x128xf32, #tpu.memory_space<hbm>>)
      %broadcast_in_dim3A_273 = vector.broadcast %rem3A_245 : i32 to vector<16xi32>
      %scan3A_274 = arith.constant 0 : i32
      %scan3A_275 = arith.constant 0 : i32
      %scan3A_276 = arith.constant 16 : i32
      %scan3A_277 = arith.addi %scan3A_275, %scan3A_276 : i32
      %scan3A_278 = arith.constant 1 : i32
      scf.for %scan3A_287 = %scan3A_275 to %scan3A_277 step %scan3A_278  : i32 {
        %mul3A_288 = arith.constant 33 : i32
        %mul3A_289 = arith.muli %scan3A_287, %mul3A_288 : i32
        %add3A_290 = vector.broadcast %mul3A_289 : i32 to vector<16xi32>
        %add3A_291 = arith.addi %add3A_290, %iota3A : vector<16xi32>
        %gather3A_292 = tpu.vector_load_idx %arg19[%add3A_291] : memref<528xf32, #tpu.memory_space<vmem>>[vector<16xi32>], vector<16xf32>,
        %mul3A_293 = arith.constant 33 : i32
        %mul3A_294 = arith.muli %scan3A_287, %mul3A_293 : i32
        %add3A_295 = arith.constant 16 : i32
        %add3A_296 = arith.addi %mul3A_294, %add3A_295 : i32
        %add3A_297 = vector.broadcast %add3A_296 : i32 to vector<16xi32>
        %add3A_298 = arith.addi %add3A_297, %iota3A : vector<16xi32>
        %gather3A_299 = tpu.vector_load_idx %arg19[%add3A_298] : memref<528xf32, #tpu.memory_space<vmem>>[vector<16xi32>], vector<16xf32>,
        %broadcast_in_dim3A_300 = vector.broadcast %scan3A_287 : i32 to vector<16xi32>
        tpu.vector_store_idx %arg20[%broadcast_in_dim3A_273, %broadcast_in_dim3A_300, %iota3A], %gather3A_292 : memref<2x16x128xf32, #tpu.memory_space<vmem>>[vector<16xi32>, vector<16xi32>, vector<16xi32>], vector<16xf32>,
        %add3A_301 = arith.constant 16 : i32
        %add3A_302 = vector.broadcast %add3A_301 : i32 to vector<16xi32>
        %add3A_303 = arith.addi %iota3A, %add3A_302 : vector<16xi32>
        tpu.vector_store_idx %arg20[%broadcast_in_dim3A_273, %broadcast_in_dim3A_300, %add3A_303], %gather3A_299 : memref<2x16x128xf32, #tpu.memory_space<vmem>>[vector<16xi32>, vector<16xi32>, vector<16xi32>], vector<16xf32>,
      }
      %scan3A_279 = arith.constant 16 : i32
      %dma_start3A_280 = arith.constant 0 : i32
      %dma_start3A_281 = arith.constant 0 : i32
      %dma_start3A_282 = tpu.memref_slice %arg20[%rem3A_245, %dma_start3A_280, %dma_start3A_281] : memref<2x16x128xf32, #tpu.memory_space<vmem>> -> memref<1x16x128xf32, #tpu.memory_space<vmem>>
      %dma_start3A_283 = tpu.memref_squeeze %dma_start3A_282 : memref<1x16x128xf32, #tpu.memory_space<vmem>> -> memref<16x128xf32, #tpu.memory_space<vmem>>
      %dma_start3A_284 = arith.constant 0 : i32
      %dma_start3A_285 = arith.constant 0 : i32
      %dma_start3A_286 = tpu.memref_slice %arg7[%dma_start3A_284, %dma_start3A_285] : memref<16400x128xf32, #tpu.memory_space<hbm>> -> memref<16400x128xf32, #tpu.memory_space<hbm>>
      tpu.enqueue_indirect_dma source(%dma_start3A_283 : memref<16x128xf32, #tpu.memory_space<vmem>>) target(%dma_start3A_286 : memref<16400x128xf32, #tpu.memory_space<hbm>>) offsets(%select_n3A_258 : vector<16xi32>) semaphore(%arg23 : memref<!tpu.dma_semaphore, #tpu.memory_space<semaphore_mem>>)
    }
    %dma_wait3A_235 = arith.constant 0 : i32
    %dma_wait3A_236 = arith.constant 0 : i32
    %dma_wait3A_237 = arith.constant 0 : i32
    %dma_wait3A_238 = tpu.memref_slice %arg20[%dma_wait3A_235, %dma_wait3A_236, %dma_wait3A_237] : memref<2x16x128xf32, #tpu.memory_space<vmem>> -> memref<1x16x128xf32, #tpu.memory_space<vmem>>
    %dma_wait3A_239 = tpu.memref_squeeze %dma_wait3A_238 : memref<1x16x128xf32, #tpu.memory_space<vmem>> -> memref<16x128xf32, #tpu.memory_space<vmem>>
    %dma_wait3A_240 = arith.constant 0 : i32
    %dma_wait3A_241 = arith.constant 0 : i32
    %dma_wait3A_242 = tpu.memref_slice %arg6[%dma_wait3A_240, %dma_wait3A_241] : memref<16400x128xf32, #tpu.memory_space<hbm>> -> memref<16400x128xf32, #tpu.memory_space<hbm>>
    tpu.wait_indirect_dma semaphore(%arg23 : memref<!tpu.dma_semaphore, #tpu.memory_space<semaphore_mem>>) src(%dma_wait3A_239 : memref<16x128xf32, #tpu.memory_space<vmem>>) dst(%dma_wait3A_242 : memref<16400x128xf32, #tpu.memory_space<hbm>>)
    return
  }
}

module attributes {stable_mosaic.version = 14 : i64} {
  func.func @_p2_body(%arg0: i32, %arg1: memref<2048x128xf32, #tpu.memory_space<vmem>>, %arg2: memref<2048x128xf32, #tpu.memory_space<vmem>>, %arg3: memref<2048xf32, #tpu.memory_space<vmem>>) attributes {dimension_semantics = [#tpu.dimension_semantics<arbitrary>], iteration_bounds = array<i64: 8>, scalar_prefetch = 0 : i64, scratch_operands = 0 : i64, tpu.core_type = #tpu.core_type<tc>, window_params = [{transform_indices = @transform_0, window_bounds = array<i64: 2048, 128>}, {transform_indices = @transform_1, window_bounds = array<i64: 2048, 128>}, {transform_indices = @transform_2, window_bounds = array<i64: 2048>}]} {
    %get3A = arith.constant 0 : index
    %get3A_0 = arith.constant 0 : index
    %get3A_1 = vector.load %arg1[%get3A, %get3A_0] : memref<2048x128xf32, #tpu.memory_space<vmem>>, vector<2048x32xf32>
    %get3A_2 = arith.constant 0 : index
    %get3A_3 = arith.constant 0 : index
    %get3A_4 = vector.load %arg2[%get3A_2, %get3A_3] : memref<2048x128xf32, #tpu.memory_space<vmem>>, vector<2048x32xf32>
    %mul3A = arith.mulf %get3A_1, %get3A_4 : vector<2048x32xf32>
    %reduce_sum3A = arith.constant dense<0.000000e+00> : vector<2048xf32>
    %reduce_sum3A_5 = vector.multi_reduction <add>, %mul3A, %reduce_sum3A [1] : vector<2048x32xf32> to vector<2048xf32>
    %swap3A = arith.constant 0 : index
    %swap3A_6 = vector.load %arg3[%swap3A] : memref<2048xf32, #tpu.memory_space<vmem>>, vector<2048xf32>
    tpu.vector_store %arg3[%swap3A], %reduce_sum3A_5 {strides = array<i32>} : memref<2048xf32, #tpu.memory_space<vmem>>, vector<2048xf32>,
    return
  }
  func.func @transform_0(%arg0: i32) -> (i32, i32) {
    %c0_i32 = arith.constant 0 : i32
    %c0_i32_0 = arith.constant 0 : i32
    return %arg0, %c0_i32 : i32, i32
  }
  func.func @transform_1(%arg0: i32) -> (i32, i32) {
    %c0_i32 = arith.constant 0 : i32
    %c0_i32_0 = arith.constant 0 : i32
    return %arg0, %c0_i32 : i32, i32
  }
  func.func @transform_2(%arg0: i32) -> i32 {
    %c0_i32 = arith.constant 0 : i32
    return %arg0 : i32
  }
}

</mosaic_0001>

<sc_bundles>
// kernel: kernel.4.cloned.1.call-start
scs
__scs_entry_jumppad:
0x0: {  	(pc) =	sbr.rel $0x88, $3  }
0x1: {  	(tag) =	ssettag $0x0;
	lr =	simm.s32 $0x1  }
0x2: {  	[smem:$0x3F9D] =	sst lr;
	_ =	strace $0xD0000000  }
0x3: {  	_ = 	snop  }
0x4: {  	_ = 	snop  }
0x5: {  	_ = 	snop  }
0x6: {  	_ = 	snop  }
0x7: {  	_ = 	snop  }
__scs_overlays_trampoline_lowered:
0x8: {  	[smem:$0x3FAC] =	sst s0  }
0x9: {  	[smem:$0x3FAD] =	sst s1  }
0xa: {  	[smem:$0x3FAE] =	sst s2  }
0xb: {  	[smem:$0x3FAF] =	sst s3  }
0xc: {  	[smem:$0x3FB0] =	sst s4  }
0xd: {  	[smem:$0x3FB1] =	sst s5  }
0xe: {  	[smem:$0x3FB2] =	sst s6  }
0xf: {  	[smem:$0x3FB3] =	sst s7  }
0x10: {  	[smem:$0x3FB4] =	sst s8  }
0x11: {  	[smem:$0x3FB5] =	sst s9;
	s0 =	simm.s32 @!p0 $0x0  }
0x12: {  	s1 =	sld [smem:$0x3F9B];
	s0 =	simm.s32 @p0 $0x1  }
0x13: {  	[smem:$0x3FB6] =	sst s0;
	s0 =	simm.s32 @!p1 $0x0  }
0x14: {  	s2 =	sld [smem:$0x3F9A];
	s0 =	simm.s32 @p1 $0x1  }
0x15: {  	[smem:$0x3FB7] =	sst s0;
	s0 =	simm.s32 @!p2 $0x0  }
0x16: {  	s3 =	sld [smem:$0x3FDB];
	s0 =	simm.s32 @p2 $0x1  }
0x17: {  	s4 =	simm.s32 $0x1BF5;
	[smem:$0x3FB9] =	sst s0  }
0x18: {  	s0 =	sld [smem:$0x3F9C];
	_ =	swait.ge [sflag:s4], $0x0  }
0x19: {  	s7 =	sld [smem:$0x3F9D]  }
0x1a: {  	s8 =	sadd.s32 $0xFFFFE003, lr  }
0x1b: {  	s9 =	sadd.s32 $0xFFFFFEF7, lr;
	s5 =	simm.s32 $0xFFFFFFFF;
	p2 =	slt.u32 s8, $0xFFFFF086  }
0x1c: {  	p1 =	slt.u32 s9, $0xF7A;
	s5 =	simm.s32 @!p2 $0x0  }
0x1d: {  	s5 =	simm.s32 @p1 $0x1;
	p0 =	seq.s32 s7, s2  }
0x1e: {  	s7 =	smul.u32 @!p0 $0xF7A, s2;
	p2 =	seq.s32 @!p0 s5, $0x0  }
0x1f: {  	s9 =	smul.u32 $0xF7A, s1;
	s8 =	simm.s32 @!p0 $0x1BF5;
	p2 =	por !p2, p0  }
0x20: {  	[sflag:s8] =	ssyncset.s32 @!p0 $0xFFFFF086;
	s6 =	sadd.s32 @!p0 s3, s7;
	s7 =	simm.s32 @!p0 $0x108  }
0x21: {  	s3 =	sadd.s32 s3, s9;
	s6 =	sadd.s32 @!p0 $0x88, s6;
	s7 =	simm.s32 @p2 $0x1082  }
0x22: {  	[simem:s7], [sflag:s8] =	dma.local @!p0 [hbm:s6], $0xF7A  }
0x23: {  	s9 =	sor.u32 $0xD0000000, s2;
	s6 =	simm.s32 $0x108;
	_ =	swait.ge @!p0 [sflag:s8], $0x0  }
0x24: {  	s3 =	sadd.s32 $0x88, s3;
	s6 =	simm.s32 @!p1 $0x1082;
	[sflag:s4] =	ssyncset.s32 $0xFFFFF086  }
0x25: {  	[simem:s6], [sflag:s4] =	dma.local [hbm:s3], $0xF7A  }
0x26: {  	[smem:$0x3F9D] =	sst s1;
	(tag) =	ssettag s2;
	_ =	strace s9  }
0x27: {  	s1 =	sld [smem:$0x3FAD]  }
0x28: {  	s2 =	sld [smem:$0x3FAE]  }
0x29: {  	s4 =	sld [smem:$0x3FB0]  }
0x2a: {  	p0 =	seq.s32 s5, $0x0;
	s5 =	sld [smem:$0x3FB1]  }
0x2b: {  	s6 =	sld [smem:$0x3FB2]  }
0x2c: {  	s7 =	sld [smem:$0x3FB3]  }
0x2d: {  	s3 =	simm.s32 $0x108;
	s8 =	sld [smem:$0x3FB4]  }
0x2e: {  	s3 =	simm.s32 @!p0 $0x1082;
	s9 =	sld [smem:$0x3FB5]  }
0x2f: {  	lr =	sadd.s32 s0, s3;
	s0 =	sld [smem:$0x3FAC]  }
0x30: {  	s3 =	sld [smem:$0x3FAF]  }
0x31: {  	[smem:$0x3FB8] =	sst s10  }
0x32: {  	s10 =	sld [smem:$0x3FB6];
	_ =	sdelay $0x3  }
0x33: {  	p0 =	seq.s32 s10, $0x1;
	s10 =	sld [smem:$0x3FB8];
	_ =	sdelay $0x3  }
0x34: {  	[smem:$0x3FB8] =	sst s10  }
0x35: {  	s10 =	sld [smem:$0x3FB7];
	_ =	sdelay $0x3  }
0x36: {  	p1 =	seq.s32 s10, $0x1;
	s10 =	sld [smem:$0x3FB8];
	_ =	sdelay $0x3  }
0x37: {  	[smem:$0x3FB8] =	sst s10  }
0x38: {  	s10 =	sld [smem:$0x3FB9]  }
0x39: {  	_ = 	snop;
	(pc) =	sbr.ind lr, $3  }
0x3a: {  	_ = 	snop  }
0x3b: {  	_ = 	snop  }
0x3c: {  	p2 =	seq.s32 s10, $0x1;
	s10 =	sld [smem:$0x3FB8]  }
0x3d: {  	_ =	shalt  }
0x3e: {  	_ =	shalt  }
0x3f: {  	_ =	shalt  }
0x40: {  	_ =	shalt  }
0x41: {  	_ =	shalt  }
0x42: {  	_ =	shalt  }
0x43: {  	_ =	shalt  }
0x44: {  	_ =	shalt  }
0x45: {  	_ =	shalt  }
0x46: {  	_ =	shalt  }
0x47: {  	_ =	shalt  }
0x48: {  	_ =	shalt  }
0x49: {  	_ =	shalt  }
0x4a: {  	_ =	shalt  }
0x4b: {  	_ =	shalt  }
0x4c: {  	_ =	shalt  }
0x4d: {  	_ =	shalt  }
0x4e: {  	_ =	shalt  }
0x4f: {  	_ =	shalt  }
0x50: {  	_ =	shalt  }
0x51: {  	_ =	shalt  }
0x52: {  	_ =	shalt  }
0x53: {  	_ =	shalt  }
0x54: {  	_ =	shalt  }
0x55: {  	_ =	shalt  }
0x56: {  	_ =	shalt  }
0x57: {  	_ =	shalt  }
0x58: {  	_ =	shalt  }
0x59: {  	_ =	shalt  }
0x5a: {  	_ =	shalt  }
0x5b: {  	_ =	shalt  }
0x5c: {  	_ =	shalt  }
0x5d: {  	_ =	shalt  }
0x5e: {  	_ =	shalt  }
0x5f: {  	_ =	shalt  }
0x60: {  	_ =	shalt  }
0x61: {  	_ =	shalt  }
0x62: {  	_ =	shalt  }
0x63: {  	_ =	shalt  }
0x64: {  	_ =	shalt  }
0x65: {  	_ =	shalt  }
0x66: {  	_ =	shalt  }
0x67: {  	_ =	shalt  }
0x68: {  	_ =	shalt  }
0x69: {  	_ =	shalt  }
0x6a: {  	_ =	shalt  }
0x6b: {  	_ =	shalt  }
0x6c: {  	_ =	shalt  }
0x6d: {  	_ =	shalt  }
0x6e: {  	_ =	shalt  }
0x6f: {  	_ =	shalt  }
0x70: {  	_ =	shalt  }
0x71: {  	_ =	shalt  }
0x72: {  	_ =	shalt  }
0x73: {  	_ =	shalt  }
0x74: {  	_ =	shalt  }
0x75: {  	_ =	shalt  }
0x76: {  	_ =	shalt  }
0x77: {  	_ =	shalt  }
0x78: {  	_ =	shalt  }
0x79: {  	_ =	shalt  }
0x7a: {  	_ =	shalt  }
0x7b: {  	_ =	shalt  }
0x7c: {  	_ =	shalt  }
0x7d: {  	_ =	shalt  }
0x7e: {  	_ =	shalt  }
0x7f: {  	_ =	shalt  }
0x80: {  	_ =	shalt  }
0x81: {  	_ =	shalt  }
0x82: {  	_ =	shalt  }
0x83: {  	_ =	shalt  }
0x84: {  	_ =	shalt  }
0x85: {  	_ =	shalt  }
0x86: {  	_ =	shalt  }
0x87: {  	_ =	shalt  }
.Lfunc_end0:
.L_simem_size_0:
called_computation_lowered:
.L_overlay_start_0:
0x88: {  	s2 =	sld [smem:$0x3FD9]  }
0x89: {  	s3 =	sld [smem:$0x3FFE];
	_ =	sdelay $0x1  }
0x8a: {  	s1 =	srdreg.scid  }
0x8b: {  	s0 =	sand.u32 $0x1, s1  }
0x8c: {  	s17 =	sshll.u32 s0, $0xA;
	s2 =	sadd.s32 s3, s2  }
0x8d: {  	s2 =	sadd.s32 s2, s17  }
0x8e: {  	[smem:$0x3FC4] =	sst s2  }
0x8f: {  	_ = 	snop  }
0x90: {  	s2 =	sld [smem:$0x3FC9]  }
0x91: {  	s18 =	sld [smem:$0x3FC8]  }
0x92: {  	s4 =	sld [smem:$0x3FC7]  }
0x93: {  	s5 =	sld [smem:$0x3FC6];
	(tm) =	ssettm $0x1  }
0x94: {  	s6 =	sld [smem:$0x3FFB];
	_ =	sdelay $0x3  }
0x95: {  	_ =	strace s6  }
0x96: {  	s6 =	sld [smem:$0x3FFC];
	_ =	sdelay $0x3  }
0x97: {  	_ =	strace s6  }
0x98: {  	s6 =	sld [smem:$0x3FFD];
	_ =	sdelay $0x3  }
0x99: {  	_ =	strace s6  }
0x9a: {  	_ =	strace $0x8FFFFFFF  }
0x9b: {  	s19 =	sld [smem:$0x3FDB];
	_ =	sdelay $0x1  }
0x9c: {  	s7 =	simm.s32 $_scs_section_size  }
0x9d: {  	s8 =	simm.s32 $_size__tile_overlayer_lowered;
	s9 =	simm.s32 $_tile_overlayer_lowered  }
0x9e: {  	s22 =	simm.s32 $0x1BFF;
	s21 =	sshll.u32 s9, $0x1;
	s6 =	sadd.s32 s7, s19  }
0x9f: {  	s10 =	simm.s32 $0x0;
	s20 =	sshll.u32 s8, $0x1;
	s8 =	sadd.s32 s21, s6  }
0xa0: {  	[timem:s10], [sflag:s22] =	dma.local [hbm:s8], s20  }
0xa1: {  	_ =	swait.ge [sflag:s22], s20  }
0xa2: {  	s7 =	ssub.s32 $0x0, s20;
	[sflag:s22] =	ssyncset.done $0x0  }
0xa3: {  	[sflag:s22] =	ssyncadd.s32 s7;
	_ =	sdelay $0x1  }
0xa4: {  	s23 =	simm.s32 $0x1B8B  }
0xa5: {  	_ =	swait.ge [sflag:s23], $0x1  }
0xa6: {  	[sflag:s23] =	ssyncset.done $0x0  }
0xa7: {  	s25 =	simm.s32 $0x1B8E;
	s24 =	sld [smem:$0x3FFE];
	[sflag:s23] =	ssyncadd.s32 $0xFFFFFFFF  }
0xa8: {  	s26 =	simm.s32 $execute0_lowered;
	[smem:$0x3FD2] =	sst s25  }
0xa9: {  	s8 =	sshll.u32 s26, $0x1;
	_ =	strace $0x80000046;
	[dreg:$0x1] =	wrdreg $0xFFFFFFFF  }
0xaa: {  	s28 =	simm.s32 $_size_execute0_lowered;
	s6 =	sadd.s32 s6, s8;
	[dreg:$0x0] =	wrdreg $0x0  }
0xab: {  	s8 =	sshll.u32 s28, $0x1;
	[dreg:$0x2] =	wrdreg s6  }
0xac: {  	[dreg:$0x3] =	wrdreg s8  }
0xad: {  	[dreg:$0x4] =	wrdreg $0xC0  }
0xae: {  	_ =	task [dreg:s10], $0x5FFFF  }
0xaf: {  	[dreg:$0x1] =	wrdreg $0xFFFFFFFF  }
0xb0: {  	[dreg:$0x0] =	wrdreg $0x60  }
0xb1: {  	[dreg:$0x2] =	wrdreg s2  }
0xb2: {  	[dreg:$0x3] =	wrdreg s18  }
0xb3: {  	[dreg:$0x4] =	wrdreg s4  }
0xb4: {  	[dreg:$0x5] =	wrdreg s5  }
0xb5: {  	[dreg:$0x6] =	wrdreg s24  }
0xb6: {  	[dreg:$0x7] =	wrdreg $0x9  }
0xb7: {  	_ =	task.clear_ibuf [dreg:s10], $0x8FFFF;
	_ =	strace $0x90000046  }
0xb8: {  	s29 =	simm.s32 $0x9;
	_ =	strace $0x80000048  }
0xb9: {  	_ =	swait.ge [sflag:s29], $0x1  }
0xba: {  	[sflag:s29] =	ssyncadd.s32 $0xFFFFFFFF  }
0xbb: {  	_ =	strace $0x90000048  }
0xbc: {  	_ =	sfence  }
0xbd: {  	s30 =	sld [smem:$0x0];
	_ =	sdelay $0x2  }
0xbe: {  	s31 =	sshll.u32 s1, $0xD;
	s1 =	sshrl.u32 s1, $0x2  }
0xbf: {  	s3 =	sand.u32 $0x4000, s31;
	s1 =	sadd.s32 s1, s30  }
0xc0: {  	s0 =	sor.u32 s3, s0;
	s1 =	sshll.u32 s1, $0x11  }
0xc1: {  	s0 =	sor.u32 s1, s0  }
0xc2: {  	s0 =	sadd.s32 $0x8F2B, s0  }
0xc3: {  	[sflag:s0] =	ssyncadd.remote.s32 $0x1  }
0xc4: {  	_ =	sfence.sel $0xFFFF  }
0xc5: {  	[dreg:$0x0] =	wrdreg $0xFFFFFFFF;
	(pc) =	sbr.abs _section_cstart, $3  }
0xc6: {  	[dreg:$0x1] =	wrdreg $0xFFFFFFFF  }
0xc7: {  	_ =	task.clear_ibuf [dreg:s10], $0x2FFFF;
	_ =	strace $0x9FFFFFFF  }
0xc8: {  	(tm) =	ssettm $0x7FFFFFFF  }
0xc9: {  	_ =	shalt  }
tec
execute0_lowered:
.L_overlay_start_1:
0x0: {  	(tag) =	ssettag $0x1  }
0x1: {  	s4 =	rddreg [dreg:$0x2]  }
0x2: {  	s12 =	rddreg [dreg:$0x3]  }
0x3: {  	s0 =	rddreg [dreg:$0x4];
	s5 =	simm.s32 $0x0  }
0x4: {  	s1 =	srdreg.scid;
	s3 =	stileid.u32;
	s9 =	simm.s32 $0x1  }
0x5: {  	s15 =	simm.s32 $0x4000;
	s16 =	simm.s32 $0x2;
	s18 =	simm.s32 $0x19400  }
0x6: {  	s19 =	simm.s32 $0x18080;
	s20 =	simm.s32 $0x18480;
	s21 =	simm.s32 $0x18880  }
0x7: {  	s22 =	simm.s32 $0x18C80;
	s23 =	simm.s32 $0x8080;
	s31 =	simm.s32 $0x19080  }
0x8: {  	[smem:$0x7FF] =	sst s5;
	s7 =	sadd.s32 $0xC00, s0;
	s1 =	sand.u32 $0x1, s1  }
0x9: {  	s8 =	sadd.s32 $0x40E00, s0;
	s2 =	sshll.u32 s3, $0x1;
	p0 =	seq.s32 s3, $0xF  }
0xa: {  	s25 =	ssub.s32 $0x2, s1;
	s1 =	sor.u32 s1, s2;
	s2 =	simm.s32 $0x3E  }
0xb: {  	s3 =	simm.s32 $0x1;
	s2 =	simm.s32 @!p0 $0x3D;
	p0 =	seq.s32 s1, $0x1F  }
0xc: {  	_ =	strace $0x80000047;
	s11 =	smul.u32 $0x7A00, s1;
	s3 =	simm.s32 @!p0 $0x0  }
0xd: {  	s6 =	sshrl.u32 s25, $0x1;
	s13 =	smul.u32 $0x3D000, s1;
	s10 =	sadd.s32 s3, s2  }
0xe: {  	s0 =	ssub.s32 s25, s6;
	s26 =	sadd.s32 s4, s11;
	s3 =	sadd.s32 $0xFFFFFFFF, s10  }
0xf: {  	vm0 =	vmmov $0xffff;
	s4 =	smov.u32 s12;
	s28 =	sshll.u32 s3, $0x9;
	s3 =	sand.u32 $0x1, s3  }
.Ltmp0:
0x10: {  	v8 =	vimm.s32 $0x0;
	s12 =	sadd.s32 s12, s11;
	v0 =	vmov s11;
	s2 =	sshll.u32 s10, $0x9;
	v4 =	vmov s3;
	(pc) =	sbr.rel .LBB2_1-.Ltmp0, $4  }
0x11: {  	s0 =	smax.u32 s0, $0x1;
	[dreg:$0x7] =	wrdreg s12;
	v1 =	vmov s2;
	s29 =	sadd.s32 $0x200, s28;
	v2 =	vmov s28;
	v5 =	vshll.u32 v4, $0xE  }
0x12: {  	s1 =	simm.s32 $0x19180;
	s6 =	simm.s32 $0x10080;
	[dreg:$0x8] =	wrdreg s0;
	v3 =	vmov s29;
	v4 =	vlaneseq.u32;
	v5 =	vbroadcast v5, $0x0  }
0x13: {  	s11 =	simm.s32 $0x0;
	[dreg:$0x6] =	wrdreg s26;
	s30 =	sadd.s32 $0x100, s26;
	v6 =	vor.u32 $0x10, v4;
	v7 =	vor.u32 $0x4000, v4;
	v10 =	vshrl.u32 v4, $0x3  }
0x14: {  	s0 =	simm.s32 $0x19100;
	[dreg:$0x9] =	wrdreg s30;
	s2 =	simm.s32 $0x3;
	v9 =	vand.u32 $0x7, v4;
	v11 =	vor.u32 $0x8, v4;
	v10 =	vmul.u32 $0x8, v10  }
.LBB2_62:
0x15: {  	_ =	swait.ge [sflag:s2], $0x800  }
0x16: {  	s11 =	rddreg [dreg:$0xa]  }
0x17: {  	s3 =	rddreg [dreg:$0x8];
	s11 =	sadd.s32 $0x1, s11  }
0x18: {  	p0 =	sne.s32 s11, s3  }
.Ltmp1:
0x19: {  	_ = 	snop;
	(pc) =	sbr.rel @!p0 .LBB2_63-.Ltmp1, $3  }
0x1a: {  	_ =	sdelay $0x1  }
0x1b: {  	[sflag:s2] =	ssyncset.done $0x0  }
0x1c: {  	[sflag:s2] =	ssyncadd.s32 $0xFFFFF800  }
.LBB2_1:
0x1d: {  	[dreg:$0xa] =	wrdreg s11  }
0x1e: {  	s3 =	rddreg [dreg:$0x0]  }
0x1f: {  	[tilespmem:s5], [sflag:$0x1] =	stream.linear.gather [hbm4b:s3+s5], $0x4000, $0x38;
	[tilespmem:$0x1A400] =	vst v63  }
0x20: {  	s26 =	rddreg [dreg:$0x1]  }
0x21: {  	[tilespmem:s15], [sflag:$0x2] =	stream.linear.gather [hbm4b:s26+s5], $0x4000, $0x38;
	[tilespmem:$0x1A400] =	vst v63  }
0x22: {  	_ =	swait.ge [sflag:s9], $0x4000  }
0x23: {  	[sflag:s9] =	ssyncset.done $0x0  }
0x24: {  	[sflag:s9] =	ssyncadd.s32 $0xFFFFC000  }
0x25: {  	_ =	swait.ge [sflag:s16], $0x4000  }
0x26: {  	v12 =	vor.u32 s5, v4;
	[sflag:s16] =	ssyncset.done $0x0  }
0x27: {  	s28 =	simm.s32 $0x8000;
	[sflag:s16] =	ssyncadd.s32 $0xFFFFC000  }
0x28: {  	[tilespmem:v4+s28+$0x0] =	vst.idx.msk $0xffff, v4  }
0x29: {  	[tilespmem:v6+s28+$0x0] =	vst.idx.msk $0xffff, v6  }
0x2a: {  	[hbm4b:s7+s5] =	stream.indirect_vreg.scatter [tilespmem:s18], [sflag:$0x3], $0x80, v7, vm0, $0xb8;
	[tilespmem:$0x1A400] =	vst v63  }
0x2b: {  	v13 =	vld.idx.msk [tilespmem:v12+s5+$0x0], $0xffff;
	_ =	sdelay $0x4  }
0x2c: {  	v13 =	vsub.s32 v13, v0  }
0x2d: {  	vm1 =	vgt.s32 v13, $0xFFFFFFFF;
	vm2 =	vlt.s32 v13, v1  }
0x2e: {  	vm1 =	vmand vm1, vm2  }
0x2f: {  	v14 =	vsel vm1, $0x1, v8  }
0x30: {  	(xrf0) =	vadd.scan.msk.s32 $0xffff, v14;
	_ =	sdelay $0x2  }
0x31: {  	v14 =	vmov s5  }
0x32: {  	v14 =	vadd.s32 $0xFFFFFFFF, v14  }
0x33: {  	v14 =	vbroadcast v14, $0x0  }
0x34: {  	v15, _, _ =	vpop (xrf0)  }
0x35: {  	v16 =	vadd.s32 v15, v14;
	_ =	sdelay $0x4  }
0x36: {  	[tilespmem:v16+s19+$0x0] =	vst.idx.msk vm1, v13  }
0x37: {  	[tilespmem:v16+s20+$0x0] =	vst.idx.msk vm1, v12  }
0x38: {  	v13 =	vld.idx.msk [tilespmem:v12+s15+$0x0], $0xffff  }
0x39: {  	(v2sf) =	vpush v15, $0xF;
	_ =	sdelay $0x3  }
0x3a: {  	v13 =	vsub.s32 v13, v0  }
0x3b: {  	vm1 =	vgt.s32 v13, $0xFFFFFFFF;
	vm2 =	vlt.s32 v13, v1  }
0x3c: {  	vm1 =	vmand vm1, vm2  }
0x3d: {  	v15 =	vsel vm1, $0x1, v8  }
0x3e: {  	(xrf0) =	vadd.scan.msk.s32 $0xffff, v15;
	_ =	sdelay $0x5  }
0x3f: {  	v16, _, _ =	vpop (xrf0)  }
0x40: {  	s30 =	spop (v2sf);
	v15 =	vadd.s32 v16, v14;
	(v2sf) =	vpush v16, $0xF;
	_ =	sdelay $0x1  }
0x41: {  	s29 =	simm.s32 $0x10  }
0x42: {  	s17 =	simm.s32 $0x20;
	s14 =	simm.s32 $0x0;
	s26 =	sadd.s32 $0x0, s30;
	v14 =	vor.u32 s29, v4  }
.LBB2_2:
0x43: {  	p0 =	sne.s32 s17, $0x3FF0  }
0x44: {  	[tilespmem:v15+s21+$0x0] =	vst.idx.msk vm1, v13  }
0x45: {  	[tilespmem:v15+s22+$0x0] =	vst.idx.msk vm1, v12;
	v12 =	vmov v14  }
0x46: {  	v13 =	vld.idx.msk [tilespmem:v14+s5+$0x0], $0xffff;
	_ =	sdelay $0x5  }
0x47: {  	v13 =	vsub.s32 v13, v0  }
0x48: {  	vm1 =	vgt.s32 v13, $0xFFFFFFFF;
	vm2 =	vlt.s32 v13, v1  }
0x49: {  	vm1 =	vmand vm1, vm2;
	s3 =	spop (v2sf)  }
0x4a: {  	v14 =	vsel vm1, $0x1, v8;
	s14 =	sadd.s32 s14, s3  }
0x4b: {  	v15 =	vmov s14;
	(xrf0) =	vadd.scan.msk.s32 $0xffff, v14  }
0x4c: {  	v14 =	vadd.s32 $0xFFFFFFFF, v15  }
0x4d: {  	v14 =	vbroadcast v14, $0x0  }
0x4e: {  	v15 =	vmov s26  }
0x4f: {  	v15 =	vadd.s32 $0xFFFFFFFF, v15  }
0x50: {  	v15 =	vbroadcast v15, $0x0  }
0x51: {  	v16, _, _ =	vpop (xrf0)  }
0x52: {  	v15 =	vadd.s32 v16, v15;
	(v2sf) =	vpush v16, $0xF;
	_ =	sdelay $0x4  }
0x53: {  	[tilespmem:v15+s19+$0x0] =	vst.idx.msk vm1, v13  }
0x54: {  	[tilespmem:v15+s20+$0x0] =	vst.idx.msk vm1, v12  }
0x55: {  	v13 =	vld.idx.msk [tilespmem:v12+s15+$0x0], $0xffff;
	_ =	sdelay $0x5  }
0x56: {  	v13 =	vsub.s32 v13, v0  }
0x57: {  	vm1 =	vgt.s32 v13, $0xFFFFFFFF;
	vm2 =	vlt.s32 v13, v1  }
0x58: {  	vm1 =	vmand vm1, vm2;
	s3 =	spop (v2sf)  }
0x59: {  	v15 =	vsel vm1, $0x1, v8;
	s26 =	sadd.s32 s26, s3  }
0x5a: {  	(xrf0) =	vadd.scan.msk.s32 $0xffff, v15;
	_ =	sdelay $0x5  }
.Ltmp2:
0x5b: {  	v16, _, _ =	vpop (xrf0);
	(pc) =	sbr.rel @p0 .LBB2_2-.Ltmp2, $3  }
0x5c: {  	v15 =	vadd.s32 v16, v14;
	(v2sf) =	vpush v16, $0xF;
	_ =	sdelay $0x1  }
0x5d: {  	v14 =	vor.u32 s17, v4  }
0x5e: {  	s17 =	sadd.s32 $0x10, s17  }
0x5f: {  	_ =	sdelay $0x4  }
0x60: {  	[tilespmem:v15+s21+$0x0] =	vst.idx.msk vm1, v13  }
0x61: {  	[tilespmem:v15+s22+$0x0] =	vst.idx.msk vm1, v12  }
0x62: {  	v12 =	vld.idx.msk [tilespmem:v14+s5+$0x0], $0xffff;
	_ =	sdelay $0x4  }
0x63: {  	v12 =	vsub.s32 v12, v0  }
0x64: {  	vm1 =	vgt.s32 v12, $0xFFFFFFFF;
	vm2 =	vlt.s32 v12, v1  }
0x65: {  	vm1 =	vmand vm1, vm2  }
0x66: {  	v13 =	vsel vm1, $0x1, v8  }
0x67: {  	(xrf0) =	vadd.scan.msk.s32 $0xffff, v13;
	_ =	sdelay $0x2  }
0x68: {  	v13 =	vmov s26  }
0x69: {  	v13 =	vadd.s32 $0xFFFFFFFF, v13  }
0x6a: {  	v13 =	vbroadcast v13, $0x0  }
0x6b: {  	v15, _, _ =	vpop (xrf0)  }
0x6c: {  	v13 =	vadd.s32 v15, v13;
	_ =	sdelay $0x4  }
0x6d: {  	[tilespmem:v13+s19+$0x0] =	vst.idx.msk vm1, v12  }
0x6e: {  	[tilespmem:v13+s20+$0x0] =	vst.idx.msk vm1, v14  }
0x6f: {  	v12 =	vld.idx.msk [tilespmem:v14+s15+$0x0], $0xffff;
	_ =	sdelay $0x4  }
0x70: {  	v12 =	vsub.s32 v12, v0  }
0x71: {  	vm1 =	vgt.s32 v12, $0xFFFFFFFF;
	vm2 =	vlt.s32 v12, v1  }
0x72: {  	vm1 =	vmand vm1, vm2  }
0x73: {  	v13 =	vsel vm1, $0x1, v8  }
0x74: {  	(xrf0) =	vadd.scan.msk.s32 $0xffff, v13  }
0x75: {  	s3 =	spop (v2sf)  }
0x76: {  	s14 =	sadd.s32 s14, s3  }
0x77: {  	v13 =	vmov s14  }
0x78: {  	v13 =	vadd.s32 $0xFFFFFFFF, v13  }
0x79: {  	v13 =	vbroadcast v13, $0x0  }
0x7a: {  	v16, _, _ =	vpop (xrf0)  }
0x7b: {  	v13 =	vadd.s32 v16, v13;
	_ =	sdelay $0x4  }
0x7c: {  	[tilespmem:v13+s21+$0x0] =	vst.idx.msk vm1, v12  }
0x7d: {  	[tilespmem:v13+s22+$0x0] =	vst.idx.msk vm1, v14  }
0x7e: {  	v12 =	vld [tilespmem:$0x8000];
	_ =	sdelay $0x4  }
0x7f: {  	v13 =	vshrl.u32 v12, $0x3  }
0x80: {  	v13 =	vmul.u32 $0xF428, v13  }
0x81: {  	v12 =	vand.u32 $0x7, v12  }
0x82: {  	v12 =	vor.u32 v12, v13  }
0x83: {  	v13 =	vperm.xlane v12, v9;
	_ =	sdelay $0x1  }
0x84: {  	v13 =	vadd.s32 v10, v13;
	_ =	sdelay $0x1  }
0x85: {  	v12 =	vperm.xlane v12, v11;
	_ =	sdelay $0x1  }
0x86: {  	s3 =	rddreg [dreg:$0x6];
	v12 =	vadd.s32 v10, v12  }
0x87: {  	[tilespmem:s23], [sflag:$0x1] =	stream.indirect_vreg.gather [hbm4b:s3+s5], $0x80, v13, vm0, $0xb8;
	[tilespmem:$0x1A400] =	vst v63  }
0x88: {  	s11 =	rddreg [dreg:$0x9];
	s12 =	simm.s32 $0x8880  }
0x89: {  	[tilespmem:s12], [sflag:$0x1] =	stream.indirect_vreg.gather [hbm4b:s11+s5], $0x80, v13, vm0, $0xb8;
	[tilespmem:$0x1A400] =	vst v63  }
0x8a: {  	s17 =	simm.s32 $0x9080  }
0x8b: {  	[tilespmem:s17], [sflag:$0x1] =	stream.indirect_vreg.gather [hbm4b:s3+s5], $0x80, v12, vm0, $0xb8;
	[tilespmem:$0x1A400] =	vst v63  }
0x8c: {  	s24 =	simm.s32 $0x9880  }
0x8d: {  	[tilespmem:s24], [sflag:$0x1] =	stream.indirect_vreg.gather [hbm4b:s11+s5], $0x80, v12, vm0, $0xb8;
	[tilespmem:$0x1A400] =	vst v63  }
0x8e: {  	v12 =	vld [tilespmem:$0x8010];
	_ =	sdelay $0x4  }
0x8f: {  	v13 =	vshrl.u32 v12, $0x3  }
0x90: {  	v13 =	vmul.u32 $0xF428, v13  }
0x91: {  	v12 =	vand.u32 $0x7, v12  }
0x92: {  	v12 =	vor.u32 v12, v13  }
0x93: {  	v13 =	vperm.xlane v12, v9;
	_ =	sdelay $0x1  }
0x94: {  	v13 =	vadd.s32 v10, v13;
	_ =	sdelay $0x1  }
0x95: {  	v12 =	vperm.xlane v12, v11;
	_ =	sdelay $0x1  }
0x96: {  	s25 =	simm.s32 $0xA080;
	v12 =	vadd.s32 v10, v12  }
0x97: {  	[tilespmem:s25], [sflag:$0x1] =	stream.indirect_vreg.gather [hbm4b:s3+s5], $0x80, v13, vm0, $0xb8;
	[tilespmem:$0x1A400] =	vst v63  }
0x98: {  	s30 =	simm.s32 $0xA880  }
0x99: {  	[tilespmem:s30], [sflag:$0x1] =	stream.indirect_vreg.gather [hbm4b:s11+s5], $0x80, v13, vm0, $0xb8;
	[tilespmem:$0x1A400] =	vst v63  }
0x9a: {  	s17 =	simm.s32 $0xB080  }
0x9b: {  	[tilespmem:s17], [sflag:$0x1] =	stream.indirect_vreg.gather [hbm4b:s3+s5], $0x80, v12, vm0, $0xb8;
	[tilespmem:$0x1A400] =	vst v63  }
0x9c: {  	s24 =	simm.s32 $0xB880  }
0x9d: {  	[tilespmem:s24], [sflag:$0x1] =	stream.indirect_vreg.gather [hbm4b:s11+s5], $0x80, v12, vm0, $0xb8;
	[tilespmem:$0x1A400] =	vst v63  }
0x9e: {  	v12 =	vld [tilespmem:$0x8000];
	_ =	sdelay $0x4  }
0x9f: {  	v13 =	vshrl.u32 v12, $0x3  }
0xa0: {  	v13 =	vmul.u32 $0xF428, v13  }
0xa1: {  	v12 =	vand.u32 $0x7, v12  }
0xa2: {  	v12 =	vor.u32 v12, v13  }
0xa3: {  	v13 =	vperm.xlane v12, v9;
	_ =	sdelay $0x1  }
0xa4: {  	v13 =	vadd.s32 v10, v13;
	_ =	sdelay $0x1  }
0xa5: {  	v12 =	vperm.xlane v12, v11;
	_ =	sdelay $0x1  }
0xa6: {  	s12 =	rddreg [dreg:$0x7];
	v12 =	vadd.s32 v10, v12  }
0xa7: {  	[tilespmem:s6], [sflag:$0x2] =	stream.indirect_vreg.gather [hbm4b:s12+s5], $0x80, v13, vm0, $0xb8;
	[tilespmem:$0x1A400] =	vst v63  }
0xa8: {  	s25 =	simm.s32 $0x10880;
	s3 =	sadd.s32 $0x100, s12  }
0xa9: {  	[tilespmem:s25], [sflag:$0x2] =	stream.indirect_vreg.gather [hbm4b:s3+s5], $0x80, v13, vm0, $0xb8;
	[tilespmem:$0x1A400] =	vst v63  }
0xaa: {  	s30 =	simm.s32 $0x11080  }
0xab: {  	[tilespmem:s30], [sflag:$0x2] =	stream.indirect_vreg.gather [hbm4b:s12+s5], $0x80, v12, vm0, $0xb8;
	[tilespmem:$0x1A400] =	vst v63  }
0xac: {  	s17 =	simm.s32 $0x11880  }
0xad: {  	[tilespmem:s17], [sflag:$0x2] =	stream.indirect_vreg.gather [hbm4b:s3+s5], $0x80, v12, vm0, $0xb8;
	[tilespmem:$0x1A400] =	vst v63  }
0xae: {  	v12 =	vld [tilespmem:$0x8010];
	_ =	sdelay $0x1  }
0xaf: {  	(v2sf) =	vpush v15, $0xF;
	_ =	sdelay $0x1  }
0xb0: {  	(v2sf) =	vpush v16, $0xF  }
0xb1: {  	v13 =	vshrl.u32 v12, $0x3  }
0xb2: {  	v13 =	vmul.u32 $0xF428, v13  }
0xb3: {  	v12 =	vand.u32 $0x7, v12  }
0xb4: {  	v12 =	vor.u32 v12, v13  }
0xb5: {  	v13 =	vperm.xlane v12, v9;
	_ =	sdelay $0x1  }
0xb6: {  	v13 =	vadd.s32 v10, v13;
	_ =	sdelay $0x1  }
0xb7: {  	v12 =	vperm.xlane v12, v11;
	_ =	sdelay $0x1  }
0xb8: {  	s24 =	simm.s32 $0x12080;
	v12 =	vadd.s32 v10, v12  }
0xb9: {  	[tilespmem:s24], [sflag:$0x2] =	stream.indirect_vreg.gather [hbm4b:s12+s5], $0x80, v13, vm0, $0xb8;
	[tilespmem:$0x1A400] =	vst v63  }
0xba: {  	s25 =	simm.s32 $0x12880;
	s30 =	spop (v2sf)  }
0xbb: {  	[tilespmem:s25], [sflag:$0x2] =	stream.indirect_vreg.gather [hbm4b:s3+s5], $0x80, v13, vm0, $0xb8;
	[tilespmem:$0x1A400] =	vst v63  }
0xbc: {  	s17 =	simm.s32 $0x13080;
	s24 =	spop (v2sf)  }
0xbd: {  	[tilespmem:s17], [sflag:$0x2] =	stream.indirect_vreg.gather [hbm4b:s12+s5], $0x80, v12, vm0, $0xb8;
	[tilespmem:$0x1A400] =	vst v63  }
0xbe: {  	s12 =	sadd.s32 s14, s24  }
0xbf: {  	s11 =	sadd.s32 s26, s30;
	s17 =	simm.s32 $0x13880;
	s24 =	sadd.s32 $0xF, s12  }
0xc0: {  	[tilespmem:s17], [sflag:$0x2] =	stream.indirect_vreg.gather [hbm4b:s3+s5], $0x80, v12, vm0, $0xb8;
	[tilespmem:$0x1A400] =	vst v63  }
0xc1: {  	s3 =	sadd.s32 $0xF, s11;
	p6 =	slt.s32 s24, $0x1;
	s17 =	simm.s32 $0x1  }
0xc2: {  	s25 =	sshra.s32 s3, $0x1F;
	s30 =	sand.u32 $0xF, s3;
	p0 =	slt.s32 s3, $0x1  }
0xc3: {  	s26 =	sshrl.u32 s25, $0x1C;
	p1 =	sne.s32 s30, $0x0;
	s25 =	sand.u32 $0xF, s24  }
0xc4: {  	s30 =	sshra.s32 s24, $0x1F;
	s14 =	sadd.s32 s26, s3;
	p2 =	sne.s32 s25, $0x0  }
0xc5: {  	p0 =	por !p0, !p1;
	p1 =	por !p6, !p2;
	s26 =	sshra.s32 s14, $0x4  }
.Ltmp3:
0xc6: {  	p0 =	por !p0, !p0;
	s14 =	sshrl.u32 s30, $0x1C;
	(pc) =	sbr.rel .LBB2_4-.Ltmp3, $4  }
0xc7: {  	s14 =	sadd.s32 s14, s24;
	p1 =	por !p1, !p1;
	s24 =	simm.s32 $0x1  }
0xc8: {  	s17 =	simm.s32 @!p0 $0x0;
	s14 =	sshra.s32 s14, $0x4;
	s24 =	simm.s32 @!p1 $0x0  }
0xc9: {  	s28 =	ssub.s32 s26, s17;
	s26 =	ssub.s32 s14, s24  }
0xca: {  	s29 =	simm.s32 $0x1;
	v13 =	vmov s11;
	v12 =	vmov s12;
	p1 =	slt.s32 s28, $0x1;
	p0 =	slt.s32 s26, $0x1  }
.LBB2_33:
0xcb: {  	s29 =	sadd.s32 $0x1, s29  }
0xcc: {  	p2 =	sne.s32 s29, s10  }
.Ltmp4:
0xcd: {  	_ = 	snop;
	(pc) =	sbr.rel @!p2 .LBB2_34-.Ltmp4, $1  }
0xce: {  	_ =	sdelay $0x3  }
.LBB2_4:
0xcf: {  	v14 =	vld [tilespmem:$0x8000];
	_ =	sdelay $0x4  }
0xd0: {  	v15 =	vshrl.u32 v14, $0x3  }
0xd1: {  	v15 =	vmul.u32 $0xF428, v15  }
0xd2: {  	v14 =	vand.u32 $0x7, v14  }
0xd3: {  	v14 =	vor.u32 v14, v15  }
0xd4: {  	v15 =	vperm.xlane v14, v9;
	_ =	sdelay $0x1  }
0xd5: {  	v15 =	vadd.s32 v10, v15  }
0xd6: {  	s3 =	sshll.u32 s29, $0xC  }
0xd7: {  	s30 =	sand.u32 $0x1, s29;
	s3 =	sadd.s32 s13, s3;
	v14 =	vperm.xlane v14, v11  }
0xd8: {  	s12 =	rddreg [dreg:$0x2];
	s17 =	sshll.u32 s30, $0xE;
	s3 =	sshrl.u32 s3, $0x3  }
0xd9: {  	s14 =	simm.s32 $0x0;
	s11 =	sor.u32 $0x8080, s17;
	s12 =	sadd.s32 s12, s3;
	v14 =	vadd.s32 v10, v14  }
0xda: {  	[tilespmem:s11], [sflag:$0x1] =	stream.indirect_vreg.gather [hbm4b:s12+s14], $0x80, v15, vm0, $0xb8;
	[tilespmem:$0x1A400] =	vst v63  }
0xdb: {  	s24 =	sor.u32 $0x8880, s17;
	s11 =	sadd.s32 $0x100, s12  }
0xdc: {  	[tilespmem:s24], [sflag:$0x1] =	stream.indirect_vreg.gather [hbm4b:s11+s14], $0x80, v15, vm0, $0xb8;
	[tilespmem:$0x1A400] =	vst v63  }
0xdd: {  	s25 =	sor.u32 $0x9080, s17  }
0xde: {  	[tilespmem:s25], [sflag:$0x1] =	stream.indirect_vreg.gather [hbm4b:s12+s14], $0x80, v14, vm0, $0xb8;
	[tilespmem:$0x1A400] =	vst v63  }
0xdf: {  	s25 =	sor.u32 $0x9880, s17  }
0xe0: {  	[tilespmem:s25], [sflag:$0x1] =	stream.indirect_vreg.gather [hbm4b:s11+s14], $0x80, v14, vm0, $0xb8;
	[tilespmem:$0x1A400] =	vst v63  }
0xe1: {  	v14 =	vld [tilespmem:$0x8010];
	_ =	sdelay $0x4  }
0xe2: {  	v15 =	vshrl.u32 v14, $0x3  }
0xe3: {  	v15 =	vmul.u32 $0xF428, v15  }
0xe4: {  	v14 =	vand.u32 $0x7, v14  }
0xe5: {  	v14 =	vor.u32 v14, v15  }
0xe6: {  	v15 =	vperm.xlane v14, v9;
	_ =	sdelay $0x1  }
0xe7: {  	v15 =	vadd.s32 v10, v15;
	_ =	sdelay $0x1  }
0xe8: {  	v14 =	vperm.xlane v14, v11;
	_ =	sdelay $0x1  }
0xe9: {  	s25 =	sor.u32 $0xA080, s17;
	v14 =	vadd.s32 v10, v14  }
0xea: {  	[tilespmem:s25], [sflag:$0x1] =	stream.indirect_vreg.gather [hbm4b:s12+s14], $0x80, v15, vm0, $0xb8;
	[tilespmem:$0x1A400] =	vst v63  }
0xeb: {  	s25 =	sor.u32 $0xA880, s17  }
0xec: {  	[tilespmem:s25], [sflag:$0x1] =	stream.indirect_vreg.gather [hbm4b:s11+s14], $0x80, v15, vm0, $0xb8;
	[tilespmem:$0x1A400] =	vst v63  }
0xed: {  	s25 =	sor.u32 $0xB080, s17  }
0xee: {  	[tilespmem:s25], [sflag:$0x1] =	stream.indirect_vreg.gather [hbm4b:s12+s14], $0x80, v14, vm0, $0xb8;
	[tilespmem:$0x1A400] =	vst v63  }
0xef: {  	s25 =	sor.u32 $0xB880, s17  }
0xf0: {  	[tilespmem:s25], [sflag:$0x1] =	stream.indirect_vreg.gather [hbm4b:s11+s14], $0x80, v14, vm0, $0xb8;
	[tilespmem:$0x1A400] =	vst v63  }
0xf1: {  	v14 =	vld [tilespmem:$0x8000];
	_ =	sdelay $0x4  }
0xf2: {  	v15 =	vshrl.u32 v14, $0x3  }
0xf3: {  	v15 =	vmul.u32 $0xF428, v15  }
0xf4: {  	v14 =	vand.u32 $0x7, v14  }
0xf5: {  	v14 =	vor.u32 v14, v15  }
0xf6: {  	v15 =	vperm.xlane v14, v9;
	_ =	sdelay $0x1  }
0xf7: {  	v15 =	vadd.s32 v10, v15;
	_ =	sdelay $0x1  }
0xf8: {  	v14 =	vperm.xlane v14, v11;
	_ =	sdelay $0x1  }
0xf9: {  	s3 =	sadd.s32 s4, s3;
	s12 =	sor.u32 $0x10080, s17;
	v14 =	vadd.s32 v10, v14  }
0xfa: {  	[tilespmem:s12], [sflag:$0x2] =	stream.indirect_vreg.gather [hbm4b:s3+s14], $0x80, v15, vm0, $0xb8;
	[tilespmem:$0x1A400] =	vst v63  }
0xfb: {  	s24 =	sor.u32 $0x10880, s17;
	s11 =	sadd.s32 $0x100, s3  }
0xfc: {  	[tilespmem:s24], [sflag:$0x2] =	stream.indirect_vreg.gather [hbm4b:s11+s14], $0x80, v15, vm0, $0xb8;
	[tilespmem:$0x1A400] =	vst v63  }
0xfd: {  	s25 =	sor.u32 $0x11080, s17  }
0xfe: {  	[tilespmem:s25], [sflag:$0x2] =	stream.indirect_vreg.gather [hbm4b:s3+s14], $0x80, v14, vm0, $0xb8;
	[tilespmem:$0x1A400] =	vst v63  }
0xff: {  	s24 =	sor.u32 $0x11880, s17  }
0x100: {  	[tilespmem:s24], [sflag:$0x2] =	stream.indirect_vreg.gather [hbm4b:s11+s14], $0x80, v14, vm0, $0xb8;
	[tilespmem:$0x1A400] =	vst v63  }
0x101: {  	v14 =	vld [tilespmem:$0x8010];
	_ =	sdelay $0x4  }
0x102: {  	v15 =	vshrl.u32 v14, $0x3  }
0x103: {  	v15 =	vmul.u32 $0xF428, v15  }
0x104: {  	v14 =	vand.u32 $0x7, v14  }
0x105: {  	v14 =	vor.u32 v14, v15  }
0x106: {  	v15 =	vperm.xlane v14, v9;
	_ =	sdelay $0x1  }
0x107: {  	v15 =	vadd.s32 v10, v15;
	_ =	sdelay $0x1  }
0x108: {  	v14 =	vperm.xlane v14, v11;
	_ =	sdelay $0x1  }
0x109: {  	s25 =	sor.u32 $0x12080, s17;
	v14 =	vadd.s32 v10, v14  }
0x10a: {  	[tilespmem:s25], [sflag:$0x2] =	stream.indirect_vreg.gather [hbm4b:s3+s14], $0x80, v15, vm0, $0xb8;
	[tilespmem:$0x1A400] =	vst v63  }
0x10b: {  	s24 =	sor.u32 $0x12880, s17  }
0x10c: {  	[tilespmem:s24], [sflag:$0x2] =	stream.indirect_vreg.gather [hbm4b:s11+s14], $0x80, v15, vm0, $0xb8;
	[tilespmem:$0x1A400] =	vst v63  }
0x10d: {  	s25 =	sor.u32 $0x13080, s17  }
0x10e: {  	[tilespmem:s25], [sflag:$0x2] =	stream.indirect_vreg.gather [hbm4b:s3+s14], $0x80, v14, vm0, $0xb8;
	[tilespmem:$0x1A400] =	vst v63  }
0x10f: {  	s17 =	sor.u32 $0x13880, s17  }
0x110: {  	[tilespmem:s17], [sflag:$0x2] =	stream.indirect_vreg.gather [hbm4b:s11+s14], $0x80, v14, vm0, $0xb8;
	[tilespmem:$0x1A400] =	vst v63  }
0x111: {  	_ =	swait.ge [sflag:s9], $0x4000  }
.Ltmp5:
0x112: {  	[sflag:s9] =	ssyncset.done $0x0;
	(pc) =	sbr.rel @p1 .LBB2_11-.Ltmp5, $4  }
0x113: {  	[sflag:s9] =	ssyncadd.s32 $0xFFFFC000  }
0x114: {  	s24 =	sshll.u32 s29, $0x9;
	_ =	swait.ge [sflag:s16], $0x4000  }
0x115: {  	s25 =	sadd.s32 $0xFFFFFE00, s24;
	[sflag:s16] =	ssyncset.done $0x0  }
0x116: {  	v16 =	vmov s24;
	v15 =	vmov s25;
	[sflag:s16] =	ssyncadd.s32 $0xFFFFC000  }
0x117: {  	p3 =	sne.s32 s28, $0x1  }
.Ltmp6:
0x118: {  	_ = 	snop;
	(pc) =	sbr.rel @!p3 .LBB2_6-.Ltmp6, $3  }
0x119: {  	_ =	sdelay $0x1  }
0x11a: {  	s14 =	simm.s32 $0x0  }
0x11b: {  	s12 =	sadd.s32 $0xFFFFFFFF, s28;
	p2 =	por $0x0, $0x0;
	v14 =	vor.u32 s14, v4  }
0x11c: {  	_ =	sdelay $0x3  }
0x11d: {  	v17 =	vld.idx.msk [tilespmem:v14+s19+$0x0], $0xffff;
	_ =	sdelay $0x4  }
0x11e: {  	vm1 =	vlt.s32 v14, v13;
	vm2 =	vlt.s32 v17, v16  }
0x11f: {  	vm3 =	vge.s32 v17, v15;
	vm1 =	vmand vm1, vm2  }
0x120: {  	vm1 =	vmand vm1, vm3  }
0x121: {  	v18 =	vsel vm1, $0x1, v8  }
0x122: {  	(xrf0) =	vadd.scan.msk.s32 $0xffff, v18;
	_ =	sdelay $0x2  }
0x123: {  	v18 =	vmov s14  }
0x124: {  	p3 =	sne.s32 s12, $0x1;
	v18 =	vadd.s32 $0xFFFFFFFF, v18  }
.Ltmp7:
0x125: {  	v19 =	vbroadcast v18, $0x0;
	(pc) =	sbr.rel @!p3 .LBB2_8-.Ltmp7, $4  }
0x126: {  	v20, _, _ =	vpop (xrf0)  }
0x127: {  	v19 =	vadd.s32 v20, v19;
	(v2sf) =	vpush v20, $0xF  }
0x128: {  	s11 =	simm.s32 $0x10;
	v18 =	vld.idx.msk [tilespmem:v14+s20+$0x0], $0xffff  }
0x129: {  	s24 =	sadd.s32 $0xFFFFFFFF, s12;
	p2 =	por $0x1, $0x1;
	s17 =	simm.s32 $0x0;
	v17 =	vsub.s32 v17, v15;
	v14 =	vor.u32 s11, v4  }
.LBB2_9:
0x12a: {  	p3 =	sne.s32 s24, $0x1;
	_ =	sdelay $0x1  }
0x12b: {  	[tilespmem:v19+s31+$0x0] =	vst.idx.msk vm1, v17  }
0x12c: {  	[tilespmem:v19+s0+$0x0] =	vst.idx.msk vm1, v18  }
0x12d: {  	v18 =	vld.idx.msk [tilespmem:v14+s19+$0x0], $0xffff;
	_ =	sdelay $0x5  }
0x12e: {  	vm1 =	vlt.s32 v14, v13;
	vm2 =	vlt.s32 v18, v16;
	v17 =	vsub.s32 v18, v15  }
0x12f: {  	vm3 =	vge.s32 v18, v15;
	vm1 =	vmand vm1, vm2  }
0x130: {  	vm1 =	vmand vm1, vm3;
	s3 =	spop (v2sf)  }
0x131: {  	v18 =	vsel vm1, $0x1, v8;
	s17 =	sadd.s32 s17, s3  }
0x132: {  	v19 =	vmov s17;
	(xrf0) =	vadd.scan.msk.s32 $0xffff, v18  }
0x133: {  	v18 =	vadd.s32 $0xFFFFFFFF, v19  }
0x134: {  	v19 =	vbroadcast v18, $0x0;
	_ =	sdelay $0x2  }
.Ltmp8:
0x135: {  	(pc) =	sbr.rel @p3 .LBB2_9-.Ltmp8, $4  }
0x136: {  	v20, _, _ =	vpop (xrf0)  }
0x137: {  	v18 =	vld.idx.msk [tilespmem:v14+s20+$0x0], $0xffff;
	v19 =	vadd.s32 v20, v19;
	(v2sf) =	vpush v20, $0xF  }
0x138: {  	s11 =	sadd.s32 $0x10, s11  }
0x139: {  	s24 =	sadd.s32 $0xFFFFFFFF, s24;
	v14 =	vor.u32 s11, v4  }
.LBB2_10:
0x13a: {  	_ =	sdelay $0x4  }
0x13b: {  	[tilespmem:v19+s31+$0x0] =	vst.idx.msk @p2 vm1, v17  }
0x13c: {  	[tilespmem:v19+s0+$0x0] =	vst.idx.msk @p2 vm1, v18  }
0x13d: {  	v17 =	vld.idx.msk [tilespmem:v14+s19+$0x0], $0xffff;
	_ =	sdelay $0x4  }
0x13e: {  	vm1 =	vlt.s32 v14, v13;
	vm2 =	vlt.s32 v17, v16  }
0x13f: {  	vm3 =	vge.s32 v17, v15;
	vm1 =	vmand vm1, vm2  }
0x140: {  	vm1 =	vmand vm1, vm3  }
0x141: {  	v18 =	vsel vm1, $0x1, v8  }
0x142: {  	(xrf0) =	vadd.scan.msk.s32 $0xffff, v18;
	_ =	sdelay $0x5  }
0x143: {  	v18, _, _ =	vpop (xrf0)  }
0x144: {  	(v2sf) =	vpush v18, $0xF;
	_ =	sdelay $0x2  }
0x145: {  	s3 =	spop @p2 (v2sf)  }
0x146: {  	s3 =	sadd.s32 @p2 s17, s3  }
0x147: {  	s14 =	smov.u32 @p2 s3  }
0x148: {  	v19 =	vmov s14  }
0x149: {  	v19 =	vadd.s32 $0xFFFFFFFF, v19  }
0x14a: {  	v19 =	vbroadcast v19, $0x0;
	_ =	sdelay $0x1  }
0x14b: {  	v18 =	vadd.s32 v18, v19  }
0x14c: {  	v14 =	vld.idx.msk [tilespmem:v14+s20+$0x0], $0xffff;
	_ =	sdelay $0x2  }
0x14d: {  	v17 =	vsub.s32 v17, v15  }
0x14e: {  	[tilespmem:v18+s31+$0x0] =	vst.idx.msk vm1, v17;
	s25 =	spop (v2sf)  }
0x14f: {  	[tilespmem:v18+s0+$0x0] =	vst.idx.msk vm1, v14;
	s14 =	sadd.s32 s14, s25  }
.LBB2_11:
0x150: {  	s3 =	sadd.s32 $0xF, s14  }
0x151: {  	s11 =	sand.u32 $0xF, s3  }
0x152: {  	s25 =	sshra.s32 s3, $0x1F;
	p3 =	slt.s32 s3, $0x1;
	p2 =	sne.s32 s11, $0x0  }
0x153: {  	s11 =	sshrl.u32 s25, $0x1C;
	p2 =	por !p3, !p2  }
0x154: {  	s3 =	sadd.s32 s11, s3;
	s11 =	simm.s32 $0x1;
	p2 =	por !p2, !p2  }
0x155: {  	s3 =	sshra.s32 s3, $0x4;
	s11 =	simm.s32 @!p2 $0x0  }
0x156: {  	s12 =	sxor.u32 $0x1, s30;
	s30 =	ssub.s32 s3, s11  }
0x157: {  	p2 =	slt.s32 s30, $0x1  }
.Ltmp9:
0x158: {  	_ = 	snop;
	(pc) =	sbr.rel @p2 .LBB2_18-.Ltmp9, $3  }
0x159: {  	_ =	sdelay $0x1  }
0x15a: {  	v14 =	vmov s12  }
0x15b: {  	v14 =	vshll.u32 v14, $0xE  }
0x15c: {  	v17 =	vmov s14;
	s17 =	simm.s32 $0x0;
	s14 =	simm.s32 $0x0  }
.LBB2_13:
0x15d: {  	s3 =	sshll.u32 s14, $0x4  }
0x15e: {  	v18 =	vor.u32 s3, v4  }
0x15f: {  	vm1 =	vlt.s32 v18, v17  }
0x160: {  	v18 =	vnsel vm1, $0x0, v18;
	_ =	sdelay $0x4  }
0x161: {  	v19 =	vld.idx.msk [tilespmem:v18+s31+$0x0], $0xffff;
	_ =	sdelay $0x4  }
0x162: {  	v21 =	vmov s17;
	v20 =	vand.u32 $0x7F, v19;
	v19 =	vshll.u32 v19, $0x3  }
0x163: {  	v22 =	vshll.u32 v21, $0x9;
	v19 =	vand.u32 $0xFFFFFC00, v19;
	v20 =	vor.u32 v14, v20  }
0x164: {  	v21 =	vshll.u32 v21, $0x7;
	v19 =	vadd.s32 v19, v20;
	v20 =	vand.u32 $0x3000, v22  }
0x165: {  	v21 =	vand.u32 $0x380, v21;
	v20 =	vadd.s32 v20, v19  }
0x166: {  	v21 =	vor.u32 v21, v20  }
0x167: {  	s11 =	simm.s32 $0x1  }
0x168: {  	v22 =	vmov s11  }
0x169: {  	v23 =	vshll.u32 v22, $0x9;
	v20 =	vmul.u32 $0x21, v4  }
0x16a: {  	v22 =	vshll.u32 v22, $0x7;
	v23 =	vand.u32 $0x3000, v23  }
0x16b: {  	v22 =	vand.u32 $0x380, v22;
	v24 =	vadd.s32 v23, v19;
	v23 =	vadd.s32 s17, v20;
	v21 =	vld.idx.msk [tilespmem:v21+s23+$0x0], $0xffff  }
0x16c: {  	v22 =	vor.u32 v22, v24;
	_ =	sdelay $0x1  }
0x16d: {  	s24 =	simm.s32 $0x2  }
0x16e: {  	s12 =	simm.s32 $0x3;
	v18 =	vld.idx.msk [tilespmem:v18+s0+$0x0], $0xffff;
	v24 =	vmov s24  }
.LBB2_14:
0x16f: {  	p2 =	sne.s32 s12, $0x1F;
	v25 =	vshll.u32 v24, $0x9;
	[tilespmem:v23+s1+$0x0] =	vst.idx.msk $0xffff, v21  }
0x170: {  	v24 =	vshll.u32 v24, $0x7;
	v23 =	vand.u32 $0x3000, v25;
	v21 =	vld.idx.msk [tilespmem:v22+s23+$0x0], $0xffff  }
.Ltmp10:
0x171: {  	v22 =	vand.u32 $0x380, v24;
	v24 =	vadd.s32 v23, v19;
	v23 =	vadd.s32 s11, v20;
	s11 =	smov.u32 s24;
	s24 =	smov.u32 s12;
	(pc) =	sbr.rel @p2 .LBB2_14-.Ltmp10, $2  }
0x172: {  	v22 =	vor.u32 v22, v24;
	_ =	sdelay $0x2  }
0x173: {  	s12 =	sadd.s32 $0x1, s12;
	v24 =	vmov s24  }
0x174: {  	_ =	sdelay $0x2  }
0x175: {  	v25 =	vshll.u32 v24, $0x9  }
0x176: {  	[tilespmem:v23+s1+$0x0] =	vst.idx.msk $0xffff, v21;
	v23 =	vshll.u32 v24, $0x7;
	v21 =	vand.u32 $0x3000, v25  }
0x177: {  	v22 =	vld.idx.msk [tilespmem:v22+s23+$0x0], $0xffff;
	v23 =	vand.u32 $0x380, v23;
	v19 =	vadd.s32 v21, v19;
	v21 =	vadd.s32 s11, v20  }
0x178: {  	v19 =	vor.u32 v23, v19;
	_ =	sdelay $0x3  }
0x179: {  	[tilespmem:v21+s1+$0x0] =	vst.idx.msk $0xffff, v22  }
0x17a: {  	v20 =	vadd.s32 s24, v20;
	v19 =	vld.idx.msk [tilespmem:v19+s23+$0x0], $0xffff;
	_ =	sdelay $0x2  }
0x17b: {  	s3 =	simm.s32 $0x0  }
0x17c: {  	s24 =	simm.s32 $0x10;
	v21 =	vadd.s32 s3, v4  }
0x17d: {  	[tilespmem:v20+s1+$0x0] =	vst.idx.msk $0xffff, v19;
	v20 =	vadd.s32 s24, v4  }
0x17e: {  	s25 =	sand.u32 $0x1, s14;
	_ =	swait.ge [sflag:s2], $0x800  }
0x17f: {  	s11 =	sshll.u32 s25, $0xB;
	[sflag:s2] =	ssyncset.done $0x0  }
0x180: {  	s3 =	sadd.s32 $0x0, s11;
	[sflag:s2] =	ssyncadd.s32 $0xFFFFF800  }
0x181: {  	v23 =	vor.u32 s3, v4;
	v19 =	vld.idx.msk [tilespmem:v21+s1+$0x0], $0xffff  }
0x182: {  	s12 =	simm.s32 $0x21;
	v22 =	vor.u32 s3, v6;
	v20 =	vld.idx.msk [tilespmem:v20+s1+$0x0], $0xffff  }
0x183: {  	s25 =	simm.s32 $0x2;
	s3 =	simm.s32 $0x31;
	s24 =	simm.s32 $0x1;
	v21 =	vadd.s32 s12, v4  }
.LBB2_16:
0x184: {  	p2 =	sne.s32 s25, $0xF;
	v24 =	vadd.s32 s3, v4;
	_ =	sdelay $0x1  }
0x185: {  	[tilespmem:v23+s18+$0x0] =	vst.idx.msk $0xffff, v19  }
.Ltmp11:
0x186: {  	s3 =	sshll.u32 s24, $0x7;
	s24 =	smov.u32 s25;
	[tilespmem:v22+s18+$0x0] =	vst.idx.msk $0xffff, v20;
	(pc) =	sbr.rel @p2 .LBB2_16-.Ltmp11, $4  }
0x187: {  	s3 =	sadd.s32 s11, s3;
	v19 =	vld.idx.msk [tilespmem:v21+s1+$0x0], $0xffff  }
0x188: {  	v23 =	vor.u32 s3, v4;
	v20 =	vld.idx.msk [tilespmem:v24+s1+$0x0], $0xffff  }
0x189: {  	s12 =	sadd.s32 $0x21, s12;
	v22 =	vor.u32 s3, v6  }
0x18a: {  	s25 =	sadd.s32 $0x1, s25;
	s3 =	sadd.s32 $0x10, s12;
	v21 =	vadd.s32 s12, v4  }
0x18b: {  	_ =	sdelay $0x1  }
0x18c: {  	v24 =	vadd.s32 s3, v4;
	_ =	sdelay $0x1  }
0x18d: {  	s24 =	sshll.u32 s24, $0x7;
	[tilespmem:v23+s18+$0x0] =	vst.idx.msk $0xffff, v19  }
0x18e: {  	s3 =	sadd.s32 s11, s24;
	[tilespmem:v22+s18+$0x0] =	vst.idx.msk $0xffff, v20  }
0x18f: {  	v61 =	vor.u32 s3, v4;
	v19 =	vld.idx.msk [tilespmem:v21+s1+$0x0], $0xffff  }
0x190: {  	s14 =	sadd.s32 $0x1, s14;
	v63 =	vor.u32 s3, v6;
	v62 =	vld.idx.msk [tilespmem:v24+s1+$0x0], $0xffff  }
0x191: {  	v18 =	vsel vm1, v18, v7;
	p2 =	sne.s32 s14, s30  }
.Ltmp12:
0x192: {  	_ = 	snop;
	(pc) =	sbr.rel @p2 .LBB2_13-.Ltmp12, $4  }
0x193: {  	_ = 	snop  }
0x194: {  	[tilespmem:v61+s18+$0x0] =	vst.idx.msk $0xffff, v19  }
0x195: {  	s25 =	sor.u32 $0x19400, s11;
	[tilespmem:v63+s18+$0x0] =	vst.idx.msk $0xffff, v62  }
0x196: {  	[hbm4b:s7+s5] =	stream.indirect_vreg.scatter [tilespmem:s25], [sflag:$0x3], $0x80, v18, vm0, $0xb8;
	[tilespmem:$0x1A400] =	vst v63  }
.LBB2_18:
.Ltmp13:
0x197: {  	(pc) =	sbr.rel @p0 .LBB2_19-.Ltmp13, $1  }
0x198: {  	_ =	sdelay $0x3  }
0x199: {  	p3 =	sne.s32 s26, $0x1  }
.Ltmp14:
0x19a: {  	_ = 	snop;
	(pc) =	sbr.rel @!p3 .LBB2_21-.Ltmp14, $3  }
0x19b: {  	_ =	sdelay $0x1  }
0x19c: {  	s14 =	simm.s32 $0x0  }
0x19d: {  	s12 =	sadd.s32 $0xFFFFFFFF, s26;
	p2 =	por $0x0, $0x0;
	v17 =	vor.u32 s14, v4  }
0x19e: {  	_ =	sdelay $0x3  }
0x19f: {  	v18 =	vld.idx.msk [tilespmem:v17+s21+$0x0], $0xffff;
	_ =	sdelay $0x4  }
0x1a0: {  	vm1 =	vlt.s32 v17, v12;
	vm2 =	vlt.s32 v18, v16  }
0x1a1: {  	vm3 =	vge.s32 v18, v15;
	vm1 =	vmand vm1, vm2  }
0x1a2: {  	vm1 =	vmand vm1, vm3  }
0x1a3: {  	v19 =	vsel vm1, $0x1, v8  }
0x1a4: {  	(xrf0) =	vadd.scan.msk.s32 $0xffff, v19;
	_ =	sdelay $0x2  }
0x1a5: {  	v19 =	vmov s14  }
0x1a6: {  	p3 =	sne.s32 s12, $0x1;
	v19 =	vadd.s32 $0xFFFFFFFF, v19  }
.Ltmp15:
0x1a7: {  	v20 =	vbroadcast v19, $0x0;
	(pc) =	sbr.rel @!p3 .LBB2_23-.Ltmp15, $4  }
0x1a8: {  	v21, _, _ =	vpop (xrf0)  }
0x1a9: {  	v20 =	vadd.s32 v21, v20;
	(v2sf) =	vpush v21, $0xF  }
0x1aa: {  	s11 =	simm.s32 $0x10;
	v19 =	vld.idx.msk [tilespmem:v17+s22+$0x0], $0xffff  }
0x1ab: {  	s24 =	sadd.s32 $0xFFFFFFFF, s12;
	p2 =	por $0x1, $0x1;
	s17 =	simm.s32 $0x0;
	v18 =	vsub.s32 v18, v15;
	v17 =	vor.u32 s11, v4  }
.LBB2_24:
0x1ac: {  	p3 =	sne.s32 s24, $0x1;
	_ =	sdelay $0x1  }
0x1ad: {  	[tilespmem:v20+s31+$0x0] =	vst.idx.msk vm1, v18  }
0x1ae: {  	[tilespmem:v20+s0+$0x0] =	vst.idx.msk vm1, v19  }
0x1af: {  	v19 =	vld.idx.msk [tilespmem:v17+s21+$0x0], $0xffff;
	_ =	sdelay $0x5  }
0x1b0: {  	vm1 =	vlt.s32 v17, v12;
	vm2 =	vlt.s32 v19, v16;
	v18 =	vsub.s32 v19, v15  }
0x1b1: {  	vm3 =	vge.s32 v19, v15;
	vm1 =	vmand vm1, vm2  }
0x1b2: {  	vm1 =	vmand vm1, vm3;
	s3 =	spop (v2sf)  }
0x1b3: {  	v19 =	vsel vm1, $0x1, v8;
	s17 =	sadd.s32 s17, s3  }
0x1b4: {  	v20 =	vmov s17;
	(xrf0) =	vadd.scan.msk.s32 $0xffff, v19  }
0x1b5: {  	v19 =	vadd.s32 $0xFFFFFFFF, v20  }
0x1b6: {  	v20 =	vbroadcast v19, $0x0;
	_ =	sdelay $0x2  }
.Ltmp16:
0x1b7: {  	(pc) =	sbr.rel @p3 .LBB2_24-.Ltmp16, $4  }
0x1b8: {  	v21, _, _ =	vpop (xrf0)  }
0x1b9: {  	v19 =	vld.idx.msk [tilespmem:v17+s22+$0x0], $0xffff;
	v20 =	vadd.s32 v21, v20;
	(v2sf) =	vpush v21, $0xF  }
0x1ba: {  	s11 =	sadd.s32 $0x10, s11  }
0x1bb: {  	s24 =	sadd.s32 $0xFFFFFFFF, s24;
	v17 =	vor.u32 s11, v4  }
.LBB2_25:
0x1bc: {  	_ =	sdelay $0x4  }
0x1bd: {  	[tilespmem:v20+s31+$0x0] =	vst.idx.msk @p2 vm1, v18  }
0x1be: {  	[tilespmem:v20+s0+$0x0] =	vst.idx.msk @p2 vm1, v19  }
0x1bf: {  	v18 =	vld.idx.msk [tilespmem:v17+s21+$0x0], $0xffff;
	_ =	sdelay $0x4  }
0x1c0: {  	vm1 =	vlt.s32 v17, v12;
	vm2 =	vlt.s32 v18, v16  }
0x1c1: {  	vm3 =	vge.s32 v18, v15;
	vm1 =	vmand vm1, vm2  }
0x1c2: {  	vm1 =	vmand vm1, vm3  }
0x1c3: {  	v61 =	vsel vm1, $0x1, v8  }
0x1c4: {  	(xrf0) =	vadd.scan.msk.s32 $0xffff, v61;
	_ =	sdelay $0x5  }
0x1c5: {  	v16, _, _ =	vpop (xrf0)  }
0x1c6: {  	(v2sf) =	vpush v16, $0xF;
	_ =	sdelay $0x2  }
0x1c7: {  	s3 =	spop @p2 (v2sf)  }
0x1c8: {  	s3 =	sadd.s32 @p2 s17, s3  }
0x1c9: {  	s14 =	smov.u32 @p2 s3  }
0x1ca: {  	v62 =	vmov s14  }
0x1cb: {  	v19 =	vadd.s32 $0xFFFFFFFF, v62  }
0x1cc: {  	v19 =	vbroadcast v19, $0x0;
	_ =	sdelay $0x1  }
0x1cd: {  	v16 =	vadd.s32 v16, v19  }
0x1ce: {  	v63 =	vld.idx.msk [tilespmem:v17+s22+$0x0], $0xffff  }
.Ltmp17:
0x1cf: {  	_ = 	snop;
	(pc) =	sbr.rel .LBB2_26-.Ltmp17, $4  }
0x1d0: {  	_ = 	snop  }
0x1d1: {  	v15 =	vsub.s32 v18, v15  }
0x1d2: {  	[tilespmem:v16+s31+$0x0] =	vst.idx.msk vm1, v15;
	s30 =	spop (v2sf)  }
0x1d3: {  	[tilespmem:v16+s0+$0x0] =	vst.idx.msk vm1, v63;
	s11 =	sadd.s32 s14, s30  }
.LBB2_19:
0x1d4: {  	s11 =	simm.s32 $0x0  }
.LBB2_26:
0x1d5: {  	s3 =	sadd.s32 $0xF, s11  }
0x1d6: {  	s12 =	sand.u32 $0xF, s3  }
0x1d7: {  	s14 =	sshra.s32 s3, $0x1F;
	p2 =	slt.s32 s3, $0x1;
	p3 =	sne.s32 s12, $0x0  }
0x1d8: {  	s25 =	sshrl.u32 s14, $0x1C;
	p2 =	por !p2, !p3  }
0x1d9: {  	s12 =	simm.s32 $0x1;
	s3 =	sadd.s32 s25, s3;
	p2 =	por !p2, !p2  }
0x1da: {  	s3 =	sshra.s32 s3, $0x4;
	s12 =	simm.s32 @!p2 $0x0  }
0x1db: {  	s30 =	ssub.s32 s3, s12  }
0x1dc: {  	p2 =	slt.s32 s30, $0x1  }
.Ltmp18:
0x1dd: {  	_ = 	snop;
	(pc) =	sbr.rel @p2 .LBB2_33-.Ltmp18, $1  }
0x1de: {  	_ =	sdelay $0x3  }
0x1df: {  	v15 =	vmov s11;
	s17 =	simm.s32 $0x0;
	s14 =	simm.s32 $0x0  }
.LBB2_28:
0x1e0: {  	s3 =	sshll.u32 s14, $0x4  }
0x1e1: {  	v16 =	vor.u32 s3, v4  }
0x1e2: {  	vm1 =	vlt.s32 v16, v15  }
0x1e3: {  	v16 =	vnsel vm1, $0x0, v16;
	_ =	sdelay $0x4  }
0x1e4: {  	v17 =	vld.idx.msk [tilespmem:v16+s31+$0x0], $0xffff;
	_ =	sdelay $0x4  }
0x1e5: {  	v19 =	vmov s17;
	v18 =	vand.u32 $0x7F, v17;
	v17 =	vshll.u32 v17, $0x3  }
0x1e6: {  	v20 =	vshll.u32 v19, $0x9;
	v17 =	vand.u32 $0xFFFFFC00, v17;
	v18 =	vor.u32 v14, v18  }
0x1e7: {  	v19 =	vshll.u32 v19, $0x7;
	v17 =	vadd.s32 v17, v18;
	v18 =	vand.u32 $0x3000, v20  }
0x1e8: {  	v19 =	vand.u32 $0x380, v19;
	v18 =	vadd.s32 v18, v17  }
0x1e9: {  	v19 =	vor.u32 v19, v18  }
0x1ea: {  	s11 =	simm.s32 $0x1  }
0x1eb: {  	v20 =	vmov s11  }
0x1ec: {  	v21 =	vshll.u32 v20, $0x9;
	v18 =	vmul.u32 $0x21, v4  }
0x1ed: {  	v20 =	vshll.u32 v20, $0x7;
	v21 =	vand.u32 $0x3000, v21  }
0x1ee: {  	v20 =	vand.u32 $0x380, v20;
	v22 =	vadd.s32 v21, v17;
	v21 =	vadd.s32 s17, v18;
	v19 =	vld.idx.msk [tilespmem:v19+s6+$0x0], $0xffff  }
0x1ef: {  	v20 =	vor.u32 v20, v22;
	_ =	sdelay $0x1  }
0x1f0: {  	s24 =	simm.s32 $0x2  }
0x1f1: {  	s12 =	simm.s32 $0x3;
	v16 =	vld.idx.msk [tilespmem:v16+s0+$0x0], $0xffff;
	v22 =	vmov s24  }
.LBB2_29:
0x1f2: {  	p2 =	sne.s32 s12, $0x1F;
	v23 =	vshll.u32 v22, $0x9;
	[tilespmem:v21+s1+$0x0] =	vst.idx.msk $0xffff, v19  }
0x1f3: {  	v22 =	vshll.u32 v22, $0x7;
	v21 =	vand.u32 $0x3000, v23;
	v19 =	vld.idx.msk [tilespmem:v20+s6+$0x0], $0xffff  }
.Ltmp19:
0x1f4: {  	v20 =	vand.u32 $0x380, v22;
	v22 =	vadd.s32 v21, v17;
	v21 =	vadd.s32 s11, v18;
	s11 =	smov.u32 s24;
	s24 =	smov.u32 s12;
	(pc) =	sbr.rel @p2 .LBB2_29-.Ltmp19, $2  }
0x1f5: {  	v20 =	vor.u32 v20, v22;
	_ =	sdelay $0x2  }
0x1f6: {  	s12 =	sadd.s32 $0x1, s12;
	v22 =	vmov s24  }
0x1f7: {  	_ =	sdelay $0x2  }
0x1f8: {  	v23 =	vshll.u32 v22, $0x9  }
0x1f9: {  	[tilespmem:v21+s1+$0x0] =	vst.idx.msk $0xffff, v19;
	v21 =	vshll.u32 v22, $0x7;
	v19 =	vand.u32 $0x3000, v23  }
0x1fa: {  	v20 =	vld.idx.msk [tilespmem:v20+s6+$0x0], $0xffff;
	v21 =	vand.u32 $0x380, v21;
	v17 =	vadd.s32 v19, v17;
	v19 =	vadd.s32 s11, v18  }
0x1fb: {  	v17 =	vor.u32 v21, v17;
	_ =	sdelay $0x3  }
0x1fc: {  	[tilespmem:v19+s1+$0x0] =	vst.idx.msk $0xffff, v20  }
0x1fd: {  	v18 =	vadd.s32 s24, v18;
	v17 =	vld.idx.msk [tilespmem:v17+s6+$0x0], $0xffff;
	_ =	sdelay $0x2  }
0x1fe: {  	s3 =	simm.s32 $0x0  }
0x1ff: {  	s24 =	simm.s32 $0x10;
	v19 =	vadd.s32 s3, v4  }
0x200: {  	[tilespmem:v18+s1+$0x0] =	vst.idx.msk $0xffff, v17;
	v18 =	vadd.s32 s24, v4  }
0x201: {  	s25 =	sand.u32 $0x1, s14;
	_ =	swait.ge [sflag:s2], $0x800  }
0x202: {  	s11 =	sshll.u32 s25, $0xB;
	[sflag:s2] =	ssyncset.done $0x0  }
0x203: {  	s3 =	sadd.s32 $0x0, s11;
	[sflag:s2] =	ssyncadd.s32 $0xFFFFF800  }
0x204: {  	v21 =	vor.u32 s3, v4;
	v17 =	vld.idx.msk [tilespmem:v19+s1+$0x0], $0xffff  }
0x205: {  	s12 =	simm.s32 $0x21;
	v20 =	vor.u32 s3, v6;
	v18 =	vld.idx.msk [tilespmem:v18+s1+$0x0], $0xffff  }
0x206: {  	s25 =	simm.s32 $0x2;
	s3 =	simm.s32 $0x31;
	s24 =	simm.s32 $0x1;
	v19 =	vadd.s32 s12, v4  }
.LBB2_31:
0x207: {  	p2 =	sne.s32 s25, $0xF;
	v22 =	vadd.s32 s3, v4;
	_ =	sdelay $0x1  }
0x208: {  	[tilespmem:v21+s18+$0x0] =	vst.idx.msk $0xffff, v17  }
.Ltmp20:
0x209: {  	s3 =	sshll.u32 s24, $0x7;
	s24 =	smov.u32 s25;
	[tilespmem:v20+s18+$0x0] =	vst.idx.msk $0xffff, v18;
	(pc) =	sbr.rel @p2 .LBB2_31-.Ltmp20, $4  }
0x20a: {  	s3 =	sadd.s32 s11, s3;
	v17 =	vld.idx.msk [tilespmem:v19+s1+$0x0], $0xffff  }
0x20b: {  	v21 =	vor.u32 s3, v4;
	v18 =	vld.idx.msk [tilespmem:v22+s1+$0x0], $0xffff  }
0x20c: {  	s12 =	sadd.s32 $0x21, s12;
	v20 =	vor.u32 s3, v6  }
0x20d: {  	s25 =	sadd.s32 $0x1, s25;
	s3 =	sadd.s32 $0x10, s12;
	v19 =	vadd.s32 s12, v4  }
0x20e: {  	_ =	sdelay $0x1  }
0x20f: {  	v22 =	vadd.s32 s3, v4;
	_ =	sdelay $0x1  }
0x210: {  	s24 =	sshll.u32 s24, $0x7;
	[tilespmem:v21+s18+$0x0] =	vst.idx.msk $0xffff, v17  }
0x211: {  	s3 =	sadd.s32 s11, s24;
	[tilespmem:v20+s18+$0x0] =	vst.idx.msk $0xffff, v18  }
0x212: {  	v61 =	vor.u32 s3, v4;
	v17 =	vld.idx.msk [tilespmem:v19+s1+$0x0], $0xffff  }
0x213: {  	s14 =	sadd.s32 $0x1, s14;
	v63 =	vor.u32 s3, v6;
	v62 =	vld.idx.msk [tilespmem:v22+s1+$0x0], $0xffff  }
0x214: {  	v16 =	vsel vm1, v16, v7;
	p2 =	sne.s32 s14, s30  }
.Ltmp21:
0x215: {  	_ = 	snop;
	(pc) =	sbr.rel @p2 .LBB2_28-.Ltmp21, $4  }
.Ltmp22:
0x216: {  	_ = 	snop;
	(pc) =	sbr.rel @!p2 .LBB2_33-.Ltmp22, $4  }
0x217: {  	[tilespmem:v61+s18+$0x0] =	vst.idx.msk $0xffff, v17  }
0x218: {  	s25 =	sor.u32 $0x19400, s11;
	[tilespmem:v63+s18+$0x0] =	vst.idx.msk $0xffff, v62  }
0x219: {  	[hbm4b:s8+s5] =	stream.indirect_vreg.scatter [tilespmem:s25], [sflag:$0x3], $0x80, v16, vm0, $0xb8;
	[tilespmem:$0x1A400] =	vst v63  }
0x21a: {  	_ = 	snop  }
.LBB2_6:
.Ltmp23:
0x21b: {  	(pc) =	sbr.rel .LBB2_10-.Ltmp23, $2  }
0x21c: {  	_ =	sdelay $0x2  }
0x21d: {  	s17 =	simm.s32 $0x0  }
.LBB2_21:
.Ltmp24:
0x21e: {  	(pc) =	sbr.rel .LBB2_25-.Ltmp24, $2  }
0x21f: {  	_ =	sdelay $0x2  }
0x220: {  	s17 =	simm.s32 $0x0  }
.LBB2_8:
.Ltmp25:
0x221: {  	(pc) =	sbr.rel .LBB2_10-.Ltmp25, $2  }
0x222: {  	_ =	sdelay $0x2  }
0x223: {  	s17 =	simm.s32 $0x0  }
.LBB2_23:
.Ltmp26:
0x224: {  	(pc) =	sbr.rel .LBB2_25-.Ltmp26, $2  }
0x225: {  	_ =	sdelay $0x2  }
0x226: {  	s17 =	simm.s32 $0x0  }
.LBB2_34:
0x227: {  	_ =	swait.ge [sflag:s9], $0x4000  }
.Ltmp27:
0x228: {  	[sflag:s9] =	ssyncset.done $0x0;
	(pc) =	sbr.rel @p1 .LBB2_41-.Ltmp27, $4  }
0x229: {  	[sflag:s9] =	ssyncadd.s32 $0xFFFFC000  }
0x22a: {  	_ =	swait.ge [sflag:s16], $0x4000  }
0x22b: {  	[sflag:s16] =	ssyncset.done $0x0  }
0x22c: {  	s29 =	simm.s32 $0x0;
	[sflag:s16] =	ssyncadd.s32 $0xFFFFC000  }
0x22d: {  	p2 =	sne.s32 s28, $0x1  }
.Ltmp28:
0x22e: {  	_ = 	snop;
	(pc) =	sbr.rel @!p2 .LBB2_36-.Ltmp28, $2  }
0x22f: {  	_ =	sdelay $0x2  }
0x230: {  	v14 =	vor.u32 s29, v4;
	s12 =	sadd.s32 $0xFFFFFFFF, s28;
	p1 =	por $0x0, $0x0  }
0x231: {  	_ =	sdelay $0x3  }
0x232: {  	v15 =	vld.idx.msk [tilespmem:v14+s19+$0x0], $0xffff;
	_ =	sdelay $0x4  }
0x233: {  	vm1 =	vlt.s32 v14, v13;
	vm2 =	vlt.s32 v15, v3  }
0x234: {  	vm3 =	vge.s32 v15, v2;
	vm1 =	vmand vm1, vm2  }
0x235: {  	vm1 =	vmand vm1, vm3  }
0x236: {  	v16 =	vsel vm1, $0x1, v8  }
0x237: {  	(xrf0) =	vadd.scan.msk.s32 $0xffff, v16;
	_ =	sdelay $0x2  }
0x238: {  	v16 =	vmov s29  }
0x239: {  	p2 =	sne.s32 s12, $0x1;
	v16 =	vadd.s32 $0xFFFFFFFF, v16  }
.Ltmp29:
0x23a: {  	v17 =	vbroadcast v16, $0x0;
	(pc) =	sbr.rel @!p2 .LBB2_38-.Ltmp29, $4  }
0x23b: {  	v18, _, _ =	vpop (xrf0)  }
0x23c: {  	v17 =	vadd.s32 v18, v17;
	(v2sf) =	vpush v18, $0xF  }
0x23d: {  	s11 =	sadd.s32 $0x10, s29;
	v16 =	vld.idx.msk [tilespmem:v14+s20+$0x0], $0xffff  }
0x23e: {  	s17 =	sadd.s32 $0xFFFFFFFF, s12;
	p1 =	por $0x1, $0x1;
	s14 =	simm.s32 $0x0;
	v15 =	vsub.s32 v15, v2;
	v14 =	vor.u32 s11, v4  }
.LBB2_39:
0x23f: {  	p2 =	sne.s32 s17, $0x1;
	_ =	sdelay $0x1  }
0x240: {  	[tilespmem:v17+s31+$0x0] =	vst.idx.msk vm1, v15  }
0x241: {  	[tilespmem:v17+s0+$0x0] =	vst.idx.msk vm1, v16  }
0x242: {  	v16 =	vld.idx.msk [tilespmem:v14+s19+$0x0], $0xffff;
	_ =	sdelay $0x5  }
0x243: {  	vm1 =	vlt.s32 v14, v13;
	vm2 =	vlt.s32 v16, v3;
	v15 =	vsub.s32 v16, v2  }
0x244: {  	vm3 =	vge.s32 v16, v2;
	vm1 =	vmand vm1, vm2  }
0x245: {  	vm1 =	vmand vm1, vm3;
	s3 =	spop (v2sf)  }
0x246: {  	v16 =	vsel vm1, $0x1, v8;
	s14 =	sadd.s32 s14, s3  }
0x247: {  	v17 =	vmov s14;
	(xrf0) =	vadd.scan.msk.s32 $0xffff, v16  }
0x248: {  	v16 =	vadd.s32 $0xFFFFFFFF, v17  }
0x249: {  	v17 =	vbroadcast v16, $0x0;
	_ =	sdelay $0x2  }
.Ltmp30:
0x24a: {  	(pc) =	sbr.rel @p2 .LBB2_39-.Ltmp30, $4  }
0x24b: {  	v18, _, _ =	vpop (xrf0)  }
0x24c: {  	v16 =	vld.idx.msk [tilespmem:v14+s20+$0x0], $0xffff;
	v17 =	vadd.s32 v18, v17;
	(v2sf) =	vpush v18, $0xF  }
0x24d: {  	s11 =	sadd.s32 $0x10, s11  }
0x24e: {  	s17 =	sadd.s32 $0xFFFFFFFF, s17;
	v14 =	vor.u32 s11, v4  }
.LBB2_40:
0x24f: {  	_ =	sdelay $0x4  }
0x250: {  	[tilespmem:v17+s31+$0x0] =	vst.idx.msk @p1 vm1, v15  }
0x251: {  	[tilespmem:v17+s0+$0x0] =	vst.idx.msk @p1 vm1, v16  }
0x252: {  	v15 =	vld.idx.msk [tilespmem:v14+s19+$0x0], $0xffff;
	_ =	sdelay $0x4  }
0x253: {  	vm1 =	vlt.s32 v14, v13;
	vm2 =	vlt.s32 v15, v3  }
0x254: {  	vm3 =	vge.s32 v15, v2;
	vm1 =	vmand vm1, vm2  }
0x255: {  	vm1 =	vmand vm1, vm3  }
0x256: {  	v13 =	vsel vm1, $0x1, v8  }
0x257: {  	(xrf0) =	vadd.scan.msk.s32 $0xffff, v13;
	_ =	sdelay $0x5  }
0x258: {  	v13, _, _ =	vpop (xrf0)  }
0x259: {  	(v2sf) =	vpush v13, $0xF;
	_ =	sdelay $0x2  }
0x25a: {  	s3 =	spop @p1 (v2sf)  }
0x25b: {  	s3 =	sadd.s32 @p1 s14, s3  }
0x25c: {  	s29 =	smov.u32 @p1 s3  }
0x25d: {  	v63 =	vmov s29  }
0x25e: {  	v16 =	vadd.s32 $0xFFFFFFFF, v63  }
0x25f: {  	v16 =	vbroadcast v16, $0x0;
	_ =	sdelay $0x1  }
0x260: {  	v13 =	vadd.s32 v13, v16  }
0x261: {  	v14 =	vld.idx.msk [tilespmem:v14+s20+$0x0], $0xffff;
	_ =	sdelay $0x2  }
0x262: {  	v15 =	vsub.s32 v15, v2  }
0x263: {  	[tilespmem:v13+s31+$0x0] =	vst.idx.msk vm1, v15;
	s30 =	spop (v2sf)  }
0x264: {  	[tilespmem:v13+s0+$0x0] =	vst.idx.msk vm1, v14;
	s29 =	sadd.s32 s29, s30  }
.LBB2_41:
0x265: {  	s3 =	sadd.s32 $0xF, s29  }
0x266: {  	s11 =	sand.u32 $0xF, s3  }
0x267: {  	s12 =	sshra.s32 s3, $0x1F;
	p1 =	slt.s32 s3, $0x1;
	p2 =	sne.s32 s11, $0x0  }
0x268: {  	s30 =	sshrl.u32 s12, $0x1C;
	p1 =	por !p1, !p2  }
0x269: {  	s11 =	simm.s32 $0x1;
	s3 =	sadd.s32 s30, s3;
	p1 =	por !p1, !p1  }
0x26a: {  	s3 =	sshra.s32 s3, $0x4;
	s11 =	simm.s32 @!p1 $0x0  }
0x26b: {  	s28 =	ssub.s32 s3, s11  }
0x26c: {  	p1 =	slt.s32 s28, $0x1  }
.Ltmp31:
0x26d: {  	_ = 	snop;
	(pc) =	sbr.rel @p1 .LBB2_48-.Ltmp31, $1  }
0x26e: {  	_ =	sdelay $0x3  }
0x26f: {  	v13 =	vmov s29;
	s17 =	simm.s32 $0x0;
	s14 =	simm.s32 $0x0  }
.LBB2_43:
0x270: {  	s3 =	sshll.u32 s14, $0x4  }
0x271: {  	v14 =	vor.u32 s3, v4  }
0x272: {  	vm1 =	vlt.s32 v14, v13  }
0x273: {  	v14 =	vnsel vm1, $0x0, v14;
	_ =	sdelay $0x4  }
0x274: {  	v15 =	vld.idx.msk [tilespmem:v14+s31+$0x0], $0xffff;
	_ =	sdelay $0x4  }
0x275: {  	v17 =	vmov s17;
	v16 =	vand.u32 $0x7F, v15;
	v15 =	vshll.u32 v15, $0x3  }
0x276: {  	v18 =	vshll.u32 v17, $0x9;
	v15 =	vand.u32 $0xFFFFFC00, v15;
	v16 =	vor.u32 v5, v16  }
0x277: {  	v17 =	vshll.u32 v17, $0x7;
	v15 =	vadd.s32 v15, v16;
	v16 =	vand.u32 $0x3000, v18  }
0x278: {  	v17 =	vand.u32 $0x380, v17;
	v16 =	vadd.s32 v16, v15  }
0x279: {  	v17 =	vor.u32 v17, v16  }
0x27a: {  	s11 =	simm.s32 $0x1  }
0x27b: {  	v18 =	vmov s11  }
0x27c: {  	v19 =	vshll.u32 v18, $0x9;
	v16 =	vmul.u32 $0x21, v4  }
0x27d: {  	v18 =	vshll.u32 v18, $0x7;
	v19 =	vand.u32 $0x3000, v19  }
0x27e: {  	v18 =	vand.u32 $0x380, v18;
	v20 =	vadd.s32 v19, v15;
	v19 =	vadd.s32 s17, v16;
	v17 =	vld.idx.msk [tilespmem:v17+s23+$0x0], $0xffff  }
0x27f: {  	v18 =	vor.u32 v18, v20;
	_ =	sdelay $0x1  }
0x280: {  	s24 =	simm.s32 $0x2  }
0x281: {  	s12 =	simm.s32 $0x3;
	v14 =	vld.idx.msk [tilespmem:v14+s0+$0x0], $0xffff;
	v20 =	vmov s24  }
.LBB2_44:
0x282: {  	p1 =	sne.s32 s12, $0x1F;
	v21 =	vshll.u32 v20, $0x9;
	[tilespmem:v19+s1+$0x0] =	vst.idx.msk $0xffff, v17  }
0x283: {  	v20 =	vshll.u32 v20, $0x7;
	v19 =	vand.u32 $0x3000, v21;
	v17 =	vld.idx.msk [tilespmem:v18+s23+$0x0], $0xffff  }
.Ltmp32:
0x284: {  	v18 =	vand.u32 $0x380, v20;
	v20 =	vadd.s32 v19, v15;
	v19 =	vadd.s32 s11, v16;
	s11 =	smov.u32 s24;
	s24 =	smov.u32 s12;
	(pc) =	sbr.rel @p1 .LBB2_44-.Ltmp32, $2  }
0x285: {  	v18 =	vor.u32 v18, v20;
	_ =	sdelay $0x2  }
0x286: {  	s12 =	sadd.s32 $0x1, s12;
	v20 =	vmov s24  }
0x287: {  	_ =	sdelay $0x2  }
0x288: {  	v21 =	vshll.u32 v20, $0x9  }
0x289: {  	[tilespmem:v19+s1+$0x0] =	vst.idx.msk $0xffff, v17;
	v19 =	vshll.u32 v20, $0x7;
	v17 =	vand.u32 $0x3000, v21  }
0x28a: {  	v18 =	vld.idx.msk [tilespmem:v18+s23+$0x0], $0xffff;
	v19 =	vand.u32 $0x380, v19;
	v15 =	vadd.s32 v17, v15;
	v17 =	vadd.s32 s11, v16  }
0x28b: {  	v15 =	vor.u32 v19, v15;
	_ =	sdelay $0x3  }
0x28c: {  	[tilespmem:v17+s1+$0x0] =	vst.idx.msk $0xffff, v18  }
0x28d: {  	v16 =	vadd.s32 s24, v16;
	v15 =	vld.idx.msk [tilespmem:v15+s23+$0x0], $0xffff;
	_ =	sdelay $0x2  }
0x28e: {  	s3 =	simm.s32 $0x0  }
0x28f: {  	s29 =	simm.s32 $0x10;
	v17 =	vadd.s32 s3, v4  }
0x290: {  	[tilespmem:v16+s1+$0x0] =	vst.idx.msk $0xffff, v15;
	v16 =	vadd.s32 s29, v4  }
0x291: {  	s30 =	sand.u32 $0x1, s14;
	_ =	swait.ge [sflag:s2], $0x800  }
0x292: {  	s11 =	sshll.u32 s30, $0xB;
	[sflag:s2] =	ssyncset.done $0x0  }
0x293: {  	s3 =	sadd.s32 $0x0, s11;
	[sflag:s2] =	ssyncadd.s32 $0xFFFFF800  }
0x294: {  	v19 =	vor.u32 s3, v4;
	v15 =	vld.idx.msk [tilespmem:v17+s1+$0x0], $0xffff  }
0x295: {  	s12 =	simm.s32 $0x21;
	v18 =	vor.u32 s3, v6;
	v16 =	vld.idx.msk [tilespmem:v16+s1+$0x0], $0xffff  }
0x296: {  	s25 =	simm.s32 $0x2;
	s24 =	simm.s32 $0x1;
	s3 =	simm.s32 $0x31;
	v17 =	vadd.s32 s12, v4  }
.LBB2_46:
0x297: {  	p1 =	sne.s32 s25, $0xF;
	v20 =	vadd.s32 s3, v4;
	_ =	sdelay $0x1  }
0x298: {  	[tilespmem:v19+s18+$0x0] =	vst.idx.msk $0xffff, v15  }
.Ltmp33:
0x299: {  	s3 =	sshll.u32 s24, $0x7;
	s24 =	smov.u32 s25;
	[tilespmem:v18+s18+$0x0] =	vst.idx.msk $0xffff, v16;
	(pc) =	sbr.rel @p1 .LBB2_46-.Ltmp33, $4  }
0x29a: {  	s3 =	sadd.s32 s11, s3;
	v15 =	vld.idx.msk [tilespmem:v17+s1+$0x0], $0xffff  }
0x29b: {  	v19 =	vor.u32 s3, v4;
	v16 =	vld.idx.msk [tilespmem:v20+s1+$0x0], $0xffff  }
0x29c: {  	s12 =	sadd.s32 $0x21, s12;
	v18 =	vor.u32 s3, v6  }
0x29d: {  	s25 =	sadd.s32 $0x1, s25;
	s3 =	sadd.s32 $0x10, s12;
	v17 =	vadd.s32 s12, v4  }
0x29e: {  	_ =	sdelay $0x1  }
0x29f: {  	v20 =	vadd.s32 s3, v4;
	_ =	sdelay $0x1  }
0x2a0: {  	s29 =	sshll.u32 s24, $0x7;
	[tilespmem:v19+s18+$0x0] =	vst.idx.msk $0xffff, v15  }
0x2a1: {  	s3 =	sadd.s32 s11, s29;
	[tilespmem:v18+s18+$0x0] =	vst.idx.msk $0xffff, v16  }
0x2a2: {  	v61 =	vor.u32 s3, v4;
	v15 =	vld.idx.msk [tilespmem:v17+s1+$0x0], $0xffff  }
0x2a3: {  	s14 =	sadd.s32 $0x1, s14;
	v63 =	vor.u32 s3, v6;
	v62 =	vld.idx.msk [tilespmem:v20+s1+$0x0], $0xffff  }
0x2a4: {  	v14 =	vsel vm1, v14, v7;
	p1 =	sne.s32 s14, s28  }
.Ltmp34:
0x2a5: {  	_ = 	snop;
	(pc) =	sbr.rel @p1 .LBB2_43-.Ltmp34, $4  }
0x2a6: {  	_ = 	snop  }
0x2a7: {  	[tilespmem:v61+s18+$0x0] =	vst.idx.msk $0xffff, v15  }
0x2a8: {  	s30 =	sor.u32 $0x19400, s11;
	[tilespmem:v63+s18+$0x0] =	vst.idx.msk $0xffff, v62  }
0x2a9: {  	[hbm4b:s7+s5] =	stream.indirect_vreg.scatter [tilespmem:s30], [sflag:$0x3], $0x80, v14, vm0, $0xb8;
	[tilespmem:$0x1A400] =	vst v63  }
.LBB2_48:
.Ltmp35:
0x2aa: {  	(pc) =	sbr.rel @p0 .LBB2_55-.Ltmp35, $2  }
0x2ab: {  	_ =	sdelay $0x2  }
0x2ac: {  	s28 =	simm.s32 $0x0  }
0x2ad: {  	p1 =	sne.s32 s26, $0x1  }
.Ltmp36:
0x2ae: {  	_ = 	snop;
	(pc) =	sbr.rel @!p1 .LBB2_50-.Ltmp36, $2  }
0x2af: {  	_ =	sdelay $0x2  }
0x2b0: {  	v13 =	vor.u32 s28, v4;
	s12 =	sadd.s32 $0xFFFFFFFF, s26;
	p0 =	por $0x0, $0x0  }
0x2b1: {  	_ =	sdelay $0x3  }
0x2b2: {  	v14 =	vld.idx.msk [tilespmem:v13+s21+$0x0], $0xffff;
	_ =	sdelay $0x4  }
0x2b3: {  	vm1 =	vlt.s32 v13, v12;
	vm2 =	vlt.s32 v14, v3  }
0x2b4: {  	vm3 =	vge.s32 v14, v2;
	vm1 =	vmand vm1, vm2  }
0x2b5: {  	vm1 =	vmand vm1, vm3  }
0x2b6: {  	v15 =	vsel vm1, $0x1, v8  }
0x2b7: {  	(xrf0) =	vadd.scan.msk.s32 $0xffff, v15;
	_ =	sdelay $0x2  }
0x2b8: {  	v15 =	vmov s28  }
0x2b9: {  	p1 =	sne.s32 s12, $0x1;
	v15 =	vadd.s32 $0xFFFFFFFF, v15  }
.Ltmp37:
0x2ba: {  	v16 =	vbroadcast v15, $0x0;
	(pc) =	sbr.rel @!p1 .LBB2_52-.Ltmp37, $4  }
0x2bb: {  	v17, _, _ =	vpop (xrf0)  }
0x2bc: {  	v16 =	vadd.s32 v17, v16;
	(v2sf) =	vpush v17, $0xF  }
0x2bd: {  	s11 =	sadd.s32 $0x10, s28;
	v15 =	vld.idx.msk [tilespmem:v13+s22+$0x0], $0xffff  }
0x2be: {  	s17 =	sadd.s32 $0xFFFFFFFF, s12;
	p0 =	por $0x1, $0x1;
	s14 =	simm.s32 $0x0;
	v14 =	vsub.s32 v14, v2;
	v13 =	vor.u32 s11, v4  }
.LBB2_53:
0x2bf: {  	p1 =	sne.s32 s17, $0x1;
	_ =	sdelay $0x1  }
0x2c0: {  	[tilespmem:v16+s31+$0x0] =	vst.idx.msk vm1, v14  }
0x2c1: {  	[tilespmem:v16+s0+$0x0] =	vst.idx.msk vm1, v15  }
0x2c2: {  	v15 =	vld.idx.msk [tilespmem:v13+s21+$0x0], $0xffff;
	_ =	sdelay $0x5  }
0x2c3: {  	vm1 =	vlt.s32 v13, v12;
	vm2 =	vlt.s32 v15, v3;
	v14 =	vsub.s32 v15, v2  }
0x2c4: {  	vm3 =	vge.s32 v15, v2;
	vm1 =	vmand vm1, vm2  }
0x2c5: {  	vm1 =	vmand vm1, vm3;
	s3 =	spop (v2sf)  }
0x2c6: {  	v15 =	vsel vm1, $0x1, v8;
	s14 =	sadd.s32 s14, s3  }
0x2c7: {  	v16 =	vmov s14;
	(xrf0) =	vadd.scan.msk.s32 $0xffff, v15  }
0x2c8: {  	v15 =	vadd.s32 $0xFFFFFFFF, v16  }
0x2c9: {  	v16 =	vbroadcast v15, $0x0;
	_ =	sdelay $0x2  }
.Ltmp38:
0x2ca: {  	(pc) =	sbr.rel @p1 .LBB2_53-.Ltmp38, $4  }
0x2cb: {  	v17, _, _ =	vpop (xrf0)  }
0x2cc: {  	v15 =	vld.idx.msk [tilespmem:v13+s22+$0x0], $0xffff;
	v16 =	vadd.s32 v17, v16;
	(v2sf) =	vpush v17, $0xF  }
0x2cd: {  	s11 =	sadd.s32 $0x10, s11  }
0x2ce: {  	s17 =	sadd.s32 $0xFFFFFFFF, s17;
	v13 =	vor.u32 s11, v4  }
.LBB2_54:
0x2cf: {  	_ =	sdelay $0x4  }
0x2d0: {  	[tilespmem:v16+s31+$0x0] =	vst.idx.msk @p0 vm1, v14  }
0x2d1: {  	[tilespmem:v16+s0+$0x0] =	vst.idx.msk @p0 vm1, v15  }
0x2d2: {  	v14 =	vld.idx.msk [tilespmem:v13+s21+$0x0], $0xffff;
	_ =	sdelay $0x4  }
0x2d3: {  	vm1 =	vlt.s32 v13, v12;
	vm2 =	vlt.s32 v14, v3  }
0x2d4: {  	vm3 =	vge.s32 v14, v2;
	vm1 =	vmand vm1, vm2  }
0x2d5: {  	vm1 =	vmand vm1, vm3  }
0x2d6: {  	v61 =	vsel vm1, $0x1, v8  }
0x2d7: {  	(xrf0) =	vadd.scan.msk.s32 $0xffff, v61;
	_ =	sdelay $0x5  }
0x2d8: {  	v12, _, _ =	vpop (xrf0)  }
0x2d9: {  	(v2sf) =	vpush v12, $0xF;
	_ =	sdelay $0x2  }
0x2da: {  	s3 =	spop @p0 (v2sf)  }
0x2db: {  	s3 =	sadd.s32 @p0 s14, s3  }
0x2dc: {  	s28 =	smov.u32 @p0 s3  }
0x2dd: {  	v62 =	vmov s28  }
0x2de: {  	v15 =	vadd.s32 $0xFFFFFFFF, v62  }
0x2df: {  	v15 =	vbroadcast v15, $0x0;
	_ =	sdelay $0x1  }
0x2e0: {  	v12 =	vadd.s32 v12, v15  }
0x2e1: {  	v63 =	vld.idx.msk [tilespmem:v13+s22+$0x0], $0xffff;
	_ =	sdelay $0x2  }
0x2e2: {  	v14 =	vsub.s32 v14, v2  }
0x2e3: {  	[tilespmem:v12+s31+$0x0] =	vst.idx.msk vm1, v14;
	s30 =	spop (v2sf)  }
0x2e4: {  	[tilespmem:v12+s0+$0x0] =	vst.idx.msk vm1, v63;
	s28 =	sadd.s32 s28, s30  }
.LBB2_55:
0x2e5: {  	s3 =	sadd.s32 $0xF, s28  }
0x2e6: {  	s11 =	sand.u32 $0xF, s3  }
0x2e7: {  	s12 =	sshra.s32 s3, $0x1F;
	p0 =	slt.s32 s3, $0x1;
	p1 =	sne.s32 s11, $0x0  }
0x2e8: {  	s30 =	sshrl.u32 s12, $0x1C;
	p0 =	por !p0, !p1  }
0x2e9: {  	s11 =	simm.s32 $0x1;
	s3 =	sadd.s32 s30, s3;
	p0 =	por !p0, !p0  }
0x2ea: {  	s3 =	sshra.s32 s3, $0x4;
	s11 =	simm.s32 @!p0 $0x0  }
0x2eb: {  	s26 =	ssub.s32 s3, s11  }
0x2ec: {  	p0 =	slt.s32 s26, $0x1  }
.Ltmp39:
0x2ed: {  	_ = 	snop;
	(pc) =	sbr.rel @p0 .LBB2_62-.Ltmp39, $1  }
0x2ee: {  	_ =	sdelay $0x3  }
0x2ef: {  	v12 =	vmov s28;
	s17 =	simm.s32 $0x0;
	s14 =	simm.s32 $0x0  }
.LBB2_57:
0x2f0: {  	s3 =	sshll.u32 s14, $0x4  }
0x2f1: {  	v13 =	vor.u32 s3, v4  }
0x2f2: {  	vm1 =	vlt.s32 v13, v12  }
0x2f3: {  	v13 =	vnsel vm1, $0x0, v13;
	_ =	sdelay $0x4  }
0x2f4: {  	v14 =	vld.idx.msk [tilespmem:v13+s31+$0x0], $0xffff;
	_ =	sdelay $0x4  }
0x2f5: {  	v16 =	vmov s17;
	v15 =	vand.u32 $0x7F, v14;
	v14 =	vshll.u32 v14, $0x3  }
0x2f6: {  	v17 =	vshll.u32 v16, $0x9;
	v14 =	vand.u32 $0xFFFFFC00, v14;
	v15 =	vor.u32 v5, v15  }
0x2f7: {  	v16 =	vshll.u32 v16, $0x7;
	v14 =	vadd.s32 v14, v15;
	v15 =	vand.u32 $0x3000, v17  }
0x2f8: {  	v16 =	vand.u32 $0x380, v16;
	v15 =	vadd.s32 v15, v14  }
0x2f9: {  	v16 =	vor.u32 v16, v15  }
0x2fa: {  	s11 =	simm.s32 $0x1  }
0x2fb: {  	v17 =	vmov s11  }
0x2fc: {  	v18 =	vshll.u32 v17, $0x9;
	v15 =	vmul.u32 $0x21, v4  }
0x2fd: {  	v17 =	vshll.u32 v17, $0x7;
	v18 =	vand.u32 $0x3000, v18  }
0x2fe: {  	v17 =	vand.u32 $0x380, v17;
	v19 =	vadd.s32 v18, v14;
	v18 =	vadd.s32 s17, v15;
	v16 =	vld.idx.msk [tilespmem:v16+s6+$0x0], $0xffff  }
0x2ff: {  	v17 =	vor.u32 v17, v19;
	_ =	sdelay $0x1  }
0x300: {  	s24 =	simm.s32 $0x2  }
0x301: {  	s12 =	simm.s32 $0x3;
	v13 =	vld.idx.msk [tilespmem:v13+s0+$0x0], $0xffff;
	v19 =	vmov s24  }
.LBB2_58:
0x302: {  	p0 =	sne.s32 s12, $0x1F;
	v20 =	vshll.u32 v19, $0x9;
	[tilespmem:v18+s1+$0x0] =	vst.idx.msk $0xffff, v16  }
0x303: {  	v19 =	vshll.u32 v19, $0x7;
	v18 =	vand.u32 $0x3000, v20;
	v16 =	vld.idx.msk [tilespmem:v17+s6+$0x0], $0xffff  }
.Ltmp40:
0x304: {  	v17 =	vand.u32 $0x380, v19;
	v19 =	vadd.s32 v18, v14;
	v18 =	vadd.s32 s11, v15;
	s11 =	smov.u32 s24;
	s24 =	smov.u32 s12;
	(pc) =	sbr.rel @p0 .LBB2_58-.Ltmp40, $2  }
0x305: {  	v17 =	vor.u32 v17, v19;
	_ =	sdelay $0x2  }
0x306: {  	s12 =	sadd.s32 $0x1, s12;
	v19 =	vmov s24  }
0x307: {  	_ =	sdelay $0x2  }
0x308: {  	v20 =	vshll.u32 v19, $0x9  }
0x309: {  	[tilespmem:v18+s1+$0x0] =	vst.idx.msk $0xffff, v16;
	v18 =	vshll.u32 v19, $0x7;
	v16 =	vand.u32 $0x3000, v20  }
0x30a: {  	v17 =	vld.idx.msk [tilespmem:v17+s6+$0x0], $0xffff;
	v18 =	vand.u32 $0x380, v18;
	v14 =	vadd.s32 v16, v14;
	v16 =	vadd.s32 s11, v15  }
0x30b: {  	v14 =	vor.u32 v18, v14;
	_ =	sdelay $0x3  }
0x30c: {  	[tilespmem:v16+s1+$0x0] =	vst.idx.msk $0xffff, v17  }
0x30d: {  	v15 =	vadd.s32 s24, v15;
	v14 =	vld.idx.msk [tilespmem:v14+s6+$0x0], $0xffff;
	_ =	sdelay $0x2  }
0x30e: {  	s3 =	simm.s32 $0x0  }
0x30f: {  	s29 =	simm.s32 $0x10;
	v16 =	vadd.s32 s3, v4  }
0x310: {  	[tilespmem:v15+s1+$0x0] =	vst.idx.msk $0xffff, v14;
	v15 =	vadd.s32 s29, v4  }
0x311: {  	s30 =	sand.u32 $0x1, s14;
	_ =	swait.ge [sflag:s2], $0x800  }
0x312: {  	s11 =	sshll.u32 s30, $0xB;
	[sflag:s2] =	ssyncset.done $0x0  }
0x313: {  	s3 =	sadd.s32 $0x0, s11;
	[sflag:s2] =	ssyncadd.s32 $0xFFFFF800  }
0x314: {  	v18 =	vor.u32 s3, v4;
	v14 =	vld.idx.msk [tilespmem:v16+s1+$0x0], $0xffff  }
0x315: {  	s12 =	simm.s32 $0x21;
	v17 =	vor.u32 s3, v6;
	v15 =	vld.idx.msk [tilespmem:v15+s1+$0x0], $0xffff  }
0x316: {  	s25 =	simm.s32 $0x2;
	s24 =	simm.s32 $0x1;
	s3 =	simm.s32 $0x31;
	v16 =	vadd.s32 s12, v4  }
.LBB2_60:
0x317: {  	p0 =	sne.s32 s25, $0xF;
	v19 =	vadd.s32 s3, v4;
	_ =	sdelay $0x1  }
0x318: {  	[tilespmem:v18+s18+$0x0] =	vst.idx.msk $0xffff, v14  }
.Ltmp41:
0x319: {  	s3 =	sshll.u32 s24, $0x7;
	s24 =	smov.u32 s25;
	[tilespmem:v17+s18+$0x0] =	vst.idx.msk $0xffff, v15;
	(pc) =	sbr.rel @p0 .LBB2_60-.Ltmp41, $4  }
0x31a: {  	s3 =	sadd.s32 s11, s3;
	v14 =	vld.idx.msk [tilespmem:v16+s1+$0x0], $0xffff  }
0x31b: {  	v18 =	vor.u32 s3, v4;
	v15 =	vld.idx.msk [tilespmem:v19+s1+$0x0], $0xffff  }
0x31c: {  	s12 =	sadd.s32 $0x21, s12;
	v17 =	vor.u32 s3, v6  }
0x31d: {  	s25 =	sadd.s32 $0x1, s25;
	s3 =	sadd.s32 $0x10, s12;
	v16 =	vadd.s32 s12, v4  }
0x31e: {  	_ =	sdelay $0x1  }
0x31f: {  	v19 =	vadd.s32 s3, v4;
	_ =	sdelay $0x1  }
0x320: {  	s29 =	sshll.u32 s24, $0x7;
	[tilespmem:v18+s18+$0x0] =	vst.idx.msk $0xffff, v14  }
0x321: {  	s3 =	sadd.s32 s11, s29;
	[tilespmem:v17+s18+$0x0] =	vst.idx.msk $0xffff, v15  }
0x322: {  	v15 =	vor.u32 s3, v4;
	v14 =	vld.idx.msk [tilespmem:v16+s1+$0x0], $0xffff  }
0x323: {  	s14 =	sadd.s32 $0x1, s14;
	v63 =	vor.u32 s3, v6;
	v62 =	vld.idx.msk [tilespmem:v19+s1+$0x0], $0xffff  }
0x324: {  	v13 =	vsel vm1, v13, v7;
	p0 =	sne.s32 s14, s26  }
.Ltmp42:
0x325: {  	_ = 	snop;
	(pc) =	sbr.rel @p0 .LBB2_57-.Ltmp42, $4  }
.Ltmp43:
0x326: {  	_ = 	snop;
	(pc) =	sbr.rel @!p0 .LBB2_62-.Ltmp43, $4  }
0x327: {  	[tilespmem:v15+s18+$0x0] =	vst.idx.msk $0xffff, v14  }
0x328: {  	s30 =	sor.u32 $0x19400, s11;
	[tilespmem:v63+s18+$0x0] =	vst.idx.msk $0xffff, v62  }
0x329: {  	[hbm4b:s8+s5] =	stream.indirect_vreg.scatter [tilespmem:s30], [sflag:$0x3], $0x80, v13, vm0, $0xb8;
	[tilespmem:$0x1A400] =	vst v63  }
0x32a: {  	_ = 	snop  }
.LBB2_36:
.Ltmp44:
0x32b: {  	(pc) =	sbr.rel .LBB2_40-.Ltmp44, $2  }
0x32c: {  	_ =	sdelay $0x2  }
0x32d: {  	s14 =	simm.s32 $0x0  }
.LBB2_50:
.Ltmp45:
0x32e: {  	(pc) =	sbr.rel .LBB2_54-.Ltmp45, $2  }
0x32f: {  	_ =	sdelay $0x2  }
0x330: {  	s14 =	simm.s32 $0x0  }
.LBB2_38:
.Ltmp46:
0x331: {  	(pc) =	sbr.rel .LBB2_40-.Ltmp46, $2  }
0x332: {  	_ =	sdelay $0x2  }
0x333: {  	s14 =	simm.s32 $0x0  }
.LBB2_52:
.Ltmp47:
0x334: {  	(pc) =	sbr.rel .LBB2_54-.Ltmp47, $2  }
0x335: {  	_ =	sdelay $0x2  }
0x336: {  	s14 =	simm.s32 $0x0  }
.LBB2_63:
0x337: {  	_ =	sfence.sel $0x180000  }
0x338: {  	[bflag:$0x0] =	sbarrier.arrive $0xFFFF  }
0x339: {  	_ =	strace $0x90000047  }
0x33a: {  	s0 =	stileid.u32;
	[bflag:$0x2] =	sbarrier.arrive $0xFFFF  }
0x33b: {  	p0 =	sne.s32 s0, $0x0;
	s0 =	rddreg [dreg:$0x5]  }
0x33c: {  	s0 =	sadd.s32 @!p0 $0x100000, s0  }
0x33d: {  	[sflag:s0] =	ssyncadd.tile.s32 @!p0 $0x1;
	_ =	shalt  }
.Lfunc_end2:
_tile_overlayer_lowered:
.L_overlay_start_2:
0x33e: {  	(tag) =	ssettag $0x2  }
0x33f: {  	s0 =	rddreg [dreg:$0x0];
	s2 =	stileid.u32  }
0x340: {  	s1 =	rddreg [dreg:$0x1];
	p0 =	sne.s32 s2, $0x0  }
0x341: {  	s3 =	rddreg [dreg:$0x2];
	[bflag:$0x3] =	sbarrier.arrive $0xFFFF;
	s2 =	simm.s32 @!p0 $0x1C04  }
0x342: {  	[timem:s3], [sflag:s2] =	dma.local @!p0 [hbm:s0], s1  }
0x343: {  	s0 =	simm.s32 @!p0 $0x4  }
0x344: {  	_ =	swait.ge @!p0 [sflag:s0], s1  }
0x345: {  	s1 =	ssub.s32 @!p0 $0x0, s1;
	[sflag:s0] =	ssyncset.done @!p0 $0x0  }
0x346: {  	[sflag:s0] =	ssyncadd.s32 @!p0 s1  }
0x347: {  	[bflag:$0x3] =	sbarrier.arrive $0xFFFF  }
0x348: {  	_ =	shalt  }

</sc_bundles>
